<compile_context>
chip_gen: v7x
topology: tpu7x:2x2x1
jax: 0.10.2.dev20260603
libtpu: 0.0.44.dev20260713+nightly
codegen_flags: <defaults>
</compile_context>

<pallas_src>
import functools

import jax
import jax.numpy as jnp
from jax import lax
from jax.experimental import pallas as pl
from jax.experimental.pallas import tpu as pltpu
from jax.experimental.pallas import tpu_sc as plsc

M = 1_000_000
D = 64
B = 16384

NC, NS, L = 2, 16, 16
NW = NC * NS
RB = 31248
RMAX = M - (NW - 1) * RB
CAP = 832
GRP = 64
NGRP = CAP // GRP
ICH = 2048
NICH = B // ICH

def _body(idx_hbm, val_hbm, new_mem_hbm, gathered_hbm,
          ibuf, list_i, list_j, stamp, i2d, j2d, w2d, rowbuf,
          sem_g, sem_s):
    wid = lax.axis_index("s") * NC + lax.axis_index("c")
    lo = wid * RB
    hi = jnp.where(wid == NW - 1, M, lo + RB)
    iota = lax.iota(jnp.int32, L)

    def chunk_body(c, off):
        pltpu.sync_copy(idx_hbm.at[pl.ds(c * ICH, ICH)], ibuf)

        def scan_body(g, off):
            x = ibuf[pl.ds(g * L, L)]
            m = (x >= lo) & (x < hi)
            mi = m.astype(jnp.int32)
            dest = jnp.minimum(off + plsc.cumsum(mi) - 1, CAP + L - 1)
            plsc.store_scatter(list_i, [dest], x, mask=m)
            plsc.store_scatter(list_j, [dest], c * ICH + g * L + iota, mask=m)
            return jnp.minimum(off + jnp.sum(mi), CAP)

        return lax.fori_loop(0, ICH // L, scan_body, off)

    k_cnt = lax.fori_loop(0, NICH, chunk_body, jnp.int32(0))

    @pl.when(k_cnt > 0)
    def _phases_cdeg():
        e0 = list_i[pl.ds(0, L)]
        f0 = list_j[pl.ds(0, L)]
        x0 = jnp.sum(jnp.where(iota == 0, e0, 0))
        j0 = jnp.sum(jnp.where(iota == 0, f0, 0))
        x0v = jnp.zeros((L,), jnp.int32) + x0
        j0v = jnp.zeros((L,), jnp.int32) + j0

        def pad_body(p, _):
            pos = p * L + iota
            m = pos >= k_cnt
            plsc.store_scatter(list_i, [pos], x0v, mask=m)
            plsc.store_scatter(list_j, [pos], j0v, mask=m)
            return 0

        lax.fori_loop(0, (CAP + L) // L, pad_body, 0)

        sent = jnp.int32(0x7FFFFFFF)
        shift_key = jnp.bitwise_and(iota + 15, L - 1)

        def stamp_body(p, _):
            x = list_i[pl.ds(p * L, L)]
            jv = list_j[pl.ds(p * L, L)]
            pos = p * L + iota
            valid = pos < k_cnt
            key = jnp.where(valid, (x - lo) * 16 + iota, sent)
            sk, sj = plsc.sort_key_val(key, jv)
            srow = lax.shift_right_logical(sk, 4)
            _, nrow = plsc.sort_key_val(shift_key, srow)
            svalid = sk != sent
            is_last = (srow != nrow) | (iota == L - 1)
            keep = svalid & is_last
            plsc.store_scatter(stamp, [srow], sj, mask=keep)
            return 0

        lax.fori_loop(0, (CAP + L) // L, stamp_body, 0)

        for p in range(CAP // L):
            x = list_i[pl.ds(p * L, L)]
            jv = list_j[pl.ds(p * L, L)]
            w = plsc.load_gather(stamp, [x - lo])
            r, c = p // (GRP // L), (p % (GRP // L)) * L
            i2d[r, pl.ds(c, L)] = x
            j2d[r, pl.ds(c, L)] = jv
            w2d[r, pl.ds(c, L)] = w

        for g in range(NGRP):
            pltpu.async_copy(val_hbm.at[w2d.at[g]], rowbuf, sem_g).wait()
            pltpu.async_copy(rowbuf, new_mem_hbm.at[i2d.at[g]], sem_s).wait()
            pltpu.async_copy(rowbuf, gathered_hbm.at[j2d.at[g]], sem_s).wait()


def _sc_scatter():
    mesh = plsc.VectorSubcoreMesh(core_axis_name="c", subcore_axis_name="s")
    return functools.partial(
        pl.kernel,
        out_type=jax.ShapeDtypeStruct((B, D), jnp.float32),
        mesh=mesh,
        compiler_params=pltpu.CompilerParams(
            needs_layout_passes=False, use_tc_tiling_on_sc=False),
        scratch_types=[
            pltpu.VMEM((ICH,), jnp.int32),
            pltpu.VMEM((CAP + L,), jnp.int32),
            pltpu.VMEM((CAP + L,), jnp.int32),
            pltpu.VMEM((RMAX,), jnp.int32),
            pltpu.VMEM((NGRP, GRP), jnp.int32),
            pltpu.VMEM((NGRP, GRP), jnp.int32),
            pltpu.VMEM((NGRP, GRP), jnp.int32),
            pltpu.VMEM((GRP, D), jnp.float32),
            pltpu.SemaphoreType.DMA,
            pltpu.SemaphoreType.DMA,
        ],
    )(_body)


@jax.jit
def _impl(mem, idx, val):
    new_ref = jax.new_ref(mem)
    gathered = _sc_scatter()(idx, val, new_ref)
    return jax.freeze(new_ref), gathered


def kernel(mem, idx, val):
    return _impl(mem, idx.astype(jnp.int32), val)

# --- scband reference (transcript-rebuilt; emitter-appended) ---
"""Pipeline reference for scband-graph-explorer-42889543418334 (READ-ONLY COPY).

The authoritative reference and input builder live on the scoring server;
editing this copy changes nothing except your own understanding.
"""

import jax, jax.numpy as jnp
import numpy as np

M = 1000000
D = 64
B = 16384

def setup_inputs(seed: int = 0) -> dict:
    key = jax.random.key(seed)
    k1, k2, k3 = jax.random.split(key, 3)
    mem = jax.random.normal(k1, (M, D), dtype=jnp.float32)
    idx = jax.random.randint(k2, (B,), 0, M, dtype=jnp.int64) if jax.config.read('jax_enable_x64') else jax.random.randint(k2, (B,), 0, M, dtype=jnp.int32)
    val = jax.random.normal(k3, (B, D), dtype=jnp.float32)
    return {"mem": mem, "idx": idx, "val": val}

def reference(mem, idx, val):
    # Core scatter-memory pattern distilled from GraphExplorer.forward:
    #   exists[order, curr, prev] = bond ; exists[order, prev, curr] = bond
    # i.e. indexed scatter-overwrite into a persistent memory buffer,
    # followed by a gather readback of the written rows (exists[order, curr, :]).
    new_mem = mem.at[idx].set(val)          # scatter-overwrite (row write)
    gathered = jnp.take(new_mem, idx, axis=0)  # gather readback of written rows
    return new_mem, gathered

if __name__ == "__main__":
    import jax
    _d = setup_inputs()
    print(jax.jit(kernel)(*tuple(_d.values())))

</pallas_src>

<mosaic_0001>
#map = affine_map<(d0, d1) -> (0)>
#map1 = affine_map<(d0, d1) -> (0, 0)>
module attributes {stable_mosaic.version = 14 : i64} {
  func.func @new_body(%arg0: i32, %arg1: i32, %arg2: memref<16384xi32, #tpu.memory_space<hbm>>, %arg3: memref<16384x64xf32, #tpu.memory_space<hbm>>, %arg4: memref<1000000x64xf32, #tpu.memory_space<hbm>>, %arg5: memref<16384x64xf32, #tpu.memory_space<hbm>>, %arg6: memref<1000000x64xf32, #tpu.memory_space<hbm>>, %arg7: memref<2048xi32, #tpu.memory_space<vmem>>, %arg8: memref<848xi32, #tpu.memory_space<vmem>>, %arg9: memref<848xi32, #tpu.memory_space<vmem>>, %arg10: memref<31312xi32, #tpu.memory_space<vmem>>, %arg11: memref<13x64xi32, #tpu.memory_space<vmem>>, %arg12: memref<13x64xi32, #tpu.memory_space<vmem>>, %arg13: memref<13x64xi32, #tpu.memory_space<vmem>>, %arg14: memref<64x64xf32, #tpu.memory_space<vmem>>, %arg15: memref<!tpu.dma_semaphore, #tpu.memory_space<semaphore_mem>>, %arg16: memref<!tpu.dma_semaphore, #tpu.memory_space<semaphore_mem>>) attributes {dimension_semantics = [#tpu.dimension_semantics<core_parallel>, #tpu.dimension_semantics<subcore_parallel>], iteration_bounds = array<i64: 2, 16>, scalar_prefetch = 0 : i64, scratch_operands = 10 : i64, tpu.core_type = #tpu.core_type<sc_vector_subcore>, window_params = [{transform_indices = #map}, {transform_indices = #map1}, {transform_indices = #map1}, {transform_indices = #map1}, {transform_indices = #map1}]} {
    %mul3A = arith.constant 2 : i32
    %mul3A_0 = arith.muli %arg1, %mul3A : i32
    %add3A = arith.addi %mul3A_0, %arg0 : i32
    %mul3A_1 = arith.constant 31248 : i32
    %mul3A_2 = arith.muli %add3A, %mul3A_1 : i32
    %eq3A = arith.constant 31 : i32
    %eq3A_3 = arith.cmpi eq, %add3A, %eq3A : i32
    %add3A_4 = arith.constant 31248 : i32
    %add3A_5 = arith.addi %mul3A_2, %add3A_4 : i32
    %jit3A = arith.constant 1000000 : i32
    %select_n3A = arith.select %eq3A_3, %jit3A, %add3A_5 : i32
    %iota3A = tpu.iota {dimensions = array<i32: 0>} : vector<16xi32>
    %scan3A = arith.constant 0 : i32
    %scan3A_6 = arith.constant 0 : i32
    %scan3A_7 = arith.constant 8 : i32
    %scan3A_8 = arith.addi %scan3A_6, %scan3A_7 : i32
    %scan3A_9 = arith.constant 1 : i32
    %scan3A_10 = scf.for %scan3A_14 = %scan3A_6 to %scan3A_8 step %scan3A_9 iter_args(%scan3A_15 = %scan3A) -> (i32)  : i32 {
      %mul3A_16 = arith.constant 2048 : i32
      %mul3A_17 = arith.muli %scan3A_14, %mul3A_16 : i32
      "tpu.region"() ({
        %run_scoped3A = tpu.sem_alloc : memref<!tpu.dma_semaphore, #tpu.memory_space<semaphore_mem>>
        %dma_start3A = tpu.memref_slice %arg2[%mul3A_17] : memref<16384xi32, #tpu.memory_space<hbm>> -> memref<2048xi32, #tpu.memory_space<hbm>>
        %dma_start3A_24 = tpu.memref_slice %arg2[%mul3A_17] : memref<16384xi32, #tpu.memory_space<hbm>> -> memref<2048xi32, #tpu.memory_space<hbm>>
        tpu.enqueue_dma source(%dma_start3A_24 : memref<2048xi32, #tpu.memory_space<hbm>>) target(%arg7 : memref<2048xi32, #tpu.memory_space<vmem>>) target_semaphore(%run_scoped3A : memref<!tpu.dma_semaphore, #tpu.memory_space<semaphore_mem>>)
        %dma_wait3A = tpu.memref_slice %arg2[%mul3A_17] : memref<16384xi32, #tpu.memory_space<hbm>> -> memref<2048xi32, #tpu.memory_space<hbm>>
        %dma_wait3A_25 = tpu.memref_slice %arg2[%mul3A_17] : memref<16384xi32, #tpu.memory_space<hbm>> -> memref<2048xi32, #tpu.memory_space<hbm>>
        tpu.wait_dma2 semaphore(%run_scoped3A : memref<!tpu.dma_semaphore, #tpu.memory_space<semaphore_mem>>) src(%dma_wait3A_25 : memref<2048xi32, #tpu.memory_space<hbm>>) dst(%arg7 : memref<2048xi32, #tpu.memory_space<vmem>>)
        tpu.yield
      }) : () -> ()
      %scan3A_18 = arith.constant 0 : i32
      %scan3A_19 = arith.constant 128 : i32
      %scan3A_20 = arith.addi %scan3A_18, %scan3A_19 : i32
      %scan3A_21 = arith.constant 1 : i32
      %scan3A_22 = scf.for %scan3A_24 = %scan3A_18 to %scan3A_20 step %scan3A_21 iter_args(%scan3A_25 = %scan3A_15) -> (i32)  : i32 {
        %mul3A_26 = arith.constant 16 : i32
        %mul3A_27 = arith.muli %scan3A_24, %mul3A_26 : i32
        %get3A = arith.index_cast %mul3A_27 : i32 to index
        %get3A_28 = tpu.vector_load %arg7[%get3A] {strides = array<i32>} : memref<2048xi32, #tpu.memory_space<vmem>>, vector<16xi32>,
        %ge3A = vector.broadcast %mul3A_2 : i32 to vector<16xi32>
        %ge3A_29 = arith.cmpi sge, %get3A_28, %ge3A : vector<16xi32>
        %lt3A = vector.broadcast %select_n3A : i32 to vector<16xi32>
        %lt3A_30 = arith.cmpi slt, %get3A_28, %lt3A : vector<16xi32>
        %and3A = arith.andi %ge3A_29, %lt3A_30 : vector<16xi1>
        %convert_element_type3A_31 = arith.extui %and3A : vector<16xi1> to vector<16xi32>
        %broadcast_in_dim3A = arith.constant true
        %broadcast_in_dim3A_32 = vector.broadcast %broadcast_in_dim3A : i1 to vector<16xi1>
        %masked_cumsum3A = tpu.scan <sum>, %convert_element_type3A_31 masked %broadcast_in_dim3A_32 : vector<16xi32>, vector<16xi1> -> vector<16xi32>
        %add3A_33 = vector.broadcast %scan3A_25 : i32 to vector<16xi32>
        %add3A_34 = arith.addi %add3A_33, %masked_cumsum3A : vector<16xi32>
        %sub3A = arith.constant 1 : i32
        %sub3A_35 = vector.broadcast %sub3A : i32 to vector<16xi32>
        %sub3A_36 = arith.subi %add3A_34, %sub3A_35 : vector<16xi32>
        %min3A = arith.constant 847 : i32
        %min3A_37 = vector.broadcast %min3A : i32 to vector<16xi32>
        %min3A_38 = arith.minsi %sub3A_36, %min3A_37 : vector<16xi32>
        tpu.vector_store_idx %arg8[%min3A_38], %get3A_28 masked %and3A : memref<848xi32, #tpu.memory_space<vmem>>[vector<16xi32>], vector<16xi32>, vector<16xi1>
        %mul3A_39 = arith.constant 2048 : i32
        %mul3A_40 = arith.muli %scan3A_14, %mul3A_39 : i32
        %mul3A_41 = arith.constant 16 : i32
        %mul3A_42 = arith.muli %scan3A_24, %mul3A_41 : i32
        %add3A_43 = arith.addi %mul3A_40, %mul3A_42 : i32
        %add3A_44 = vector.broadcast %add3A_43 : i32 to vector<16xi32>
        %add3A_45 = arith.addi %add3A_44, %iota3A : vector<16xi32>
        tpu.vector_store_idx %arg9[%min3A_38], %add3A_45 masked %and3A : memref<848xi32, #tpu.memory_space<vmem>>[vector<16xi32>], vector<16xi32>, vector<16xi1>
        %reduce_sum3A = arith.constant true
        %reduce_sum3A_46 = vector.broadcast %reduce_sum3A : i1 to vector<16xi1>
        %reduce_sum3A_47 = tpu.scan <sum>, %convert_element_type3A_31 masked %reduce_sum3A_46 : vector<16xi32>, vector<16xi1> -> vector<16xi32>
        %reduce_sum3A_48 = vector.extract %reduce_sum3A_47[15] : i32 from vector<16xi32>
        %add3A_49 = arith.addi %scan3A_25, %reduce_sum3A_48 : i32
        %min3A_50 = arith.constant 832 : i32
        %min3A_51 = arith.minsi %add3A_49, %min3A_50 : i32
        scf.yield %min3A_51 : i32
      }
      %scan3A_23 = arith.constant 128 : i32
      scf.yield %scan3A_22 : i32
    }
    %scan3A_11 = arith.constant 8 : i32
    %gt3A = arith.constant 0 : i32
    %gt3A_12 = arith.cmpi sgt, %scan3A_10, %gt3A : i32
    %convert_element_type3A = arith.extui %gt3A_12 : i1 to i32
    %cond3A = arith.constant 0 : i32
    %cond3A_13 = arith.cmpi ne, %convert_element_type3A, %cond3A : i32
    scf.if %cond3A_13 {
      %get3A = arith.constant 0 : index
      %get3A_14 = tpu.vector_load %arg8[%get3A] {strides = array<i32>} : memref<848xi32, #tpu.memory_space<vmem>>, vector<16xi32>,
      %get3A_15 = arith.constant 0 : index
      %get3A_16 = tpu.vector_load %arg9[%get3A_15] {strides = array<i32>} : memref<848xi32, #tpu.memory_space<vmem>>, vector<16xi32>,
      %eq3A_17 = arith.constant 0 : i32
      %eq3A_18 = vector.broadcast %eq3A_17 : i32 to vector<16xi32>
      %eq3A_19 = arith.cmpi eq, %iota3A, %eq3A_18 : vector<16xi32>
      %jit3A_20 = arith.constant 0 : i32
      %broadcast_in_dim3A = vector.broadcast %jit3A_20 : i32 to vector<16xi32>
      %select_n3A_21 = arith.select %eq3A_19, %get3A_14, %broadcast_in_dim3A : vector<16xi1>, vector<16xi32>
      %reduce_sum3A = arith.constant true
      %reduce_sum3A_22 = vector.broadcast %reduce_sum3A : i1 to vector<16xi1>
      %reduce_sum3A_23 = tpu.scan <sum>, %select_n3A_21 masked %reduce_sum3A_22 : vector<16xi32>, vector<16xi1> -> vector<16xi32>
      %reduce_sum3A_24 = vector.extract %reduce_sum3A_23[15] : i32 from vector<16xi32>
      %eq3A_25 = arith.constant 0 : i32
      %eq3A_26 = vector.broadcast %eq3A_25 : i32 to vector<16xi32>
      %eq3A_27 = arith.cmpi eq, %iota3A, %eq3A_26 : vector<16xi32>
      %jit3A_28 = arith.constant 0 : i32
      %broadcast_in_dim3A_29 = vector.broadcast %jit3A_28 : i32 to vector<16xi32>
      %select_n3A_30 = arith.select %eq3A_27, %get3A_16, %broadcast_in_dim3A_29 : vector<16xi1>, vector<16xi32>
      %reduce_sum3A_31 = arith.constant true
      %reduce_sum3A_32 = vector.broadcast %reduce_sum3A_31 : i1 to vector<16xi1>
      %reduce_sum3A_33 = tpu.scan <sum>, %select_n3A_30 masked %reduce_sum3A_32 : vector<16xi32>, vector<16xi1> -> vector<16xi32>
      %reduce_sum3A_34 = vector.extract %reduce_sum3A_33[15] : i32 from vector<16xi32>
      %broadcast_in_dim3A_35 = arith.constant 0 : i32
      %broadcast_in_dim3A_36 = vector.broadcast %broadcast_in_dim3A_35 : i32 to vector<16xi32>
      %add3A_37 = vector.broadcast %reduce_sum3A_24 : i32 to vector<16xi32>
      %add3A_38 = arith.addi %broadcast_in_dim3A_36, %add3A_37 : vector<16xi32>
      %broadcast_in_dim3A_39 = arith.constant 0 : i32
      %broadcast_in_dim3A_40 = vector.broadcast %broadcast_in_dim3A_39 : i32 to vector<16xi32>
      %add3A_41 = vector.broadcast %reduce_sum3A_34 : i32 to vector<16xi32>
      %add3A_42 = arith.addi %broadcast_in_dim3A_40, %add3A_41 : vector<16xi32>
      %scan3A_43 = arith.constant 0 : i32
      %scan3A_44 = arith.constant 0 : i32
      %scan3A_45 = arith.constant 53 : i32
      %scan3A_46 = arith.addi %scan3A_44, %scan3A_45 : i32
      %scan3A_47 = arith.constant 1 : i32
      %scan3A_48 = scf.for %scan3A_1592 = %scan3A_44 to %scan3A_46 step %scan3A_47 iter_args(%scan3A_1593 = %scan3A_43) -> (i32)  : i32 {
        %mul3A_1594 = arith.constant 16 : i32
        %mul3A_1595 = arith.muli %scan3A_1592, %mul3A_1594 : i32
        %add3A_1596 = vector.broadcast %mul3A_1595 : i32 to vector<16xi32>
        %add3A_1597 = arith.addi %add3A_1596, %iota3A : vector<16xi32>
        %ge3A = vector.broadcast %scan3A_10 : i32 to vector<16xi32>
        %ge3A_1598 = arith.cmpi sge, %add3A_1597, %ge3A : vector<16xi32>
        tpu.vector_store_idx %arg8[%add3A_1597], %add3A_38 masked %ge3A_1598 : memref<848xi32, #tpu.memory_space<vmem>>[vector<16xi32>], vector<16xi32>, vector<16xi1>
        tpu.vector_store_idx %arg9[%add3A_1597], %add3A_42 masked %ge3A_1598 : memref<848xi32, #tpu.memory_space<vmem>>[vector<16xi32>], vector<16xi32>, vector<16xi1>
        %scan3A_1599 = arith.constant 0 : i32
        scf.yield %scan3A_1599 : i32
      }
      %scan3A_49 = arith.constant 53 : i32
      %add3A_50 = arith.constant 15 : i32
      %add3A_51 = vector.broadcast %add3A_50 : i32 to vector<16xi32>
      %add3A_52 = arith.addi %iota3A, %add3A_51 : vector<16xi32>
      %and3A = arith.constant 15 : i32
      %and3A_53 = vector.broadcast %and3A : i32 to vector<16xi32>
      %and3A_54 = arith.andi %add3A_52, %and3A_53 : vector<16xi32>
      %scan3A_55 = arith.constant 2147483647 : i32
      %scan3A_56 = arith.constant 0 : i32
      %scan3A_57 = arith.constant 0 : i32
      %scan3A_58 = arith.constant 53 : i32
      %scan3A_59 = arith.addi %scan3A_57, %scan3A_58 : i32
      %scan3A_60 = arith.constant 1 : i32
      %scan3A_61 = scf.for %scan3A_1592 = %scan3A_57 to %scan3A_59 step %scan3A_60 iter_args(%scan3A_1593 = %scan3A_56) -> (i32)  : i32 {
        %mul3A_1594 = arith.constant 16 : i32
        %mul3A_1595 = arith.muli %scan3A_1592, %mul3A_1594 : i32
        %get3A_1596 = arith.index_cast %mul3A_1595 : i32 to index
        %get3A_1597 = tpu.vector_load %arg8[%get3A_1596] {strides = array<i32>} : memref<848xi32, #tpu.memory_space<vmem>>, vector<16xi32>,
        %mul3A_1598 = arith.constant 16 : i32
        %mul3A_1599 = arith.muli %scan3A_1592, %mul3A_1598 : i32
        %get3A_1600 = arith.index_cast %mul3A_1599 : i32 to index
        %get3A_1601 = tpu.vector_load %arg9[%get3A_1600] {strides = array<i32>} : memref<848xi32, #tpu.memory_space<vmem>>, vector<16xi32>,
        %mul3A_1602 = arith.constant 16 : i32
        %mul3A_1603 = arith.muli %scan3A_1592, %mul3A_1602 : i32
        %add3A_1604 = vector.broadcast %mul3A_1603 : i32 to vector<16xi32>
        %add3A_1605 = arith.addi %add3A_1604, %iota3A : vector<16xi32>
        %lt3A = vector.broadcast %scan3A_10 : i32 to vector<16xi32>
        %lt3A_1606 = arith.cmpi slt, %add3A_1605, %lt3A : vector<16xi32>
        %sub3A_1607 = vector.broadcast %mul3A_2 : i32 to vector<16xi32>
        %sub3A_1608 = arith.subi %get3A_1597, %sub3A_1607 : vector<16xi32>
        %mul3A_1609 = arith.constant 16 : i32
        %mul3A_1610 = vector.broadcast %mul3A_1609 : i32 to vector<16xi32>
        %mul3A_1611 = arith.muli %sub3A_1608, %mul3A_1610 : vector<16xi32>
        %add3A_1612 = arith.addi %mul3A_1611, %iota3A : vector<16xi32>
        %broadcast_in_dim3A_1613 = vector.broadcast %scan3A_55 : i32 to vector<16xi32>
        %select_n3A_1614 = arith.select %lt3A_1606, %add3A_1612, %broadcast_in_dim3A_1613 : vector<16xi1>, vector<16xi32>
        %masked_sort3A = arith.constant dense<true> : vector<16xi1>
        %masked_sort3A_1615 = arith.constant -2147483648 : i32
        %masked_sort3A_1616 = vector.broadcast %masked_sort3A_1615 : i32 to vector<16xi32>
        %masked_sort3A_1617 = arith.xori %select_n3A_1614, %masked_sort3A_1616 : vector<16xi32>
        %masked_sort3A_1618, %masked_sort3A_1619, %masked_sort3A_1620 = tpu.sort %masked_sort3A_1617, %get3A_1601 masked %masked_sort3A : (vector<16xi32>, vector<16xi32>, vector<16xi1>) -> (vector<16xi1>, vector<16xi32>, vector<16xi32>)
        %masked_sort3A_1621 = arith.xori %masked_sort3A_1619, %masked_sort3A_1616 : vector<16xi32>
        %shift_right_logical3A = arith.constant 4 : i32
        %shift_right_logical3A_1622 = vector.broadcast %shift_right_logical3A : i32 to vector<16xi32>
        %shift_right_logical3A_1623 = arith.shrui %masked_sort3A_1621, %shift_right_logical3A_1622 : vector<16xi32>
        %masked_sort3A_1624 = arith.constant dense<true> : vector<16xi1>
        %masked_sort3A_1625 = arith.constant -2147483648 : i32
        %masked_sort3A_1626 = vector.broadcast %masked_sort3A_1625 : i32 to vector<16xi32>
        %masked_sort3A_1627 = arith.xori %and3A_54, %masked_sort3A_1626 : vector<16xi32>
        %masked_sort3A_1628, %masked_sort3A_1629, %masked_sort3A_1630 = tpu.sort %masked_sort3A_1627, %shift_right_logical3A_1623 masked %masked_sort3A_1624 : (vector<16xi32>, vector<16xi32>, vector<16xi1>) -> (vector<16xi1>, vector<16xi32>, vector<16xi32>)
        %masked_sort3A_1631 = arith.xori %masked_sort3A_1629, %masked_sort3A_1626 : vector<16xi32>
        %ne3A = vector.broadcast %scan3A_55 : i32 to vector<16xi32>
        %ne3A_1632 = arith.cmpi ne, %masked_sort3A_1621, %ne3A : vector<16xi32>
        %ne3A_1633 = arith.cmpi ne, %shift_right_logical3A_1623, %masked_sort3A_1630 : vector<16xi32>
        %eq3A_1634 = arith.constant 15 : i32
        %eq3A_1635 = vector.broadcast %eq3A_1634 : i32 to vector<16xi32>
        %eq3A_1636 = arith.cmpi eq, %iota3A, %eq3A_1635 : vector<16xi32>
        %or3A = arith.ori %ne3A_1633, %eq3A_1636 : vector<16xi1>
        %and3A_1637 = arith.andi %ne3A_1632, %or3A : vector<16xi1>
        tpu.vector_store_idx %arg10[%shift_right_logical3A_1623], %masked_sort3A_1620 masked %and3A_1637 : memref<31312xi32, #tpu.memory_space<vmem>>[vector<16xi32>], vector<16xi32>, vector<16xi1>
        %scan3A_1638 = arith.constant 0 : i32
        scf.yield %scan3A_1638 : i32
      }
      %scan3A_62 = arith.constant 53 : i32
      %get3A_63 = arith.constant 0 : index
      %get3A_64 = tpu.vector_load %arg8[%get3A_63] {strides = array<i32>} : memref<848xi32, #tpu.memory_space<vmem>>, vector<16xi32>,
      %get3A_65 = arith.constant 0 : index
      %get3A_66 = tpu.vector_load %arg9[%get3A_65] {strides = array<i32>} : memref<848xi32, #tpu.memory_space<vmem>>, vector<16xi32>,
      %sub3A = vector.broadcast %mul3A_2 : i32 to vector<16xi32>
      %sub3A_67 = arith.subi %get3A_64, %sub3A : vector<16xi32>
      %gather3A = tpu.vector_load_idx %arg10[%sub3A_67] : memref<31312xi32, #tpu.memory_space<vmem>>[vector<16xi32>], vector<16xi32>,
      %swap3A = arith.constant 0 : i32
      %swap3A_68 = arith.index_cast %swap3A : i32 to index
      %swap3A_69 = arith.constant 0 : index
      %swap3A_70 = tpu.vector_load %arg11[%swap3A_68, %swap3A_69] {strides = array<i32>} : memref<13x64xi32, #tpu.memory_space<vmem>>, vector<16xi32>,
      tpu.vector_store %arg11[%swap3A_68, %swap3A_69], %get3A_64 {strides = array<i32>} : memref<13x64xi32, #tpu.memory_space<vmem>>, vector<16xi32>,
      %swap3A_71 = arith.constant 0 : i32
      %swap3A_72 = arith.index_cast %swap3A_71 : i32 to index
      %swap3A_73 = arith.constant 0 : index
      %swap3A_74 = tpu.vector_load %arg12[%swap3A_72, %swap3A_73] {strides = array<i32>} : memref<13x64xi32, #tpu.memory_space<vmem>>, vector<16xi32>,
      tpu.vector_store %arg12[%swap3A_72, %swap3A_73], %get3A_66 {strides = array<i32>} : memref<13x64xi32, #tpu.memory_space<vmem>>, vector<16xi32>,
      %swap3A_75 = arith.constant 0 : i32
      %swap3A_76 = arith.index_cast %swap3A_75 : i32 to index
      %swap3A_77 = arith.constant 0 : index
      %swap3A_78 = tpu.vector_load %arg13[%swap3A_76, %swap3A_77] {strides = array<i32>} : memref<13x64xi32, #tpu.memory_space<vmem>>, vector<16xi32>,
      tpu.vector_store %arg13[%swap3A_76, %swap3A_77], %gather3A {strides = array<i32>} : memref<13x64xi32, #tpu.memory_space<vmem>>, vector<16xi32>,
      %get3A_79 = arith.constant 16 : index
      %get3A_80 = tpu.vector_load %arg8[%get3A_79] {strides = array<i32>} : memref<848xi32, #tpu.memory_space<vmem>>, vector<16xi32>,
      %get3A_81 = arith.constant 16 : index
      %get3A_82 = tpu.vector_load %arg9[%get3A_81] {strides = array<i32>} : memref<848xi32, #tpu.memory_space<vmem>>, vector<16xi32>,
      %sub3A_83 = vector.broadcast %mul3A_2 : i32 to vector<16xi32>
      %sub3A_84 = arith.subi %get3A_80, %sub3A_83 : vector<16xi32>
      %gather3A_85 = tpu.vector_load_idx %arg10[%sub3A_84] : memref<31312xi32, #tpu.memory_space<vmem>>[vector<16xi32>], vector<16xi32>,
      %swap3A_86 = arith.constant 0 : i32
      %swap3A_87 = arith.index_cast %swap3A_86 : i32 to index
      %swap3A_88 = arith.constant 16 : index
      %swap3A_89 = tpu.vector_load %arg11[%swap3A_87, %swap3A_88] {strides = array<i32>} : memref<13x64xi32, #tpu.memory_space<vmem>>, vector<16xi32>,
      tpu.vector_store %arg11[%swap3A_87, %swap3A_88], %get3A_80 {strides = array<i32>} : memref<13x64xi32, #tpu.memory_space<vmem>>, vector<16xi32>,
      %swap3A_90 = arith.constant 0 : i32
      %swap3A_91 = arith.index_cast %swap3A_90 : i32 to index
      %swap3A_92 = arith.constant 16 : index
      %swap3A_93 = tpu.vector_load %arg12[%swap3A_91, %swap3A_92] {strides = array<i32>} : memref<13x64xi32, #tpu.memory_space<vmem>>, vector<16xi32>,
      tpu.vector_store %arg12[%swap3A_91, %swap3A_92], %get3A_82 {strides = array<i32>} : memref<13x64xi32, #tpu.memory_space<vmem>>, vector<16xi32>,
      %swap3A_94 = arith.constant 0 : i32
      %swap3A_95 = arith.index_cast %swap3A_94 : i32 to index
      %swap3A_96 = arith.constant 16 : index
      %swap3A_97 = tpu.vector_load %arg13[%swap3A_95, %swap3A_96] {strides = array<i32>} : memref<13x64xi32, #tpu.memory_space<vmem>>, vector<16xi32>,
      tpu.vector_store %arg13[%swap3A_95, %swap3A_96], %gather3A_85 {strides = array<i32>} : memref<13x64xi32, #tpu.memory_space<vmem>>, vector<16xi32>,
      %get3A_98 = arith.constant 32 : index
      %get3A_99 = tpu.vector_load %arg8[%get3A_98] {strides = array<i32>} : memref<848xi32, #tpu.memory_space<vmem>>, vector<16xi32>,
      %get3A_100 = arith.constant 32 : index
      %get3A_101 = tpu.vector_load %arg9[%get3A_100] {strides = array<i32>} : memref<848xi32, #tpu.memory_space<vmem>>, vector<16xi32>,
      %sub3A_102 = vector.broadcast %mul3A_2 : i32 to vector<16xi32>
      %sub3A_103 = arith.subi %get3A_99, %sub3A_102 : vector<16xi32>
      %gather3A_104 = tpu.vector_load_idx %arg10[%sub3A_103] : memref<31312xi32, #tpu.memory_space<vmem>>[vector<16xi32>], vector<16xi32>,
      %swap3A_105 = arith.constant 0 : i32
      %swap3A_106 = arith.index_cast %swap3A_105 : i32 to index
      %swap3A_107 = arith.constant 32 : index
      %swap3A_108 = tpu.vector_load %arg11[%swap3A_106, %swap3A_107] {strides = array<i32>} : memref<13x64xi32, #tpu.memory_space<vmem>>, vector<16xi32>,
      tpu.vector_store %arg11[%swap3A_106, %swap3A_107], %get3A_99 {strides = array<i32>} : memref<13x64xi32, #tpu.memory_space<vmem>>, vector<16xi32>,
      %swap3A_109 = arith.constant 0 : i32
      %swap3A_110 = arith.index_cast %swap3A_109 : i32 to index
      %swap3A_111 = arith.constant 32 : index
      %swap3A_112 = tpu.vector_load %arg12[%swap3A_110, %swap3A_111] {strides = array<i32>} : memref<13x64xi32, #tpu.memory_space<vmem>>, vector<16xi32>,
      tpu.vector_store %arg12[%swap3A_110, %swap3A_111], %get3A_101 {strides = array<i32>} : memref<13x64xi32, #tpu.memory_space<vmem>>, vector<16xi32>,
      %swap3A_113 = arith.constant 0 : i32
      %swap3A_114 = arith.index_cast %swap3A_113 : i32 to index
      %swap3A_115 = arith.constant 32 : index
      %swap3A_116 = tpu.vector_load %arg13[%swap3A_114, %swap3A_115] {strides = array<i32>} : memref<13x64xi32, #tpu.memory_space<vmem>>, vector<16xi32>,
      tpu.vector_store %arg13[%swap3A_114, %swap3A_115], %gather3A_104 {strides = array<i32>} : memref<13x64xi32, #tpu.memory_space<vmem>>, vector<16xi32>,
      %get3A_117 = arith.constant 48 : index
      %get3A_118 = tpu.vector_load %arg8[%get3A_117] {strides = array<i32>} : memref<848xi32, #tpu.memory_space<vmem>>, vector<16xi32>,
      %get3A_119 = arith.constant 48 : index
      %get3A_120 = tpu.vector_load %arg9[%get3A_119] {strides = array<i32>} : memref<848xi32, #tpu.memory_space<vmem>>, vector<16xi32>,
      %sub3A_121 = vector.broadcast %mul3A_2 : i32 to vector<16xi32>
      %sub3A_122 = arith.subi %get3A_118, %sub3A_121 : vector<16xi32>
      %gather3A_123 = tpu.vector_load_idx %arg10[%sub3A_122] : memref<31312xi32, #tpu.memory_space<vmem>>[vector<16xi32>], vector<16xi32>,
      %swap3A_124 = arith.constant 0 : i32
      %swap3A_125 = arith.index_cast %swap3A_124 : i32 to index
      %swap3A_126 = arith.constant 48 : index
      %swap3A_127 = tpu.vector_load %arg11[%swap3A_125, %swap3A_126] {strides = array<i32>} : memref<13x64xi32, #tpu.memory_space<vmem>>, vector<16xi32>,
      tpu.vector_store %arg11[%swap3A_125, %swap3A_126], %get3A_118 {strides = array<i32>} : memref<13x64xi32, #tpu.memory_space<vmem>>, vector<16xi32>,
      %swap3A_128 = arith.constant 0 : i32
      %swap3A_129 = arith.index_cast %swap3A_128 : i32 to index
      %swap3A_130 = arith.constant 48 : index
      %swap3A_131 = tpu.vector_load %arg12[%swap3A_129, %swap3A_130] {strides = array<i32>} : memref<13x64xi32, #tpu.memory_space<vmem>>, vector<16xi32>,
      tpu.vector_store %arg12[%swap3A_129, %swap3A_130], %get3A_120 {strides = array<i32>} : memref<13x64xi32, #tpu.memory_space<vmem>>, vector<16xi32>,
      %swap3A_132 = arith.constant 0 : i32
      %swap3A_133 = arith.index_cast %swap3A_132 : i32 to index
      %swap3A_134 = arith.constant 48 : index
      %swap3A_135 = tpu.vector_load %arg13[%swap3A_133, %swap3A_134] {strides = array<i32>} : memref<13x64xi32, #tpu.memory_space<vmem>>, vector<16xi32>,
      tpu.vector_store %arg13[%swap3A_133, %swap3A_134], %gather3A_123 {strides = array<i32>} : memref<13x64xi32, #tpu.memory_space<vmem>>, vector<16xi32>,
      %get3A_136 = arith.constant 64 : index
      %get3A_137 = tpu.vector_load %arg8[%get3A_136] {strides = array<i32>} : memref<848xi32, #tpu.memory_space<vmem>>, vector<16xi32>,
      %get3A_138 = arith.constant 64 : index
      %get3A_139 = tpu.vector_load %arg9[%get3A_138] {strides = array<i32>} : memref<848xi32, #tpu.memory_space<vmem>>, vector<16xi32>,
      %sub3A_140 = vector.broadcast %mul3A_2 : i32 to vector<16xi32>
      %sub3A_141 = arith.subi %get3A_137, %sub3A_140 : vector<16xi32>
      %gather3A_142 = tpu.vector_load_idx %arg10[%sub3A_141] : memref<31312xi32, #tpu.memory_space<vmem>>[vector<16xi32>], vector<16xi32>,
      %swap3A_143 = arith.constant 1 : i32
      %swap3A_144 = arith.index_cast %swap3A_143 : i32 to index
      %swap3A_145 = arith.constant 0 : index
      %swap3A_146 = tpu.vector_load %arg11[%swap3A_144, %swap3A_145] {strides = array<i32>} : memref<13x64xi32, #tpu.memory_space<vmem>>, vector<16xi32>,
      tpu.vector_store %arg11[%swap3A_144, %swap3A_145], %get3A_137 {strides = array<i32>} : memref<13x64xi32, #tpu.memory_space<vmem>>, vector<16xi32>,
      %swap3A_147 = arith.constant 1 : i32
      %swap3A_148 = arith.index_cast %swap3A_147 : i32 to index
      %swap3A_149 = arith.constant 0 : index
      %swap3A_150 = tpu.vector_load %arg12[%swap3A_148, %swap3A_149] {strides = array<i32>} : memref<13x64xi32, #tpu.memory_space<vmem>>, vector<16xi32>,
      tpu.vector_store %arg12[%swap3A_148, %swap3A_149], %get3A_139 {strides = array<i32>} : memref<13x64xi32, #tpu.memory_space<vmem>>, vector<16xi32>,
      %swap3A_151 = arith.constant 1 : i32
      %swap3A_152 = arith.index_cast %swap3A_151 : i32 to index
      %swap3A_153 = arith.constant 0 : index
      %swap3A_154 = tpu.vector_load %arg13[%swap3A_152, %swap3A_153] {strides = array<i32>} : memref<13x64xi32, #tpu.memory_space<vmem>>, vector<16xi32>,
      tpu.vector_store %arg13[%swap3A_152, %swap3A_153], %gather3A_142 {strides = array<i32>} : memref<13x64xi32, #tpu.memory_space<vmem>>, vector<16xi32>,
      %get3A_155 = arith.constant 80 : index
      %get3A_156 = tpu.vector_load %arg8[%get3A_155] {strides = array<i32>} : memref<848xi32, #tpu.memory_space<vmem>>, vector<16xi32>,
      %get3A_157 = arith.constant 80 : index
      %get3A_158 = tpu.vector_load %arg9[%get3A_157] {strides = array<i32>} : memref<848xi32, #tpu.memory_space<vmem>>, vector<16xi32>,
      %sub3A_159 = vector.broadcast %mul3A_2 : i32 to vector<16xi32>
      %sub3A_160 = arith.subi %get3A_156, %sub3A_159 : vector<16xi32>
      %gather3A_161 = tpu.vector_load_idx %arg10[%sub3A_160] : memref<31312xi32, #tpu.memory_space<vmem>>[vector<16xi32>], vector<16xi32>,
      %swap3A_162 = arith.constant 1 : i32
      %swap3A_163 = arith.index_cast %swap3A_162 : i32 to index
      %swap3A_164 = arith.constant 16 : index
      %swap3A_165 = tpu.vector_load %arg11[%swap3A_163, %swap3A_164] {strides = array<i32>} : memref<13x64xi32, #tpu.memory_space<vmem>>, vector<16xi32>,
      tpu.vector_store %arg11[%swap3A_163, %swap3A_164], %get3A_156 {strides = array<i32>} : memref<13x64xi32, #tpu.memory_space<vmem>>, vector<16xi32>,
      %swap3A_166 = arith.constant 1 : i32
      %swap3A_167 = arith.index_cast %swap3A_166 : i32 to index
      %swap3A_168 = arith.constant 16 : index
      %swap3A_169 = tpu.vector_load %arg12[%swap3A_167, %swap3A_168] {strides = array<i32>} : memref<13x64xi32, #tpu.memory_space<vmem>>, vector<16xi32>,
      tpu.vector_store %arg12[%swap3A_167, %swap3A_168], %get3A_158 {strides = array<i32>} : memref<13x64xi32, #tpu.memory_space<vmem>>, vector<16xi32>,
      %swap3A_170 = arith.constant 1 : i32
      %swap3A_171 = arith.index_cast %swap3A_170 : i32 to index
      %swap3A_172 = arith.constant 16 : index
      %swap3A_173 = tpu.vector_load %arg13[%swap3A_171, %swap3A_172] {strides = array<i32>} : memref<13x64xi32, #tpu.memory_space<vmem>>, vector<16xi32>,
      tpu.vector_store %arg13[%swap3A_171, %swap3A_172], %gather3A_161 {strides = array<i32>} : memref<13x64xi32, #tpu.memory_space<vmem>>, vector<16xi32>,
      %get3A_174 = arith.constant 96 : index
      %get3A_175 = tpu.vector_load %arg8[%get3A_174] {strides = array<i32>} : memref<848xi32, #tpu.memory_space<vmem>>, vector<16xi32>,
      %get3A_176 = arith.constant 96 : index
      %get3A_177 = tpu.vector_load %arg9[%get3A_176] {strides = array<i32>} : memref<848xi32, #tpu.memory_space<vmem>>, vector<16xi32>,
      %sub3A_178 = vector.broadcast %mul3A_2 : i32 to vector<16xi32>
      %sub3A_179 = arith.subi %get3A_175, %sub3A_178 : vector<16xi32>
      %gather3A_180 = tpu.vector_load_idx %arg10[%sub3A_179] : memref<31312xi32, #tpu.memory_space<vmem>>[vector<16xi32>], vector<16xi32>,
      %swap3A_181 = arith.constant 1 : i32
      %swap3A_182 = arith.index_cast %swap3A_181 : i32 to index
      %swap3A_183 = arith.constant 32 : index
      %swap3A_184 = tpu.vector_load %arg11[%swap3A_182, %swap3A_183] {strides = array<i32>} : memref<13x64xi32, #tpu.memory_space<vmem>>, vector<16xi32>,
      tpu.vector_store %arg11[%swap3A_182, %swap3A_183], %get3A_175 {strides = array<i32>} : memref<13x64xi32, #tpu.memory_space<vmem>>, vector<16xi32>,
      %swap3A_185 = arith.constant 1 : i32
      %swap3A_186 = arith.index_cast %swap3A_185 : i32 to index
      %swap3A_187 = arith.constant 32 : index
      %swap3A_188 = tpu.vector_load %arg12[%swap3A_186, %swap3A_187] {strides = array<i32>} : memref<13x64xi32, #tpu.memory_space<vmem>>, vector<16xi32>,
      tpu.vector_store %arg12[%swap3A_186, %swap3A_187], %get3A_177 {strides = array<i32>} : memref<13x64xi32, #tpu.memory_space<vmem>>, vector<16xi32>,
      %swap3A_189 = arith.constant 1 : i32
      %swap3A_190 = arith.index_cast %swap3A_189 : i32 to index
      %swap3A_191 = arith.constant 32 : index
      %swap3A_192 = tpu.vector_load %arg13[%swap3A_190, %swap3A_191] {strides = array<i32>} : memref<13x64xi32, #tpu.memory_space<vmem>>, vector<16xi32>,
      tpu.vector_store %arg13[%swap3A_190, %swap3A_191], %gather3A_180 {strides = array<i32>} : memref<13x64xi32, #tpu.memory_space<vmem>>, vector<16xi32>,
      %get3A_193 = arith.constant 112 : index
      %get3A_194 = tpu.vector_load %arg8[%get3A_193] {strides = array<i32>} : memref<848xi32, #tpu.memory_space<vmem>>, vector<16xi32>,
      %get3A_195 = arith.constant 112 : index
      %get3A_196 = tpu.vector_load %arg9[%get3A_195] {strides = array<i32>} : memref<848xi32, #tpu.memory_space<vmem>>, vector<16xi32>,
      %sub3A_197 = vector.broadcast %mul3A_2 : i32 to vector<16xi32>
      %sub3A_198 = arith.subi %get3A_194, %sub3A_197 : vector<16xi32>
      %gather3A_199 = tpu.vector_load_idx %arg10[%sub3A_198] : memref<31312xi32, #tpu.memory_space<vmem>>[vector<16xi32>], vector<16xi32>,
      %swap3A_200 = arith.constant 1 : i32
      %swap3A_201 = arith.index_cast %swap3A_200 : i32 to index
      %swap3A_202 = arith.constant 48 : index
      %swap3A_203 = tpu.vector_load %arg11[%swap3A_201, %swap3A_202] {strides = array<i32>} : memref<13x64xi32, #tpu.memory_space<vmem>>, vector<16xi32>,
      tpu.vector_store %arg11[%swap3A_201, %swap3A_202], %get3A_194 {strides = array<i32>} : memref<13x64xi32, #tpu.memory_space<vmem>>, vector<16xi32>,
      %swap3A_204 = arith.constant 1 : i32
      %swap3A_205 = arith.index_cast %swap3A_204 : i32 to index
      %swap3A_206 = arith.constant 48 : index
      %swap3A_207 = tpu.vector_load %arg12[%swap3A_205, %swap3A_206] {strides = array<i32>} : memref<13x64xi32, #tpu.memory_space<vmem>>, vector<16xi32>,
      tpu.vector_store %arg12[%swap3A_205, %swap3A_206], %get3A_196 {strides = array<i32>} : memref<13x64xi32, #tpu.memory_space<vmem>>, vector<16xi32>,
      %swap3A_208 = arith.constant 1 : i32
      %swap3A_209 = arith.index_cast %swap3A_208 : i32 to index
      %swap3A_210 = arith.constant 48 : index
      %swap3A_211 = tpu.vector_load %arg13[%swap3A_209, %swap3A_210] {strides = array<i32>} : memref<13x64xi32, #tpu.memory_space<vmem>>, vector<16xi32>,
      tpu.vector_store %arg13[%swap3A_209, %swap3A_210], %gather3A_199 {strides = array<i32>} : memref<13x64xi32, #tpu.memory_space<vmem>>, vector<16xi32>,
      %get3A_212 = arith.constant 128 : index
      %get3A_213 = tpu.vector_load %arg8[%get3A_212] {strides = array<i32>} : memref<848xi32, #tpu.memory_space<vmem>>, vector<16xi32>,
      %get3A_214 = arith.constant 128 : index
      %get3A_215 = tpu.vector_load %arg9[%get3A_214] {strides = array<i32>} : memref<848xi32, #tpu.memory_space<vmem>>, vector<16xi32>,
      %sub3A_216 = vector.broadcast %mul3A_2 : i32 to vector<16xi32>
      %sub3A_217 = arith.subi %get3A_213, %sub3A_216 : vector<16xi32>
      %gather3A_218 = tpu.vector_load_idx %arg10[%sub3A_217] : memref<31312xi32, #tpu.memory_space<vmem>>[vector<16xi32>], vector<16xi32>,
      %swap3A_219 = arith.constant 2 : i32
      %swap3A_220 = arith.index_cast %swap3A_219 : i32 to index
      %swap3A_221 = arith.constant 0 : index
      %swap3A_222 = tpu.vector_load %arg11[%swap3A_220, %swap3A_221] {strides = array<i32>} : memref<13x64xi32, #tpu.memory_space<vmem>>, vector<16xi32>,
      tpu.vector_store %arg11[%swap3A_220, %swap3A_221], %get3A_213 {strides = array<i32>} : memref<13x64xi32, #tpu.memory_space<vmem>>, vector<16xi32>,
      %swap3A_223 = arith.constant 2 : i32
      %swap3A_224 = arith.index_cast %swap3A_223 : i32 to index
      %swap3A_225 = arith.constant 0 : index
      %swap3A_226 = tpu.vector_load %arg12[%swap3A_224, %swap3A_225] {strides = array<i32>} : memref<13x64xi32, #tpu.memory_space<vmem>>, vector<16xi32>,
      tpu.vector_store %arg12[%swap3A_224, %swap3A_225], %get3A_215 {strides = array<i32>} : memref<13x64xi32, #tpu.memory_space<vmem>>, vector<16xi32>,
      %swap3A_227 = arith.constant 2 : i32
      %swap3A_228 = arith.index_cast %swap3A_227 : i32 to index
      %swap3A_229 = arith.constant 0 : index
      %swap3A_230 = tpu.vector_load %arg13[%swap3A_228, %swap3A_229] {strides = array<i32>} : memref<13x64xi32, #tpu.memory_space<vmem>>, vector<16xi32>,
      tpu.vector_store %arg13[%swap3A_228, %swap3A_229], %gather3A_218 {strides = array<i32>} : memref<13x64xi32, #tpu.memory_space<vmem>>, vector<16xi32>,
      %get3A_231 = arith.constant 144 : index
      %get3A_232 = tpu.vector_load %arg8[%get3A_231] {strides = array<i32>} : memref<848xi32, #tpu.memory_space<vmem>>, vector<16xi32>,
      %get3A_233 = arith.constant 144 : index
      %get3A_234 = tpu.vector_load %arg9[%get3A_233] {strides = array<i32>} : memref<848xi32, #tpu.memory_space<vmem>>, vector<16xi32>,
      %sub3A_235 = vector.broadcast %mul3A_2 : i32 to vector<16xi32>
      %sub3A_236 = arith.subi %get3A_232, %sub3A_235 : vector<16xi32>
      %gather3A_237 = tpu.vector_load_idx %arg10[%sub3A_236] : memref<31312xi32, #tpu.memory_space<vmem>>[vector<16xi32>], vector<16xi32>,
      %swap3A_238 = arith.constant 2 : i32
      %swap3A_239 = arith.index_cast %swap3A_238 : i32 to index
      %swap3A_240 = arith.constant 16 : index
      %swap3A_241 = tpu.vector_load %arg11[%swap3A_239, %swap3A_240] {strides = array<i32>} : memref<13x64xi32, #tpu.memory_space<vmem>>, vector<16xi32>,
      tpu.vector_store %arg11[%swap3A_239, %swap3A_240], %get3A_232 {strides = array<i32>} : memref<13x64xi32, #tpu.memory_space<vmem>>, vector<16xi32>,
      %swap3A_242 = arith.constant 2 : i32
      %swap3A_243 = arith.index_cast %swap3A_242 : i32 to index
      %swap3A_244 = arith.constant 16 : index
      %swap3A_245 = tpu.vector_load %arg12[%swap3A_243, %swap3A_244] {strides = array<i32>} : memref<13x64xi32, #tpu.memory_space<vmem>>, vector<16xi32>,
      tpu.vector_store %arg12[%swap3A_243, %swap3A_244], %get3A_234 {strides = array<i32>} : memref<13x64xi32, #tpu.memory_space<vmem>>, vector<16xi32>,
      %swap3A_246 = arith.constant 2 : i32
      %swap3A_247 = arith.index_cast %swap3A_246 : i32 to index
      %swap3A_248 = arith.constant 16 : index
      %swap3A_249 = tpu.vector_load %arg13[%swap3A_247, %swap3A_248] {strides = array<i32>} : memref<13x64xi32, #tpu.memory_space<vmem>>, vector<16xi32>,
      tpu.vector_store %arg13[%swap3A_247, %swap3A_248], %gather3A_237 {strides = array<i32>} : memref<13x64xi32, #tpu.memory_space<vmem>>, vector<16xi32>,
      %get3A_250 = arith.constant 160 : index
      %get3A_251 = tpu.vector_load %arg8[%get3A_250] {strides = array<i32>} : memref<848xi32, #tpu.memory_space<vmem>>, vector<16xi32>,
      %get3A_252 = arith.constant 160 : index
      %get3A_253 = tpu.vector_load %arg9[%get3A_252] {strides = array<i32>} : memref<848xi32, #tpu.memory_space<vmem>>, vector<16xi32>,
      %sub3A_254 = vector.broadcast %mul3A_2 : i32 to vector<16xi32>
      %sub3A_255 = arith.subi %get3A_251, %sub3A_254 : vector<16xi32>
      %gather3A_256 = tpu.vector_load_idx %arg10[%sub3A_255] : memref<31312xi32, #tpu.memory_space<vmem>>[vector<16xi32>], vector<16xi32>,
      %swap3A_257 = arith.constant 2 : i32
      %swap3A_258 = arith.index_cast %swap3A_257 : i32 to index
      %swap3A_259 = arith.constant 32 : index
      %swap3A_260 = tpu.vector_load %arg11[%swap3A_258, %swap3A_259] {strides = array<i32>} : memref<13x64xi32, #tpu.memory_space<vmem>>, vector<16xi32>,
      tpu.vector_store %arg11[%swap3A_258, %swap3A_259], %get3A_251 {strides = array<i32>} : memref<13x64xi32, #tpu.memory_space<vmem>>, vector<16xi32>,
      %swap3A_261 = arith.constant 2 : i32
      %swap3A_262 = arith.index_cast %swap3A_261 : i32 to index
      %swap3A_263 = arith.constant 32 : index
      %swap3A_264 = tpu.vector_load %arg12[%swap3A_262, %swap3A_263] {strides = array<i32>} : memref<13x64xi32, #tpu.memory_space<vmem>>, vector<16xi32>,
      tpu.vector_store %arg12[%swap3A_262, %swap3A_263], %get3A_253 {strides = array<i32>} : memref<13x64xi32, #tpu.memory_space<vmem>>, vector<16xi32>,
      %swap3A_265 = arith.constant 2 : i32
      %swap3A_266 = arith.index_cast %swap3A_265 : i32 to index
      %swap3A_267 = arith.constant 32 : index
      %swap3A_268 = tpu.vector_load %arg13[%swap3A_266, %swap3A_267] {strides = array<i32>} : memref<13x64xi32, #tpu.memory_space<vmem>>, vector<16xi32>,
      tpu.vector_store %arg13[%swap3A_266, %swap3A_267], %gather3A_256 {strides = array<i32>} : memref<13x64xi32, #tpu.memory_space<vmem>>, vector<16xi32>,
      %get3A_269 = arith.constant 176 : index
      %get3A_270 = tpu.vector_load %arg8[%get3A_269] {strides = array<i32>} : memref<848xi32, #tpu.memory_space<vmem>>, vector<16xi32>,
      %get3A_271 = arith.constant 176 : index
      %get3A_272 = tpu.vector_load %arg9[%get3A_271] {strides = array<i32>} : memref<848xi32, #tpu.memory_space<vmem>>, vector<16xi32>,
      %sub3A_273 = vector.broadcast %mul3A_2 : i32 to vector<16xi32>
      %sub3A_274 = arith.subi %get3A_270, %sub3A_273 : vector<16xi32>
      %gather3A_275 = tpu.vector_load_idx %arg10[%sub3A_274] : memref<31312xi32, #tpu.memory_space<vmem>>[vector<16xi32>], vector<16xi32>,
      %swap3A_276 = arith.constant 2 : i32
      %swap3A_277 = arith.index_cast %swap3A_276 : i32 to index
      %swap3A_278 = arith.constant 48 : index
      %swap3A_279 = tpu.vector_load %arg11[%swap3A_277, %swap3A_278] {strides = array<i32>} : memref<13x64xi32, #tpu.memory_space<vmem>>, vector<16xi32>,
      tpu.vector_store %arg11[%swap3A_277, %swap3A_278], %get3A_270 {strides = array<i32>} : memref<13x64xi32, #tpu.memory_space<vmem>>, vector<16xi32>,
      %swap3A_280 = arith.constant 2 : i32
      %swap3A_281 = arith.index_cast %swap3A_280 : i32 to index
      %swap3A_282 = arith.constant 48 : index
      %swap3A_283 = tpu.vector_load %arg12[%swap3A_281, %swap3A_282] {strides = array<i32>} : memref<13x64xi32, #tpu.memory_space<vmem>>, vector<16xi32>,
      tpu.vector_store %arg12[%swap3A_281, %swap3A_282], %get3A_272 {strides = array<i32>} : memref<13x64xi32, #tpu.memory_space<vmem>>, vector<16xi32>,
      %swap3A_284 = arith.constant 2 : i32
      %swap3A_285 = arith.index_cast %swap3A_284 : i32 to index
      %swap3A_286 = arith.constant 48 : index
      %swap3A_287 = tpu.vector_load %arg13[%swap3A_285, %swap3A_286] {strides = array<i32>} : memref<13x64xi32, #tpu.memory_space<vmem>>, vector<16xi32>,
      tpu.vector_store %arg13[%swap3A_285, %swap3A_286], %gather3A_275 {strides = array<i32>} : memref<13x64xi32, #tpu.memory_space<vmem>>, vector<16xi32>,
      %get3A_288 = arith.constant 192 : index
      %get3A_289 = tpu.vector_load %arg8[%get3A_288] {strides = array<i32>} : memref<848xi32, #tpu.memory_space<vmem>>, vector<16xi32>,
      %get3A_290 = arith.constant 192 : index
      %get3A_291 = tpu.vector_load %arg9[%get3A_290] {strides = array<i32>} : memref<848xi32, #tpu.memory_space<vmem>>, vector<16xi32>,
      %sub3A_292 = vector.broadcast %mul3A_2 : i32 to vector<16xi32>
      %sub3A_293 = arith.subi %get3A_289, %sub3A_292 : vector<16xi32>
      %gather3A_294 = tpu.vector_load_idx %arg10[%sub3A_293] : memref<31312xi32, #tpu.memory_space<vmem>>[vector<16xi32>], vector<16xi32>,
      %swap3A_295 = arith.constant 3 : i32
      %swap3A_296 = arith.index_cast %swap3A_295 : i32 to index
      %swap3A_297 = arith.constant 0 : index
      %swap3A_298 = tpu.vector_load %arg11[%swap3A_296, %swap3A_297] {strides = array<i32>} : memref<13x64xi32, #tpu.memory_space<vmem>>, vector<16xi32>,
      tpu.vector_store %arg11[%swap3A_296, %swap3A_297], %get3A_289 {strides = array<i32>} : memref<13x64xi32, #tpu.memory_space<vmem>>, vector<16xi32>,
      %swap3A_299 = arith.constant 3 : i32
      %swap3A_300 = arith.index_cast %swap3A_299 : i32 to index
      %swap3A_301 = arith.constant 0 : index
      %swap3A_302 = tpu.vector_load %arg12[%swap3A_300, %swap3A_301] {strides = array<i32>} : memref<13x64xi32, #tpu.memory_space<vmem>>, vector<16xi32>,
      tpu.vector_store %arg12[%swap3A_300, %swap3A_301], %get3A_291 {strides = array<i32>} : memref<13x64xi32, #tpu.memory_space<vmem>>, vector<16xi32>,
      %swap3A_303 = arith.constant 3 : i32
      %swap3A_304 = arith.index_cast %swap3A_303 : i32 to index
      %swap3A_305 = arith.constant 0 : index
      %swap3A_306 = tpu.vector_load %arg13[%swap3A_304, %swap3A_305] {strides = array<i32>} : memref<13x64xi32, #tpu.memory_space<vmem>>, vector<16xi32>,
      tpu.vector_store %arg13[%swap3A_304, %swap3A_305], %gather3A_294 {strides = array<i32>} : memref<13x64xi32, #tpu.memory_space<vmem>>, vector<16xi32>,
      %get3A_307 = arith.constant 208 : index
      %get3A_308 = tpu.vector_load %arg8[%get3A_307] {strides = array<i32>} : memref<848xi32, #tpu.memory_space<vmem>>, vector<16xi32>,
      %get3A_309 = arith.constant 208 : index
      %get3A_310 = tpu.vector_load %arg9[%get3A_309] {strides = array<i32>} : memref<848xi32, #tpu.memory_space<vmem>>, vector<16xi32>,
      %sub3A_311 = vector.broadcast %mul3A_2 : i32 to vector<16xi32>
      %sub3A_312 = arith.subi %get3A_308, %sub3A_311 : vector<16xi32>
      %gather3A_313 = tpu.vector_load_idx %arg10[%sub3A_312] : memref<31312xi32, #tpu.memory_space<vmem>>[vector<16xi32>], vector<16xi32>,
      %swap3A_314 = arith.constant 3 : i32
      %swap3A_315 = arith.index_cast %swap3A_314 : i32 to index
      %swap3A_316 = arith.constant 16 : index
      %swap3A_317 = tpu.vector_load %arg11[%swap3A_315, %swap3A_316] {strides = array<i32>} : memref<13x64xi32, #tpu.memory_space<vmem>>, vector<16xi32>,
      tpu.vector_store %arg11[%swap3A_315, %swap3A_316], %get3A_308 {strides = array<i32>} : memref<13x64xi32, #tpu.memory_space<vmem>>, vector<16xi32>,
      %swap3A_318 = arith.constant 3 : i32
      %swap3A_319 = arith.index_cast %swap3A_318 : i32 to index
      %swap3A_320 = arith.constant 16 : index
      %swap3A_321 = tpu.vector_load %arg12[%swap3A_319, %swap3A_320] {strides = array<i32>} : memref<13x64xi32, #tpu.memory_space<vmem>>, vector<16xi32>,
      tpu.vector_store %arg12[%swap3A_319, %swap3A_320], %get3A_310 {strides = array<i32>} : memref<13x64xi32, #tpu.memory_space<vmem>>, vector<16xi32>,
      %swap3A_322 = arith.constant 3 : i32
      %swap3A_323 = arith.index_cast %swap3A_322 : i32 to index
      %swap3A_324 = arith.constant 16 : index
      %swap3A_325 = tpu.vector_load %arg13[%swap3A_323, %swap3A_324] {strides = array<i32>} : memref<13x64xi32, #tpu.memory_space<vmem>>, vector<16xi32>,
      tpu.vector_store %arg13[%swap3A_323, %swap3A_324], %gather3A_313 {strides = array<i32>} : memref<13x64xi32, #tpu.memory_space<vmem>>, vector<16xi32>,
      %get3A_326 = arith.constant 224 : index
      %get3A_327 = tpu.vector_load %arg8[%get3A_326] {strides = array<i32>} : memref<848xi32, #tpu.memory_space<vmem>>, vector<16xi32>,
      %get3A_328 = arith.constant 224 : index
      %get3A_329 = tpu.vector_load %arg9[%get3A_328] {strides = array<i32>} : memref<848xi32, #tpu.memory_space<vmem>>, vector<16xi32>,
      %sub3A_330 = vector.broadcast %mul3A_2 : i32 to vector<16xi32>
      %sub3A_331 = arith.subi %get3A_327, %sub3A_330 : vector<16xi32>
      %gather3A_332 = tpu.vector_load_idx %arg10[%sub3A_331] : memref<31312xi32, #tpu.memory_space<vmem>>[vector<16xi32>], vector<16xi32>,
      %swap3A_333 = arith.constant 3 : i32
      %swap3A_334 = arith.index_cast %swap3A_333 : i32 to index
      %swap3A_335 = arith.constant 32 : index
      %swap3A_336 = tpu.vector_load %arg11[%swap3A_334, %swap3A_335] {strides = array<i32>} : memref<13x64xi32, #tpu.memory_space<vmem>>, vector<16xi32>,
      tpu.vector_store %arg11[%swap3A_334, %swap3A_335], %get3A_327 {strides = array<i32>} : memref<13x64xi32, #tpu.memory_space<vmem>>, vector<16xi32>,
      %swap3A_337 = arith.constant 3 : i32
      %swap3A_338 = arith.index_cast %swap3A_337 : i32 to index
      %swap3A_339 = arith.constant 32 : index
      %swap3A_340 = tpu.vector_load %arg12[%swap3A_338, %swap3A_339] {strides = array<i32>} : memref<13x64xi32, #tpu.memory_space<vmem>>, vector<16xi32>,
      tpu.vector_store %arg12[%swap3A_338, %swap3A_339], %get3A_329 {strides = array<i32>} : memref<13x64xi32, #tpu.memory_space<vmem>>, vector<16xi32>,
      %swap3A_341 = arith.constant 3 : i32
      %swap3A_342 = arith.index_cast %swap3A_341 : i32 to index
      %swap3A_343 = arith.constant 32 : index
      %swap3A_344 = tpu.vector_load %arg13[%swap3A_342, %swap3A_343] {strides = array<i32>} : memref<13x64xi32, #tpu.memory_space<vmem>>, vector<16xi32>,
      tpu.vector_store %arg13[%swap3A_342, %swap3A_343], %gather3A_332 {strides = array<i32>} : memref<13x64xi32, #tpu.memory_space<vmem>>, vector<16xi32>,
      %get3A_345 = arith.constant 240 : index
      %get3A_346 = tpu.vector_load %arg8[%get3A_345] {strides = array<i32>} : memref<848xi32, #tpu.memory_space<vmem>>, vector<16xi32>,
      %get3A_347 = arith.constant 240 : index
      %get3A_348 = tpu.vector_load %arg9[%get3A_347] {strides = array<i32>} : memref<848xi32, #tpu.memory_space<vmem>>, vector<16xi32>,
      %sub3A_349 = vector.broadcast %mul3A_2 : i32 to vector<16xi32>
      %sub3A_350 = arith.subi %get3A_346, %sub3A_349 : vector<16xi32>
      %gather3A_351 = tpu.vector_load_idx %arg10[%sub3A_350] : memref<31312xi32, #tpu.memory_space<vmem>>[vector<16xi32>], vector<16xi32>,
      %swap3A_352 = arith.constant 3 : i32
      %swap3A_353 = arith.index_cast %swap3A_352 : i32 to index
      %swap3A_354 = arith.constant 48 : index
      %swap3A_355 = tpu.vector_load %arg11[%swap3A_353, %swap3A_354] {strides = array<i32>} : memref<13x64xi32, #tpu.memory_space<vmem>>, vector<16xi32>,
      tpu.vector_store %arg11[%swap3A_353, %swap3A_354], %get3A_346 {strides = array<i32>} : memref<13x64xi32, #tpu.memory_space<vmem>>, vector<16xi32>,
      %swap3A_356 = arith.constant 3 : i32
      %swap3A_357 = arith.index_cast %swap3A_356 : i32 to index
      %swap3A_358 = arith.constant 48 : index
      %swap3A_359 = tpu.vector_load %arg12[%swap3A_357, %swap3A_358] {strides = array<i32>} : memref<13x64xi32, #tpu.memory_space<vmem>>, vector<16xi32>,
      tpu.vector_store %arg12[%swap3A_357, %swap3A_358], %get3A_348 {strides = array<i32>} : memref<13x64xi32, #tpu.memory_space<vmem>>, vector<16xi32>,
      %swap3A_360 = arith.constant 3 : i32
      %swap3A_361 = arith.index_cast %swap3A_360 : i32 to index
      %swap3A_362 = arith.constant 48 : index
      %swap3A_363 = tpu.vector_load %arg13[%swap3A_361, %swap3A_362] {strides = array<i32>} : memref<13x64xi32, #tpu.memory_space<vmem>>, vector<16xi32>,
      tpu.vector_store %arg13[%swap3A_361, %swap3A_362], %gather3A_351 {strides = array<i32>} : memref<13x64xi32, #tpu.memory_space<vmem>>, vector<16xi32>,
      %get3A_364 = arith.constant 256 : index
      %get3A_365 = tpu.vector_load %arg8[%get3A_364] {strides = array<i32>} : memref<848xi32, #tpu.memory_space<vmem>>, vector<16xi32>,
      %get3A_366 = arith.constant 256 : index
      %get3A_367 = tpu.vector_load %arg9[%get3A_366] {strides = array<i32>} : memref<848xi32, #tpu.memory_space<vmem>>, vector<16xi32>,
      %sub3A_368 = vector.broadcast %mul3A_2 : i32 to vector<16xi32>
      %sub3A_369 = arith.subi %get3A_365, %sub3A_368 : vector<16xi32>
      %gather3A_370 = tpu.vector_load_idx %arg10[%sub3A_369] : memref<31312xi32, #tpu.memory_space<vmem>>[vector<16xi32>], vector<16xi32>,
      %swap3A_371 = arith.constant 4 : i32
      %swap3A_372 = arith.index_cast %swap3A_371 : i32 to index
      %swap3A_373 = arith.constant 0 : index
      %swap3A_374 = tpu.vector_load %arg11[%swap3A_372, %swap3A_373] {strides = array<i32>} : memref<13x64xi32, #tpu.memory_space<vmem>>, vector<16xi32>,
      tpu.vector_store %arg11[%swap3A_372, %swap3A_373], %get3A_365 {strides = array<i32>} : memref<13x64xi32, #tpu.memory_space<vmem>>, vector<16xi32>,
      %swap3A_375 = arith.constant 4 : i32
      %swap3A_376 = arith.index_cast %swap3A_375 : i32 to index
      %swap3A_377 = arith.constant 0 : index
      %swap3A_378 = tpu.vector_load %arg12[%swap3A_376, %swap3A_377] {strides = array<i32>} : memref<13x64xi32, #tpu.memory_space<vmem>>, vector<16xi32>,
      tpu.vector_store %arg12[%swap3A_376, %swap3A_377], %get3A_367 {strides = array<i32>} : memref<13x64xi32, #tpu.memory_space<vmem>>, vector<16xi32>,
      %swap3A_379 = arith.constant 4 : i32
      %swap3A_380 = arith.index_cast %swap3A_379 : i32 to index
      %swap3A_381 = arith.constant 0 : index
      %swap3A_382 = tpu.vector_load %arg13[%swap3A_380, %swap3A_381] {strides = array<i32>} : memref<13x64xi32, #tpu.memory_space<vmem>>, vector<16xi32>,
      tpu.vector_store %arg13[%swap3A_380, %swap3A_381], %gather3A_370 {strides = array<i32>} : memref<13x64xi32, #tpu.memory_space<vmem>>, vector<16xi32>,
      %get3A_383 = arith.constant 272 : index
      %get3A_384 = tpu.vector_load %arg8[%get3A_383] {strides = array<i32>} : memref<848xi32, #tpu.memory_space<vmem>>, vector<16xi32>,
      %get3A_385 = arith.constant 272 : index
      %get3A_386 = tpu.vector_load %arg9[%get3A_385] {strides = array<i32>} : memref<848xi32, #tpu.memory_space<vmem>>, vector<16xi32>,
      %sub3A_387 = vector.broadcast %mul3A_2 : i32 to vector<16xi32>
      %sub3A_388 = arith.subi %get3A_384, %sub3A_387 : vector<16xi32>
      %gather3A_389 = tpu.vector_load_idx %arg10[%sub3A_388] : memref<31312xi32, #tpu.memory_space<vmem>>[vector<16xi32>], vector<16xi32>,
      %swap3A_390 = arith.constant 4 : i32
      %swap3A_391 = arith.index_cast %swap3A_390 : i32 to index
      %swap3A_392 = arith.constant 16 : index
      %swap3A_393 = tpu.vector_load %arg11[%swap3A_391, %swap3A_392] {strides = array<i32>} : memref<13x64xi32, #tpu.memory_space<vmem>>, vector<16xi32>,
      tpu.vector_store %arg11[%swap3A_391, %swap3A_392], %get3A_384 {strides = array<i32>} : memref<13x64xi32, #tpu.memory_space<vmem>>, vector<16xi32>,
      %swap3A_394 = arith.constant 4 : i32
      %swap3A_395 = arith.index_cast %swap3A_394 : i32 to index
      %swap3A_396 = arith.constant 16 : index
      %swap3A_397 = tpu.vector_load %arg12[%swap3A_395, %swap3A_396] {strides = array<i32>} : memref<13x64xi32, #tpu.memory_space<vmem>>, vector<16xi32>,
      tpu.vector_store %arg12[%swap3A_395, %swap3A_396], %get3A_386 {strides = array<i32>} : memref<13x64xi32, #tpu.memory_space<vmem>>, vector<16xi32>,
      %swap3A_398 = arith.constant 4 : i32
      %swap3A_399 = arith.index_cast %swap3A_398 : i32 to index
      %swap3A_400 = arith.constant 16 : index
      %swap3A_401 = tpu.vector_load %arg13[%swap3A_399, %swap3A_400] {strides = array<i32>} : memref<13x64xi32, #tpu.memory_space<vmem>>, vector<16xi32>,
      tpu.vector_store %arg13[%swap3A_399, %swap3A_400], %gather3A_389 {strides = array<i32>} : memref<13x64xi32, #tpu.memory_space<vmem>>, vector<16xi32>,
      %get3A_402 = arith.constant 288 : index
      %get3A_403 = tpu.vector_load %arg8[%get3A_402] {strides = array<i32>} : memref<848xi32, #tpu.memory_space<vmem>>, vector<16xi32>,
      %get3A_404 = arith.constant 288 : index
      %get3A_405 = tpu.vector_load %arg9[%get3A_404] {strides = array<i32>} : memref<848xi32, #tpu.memory_space<vmem>>, vector<16xi32>,
      %sub3A_406 = vector.broadcast %mul3A_2 : i32 to vector<16xi32>
      %sub3A_407 = arith.subi %get3A_403, %sub3A_406 : vector<16xi32>
      %gather3A_408 = tpu.vector_load_idx %arg10[%sub3A_407] : memref<31312xi32, #tpu.memory_space<vmem>>[vector<16xi32>], vector<16xi32>,
      %swap3A_409 = arith.constant 4 : i32
      %swap3A_410 = arith.index_cast %swap3A_409 : i32 to index
      %swap3A_411 = arith.constant 32 : index
      %swap3A_412 = tpu.vector_load %arg11[%swap3A_410, %swap3A_411] {strides = array<i32>} : memref<13x64xi32, #tpu.memory_space<vmem>>, vector<16xi32>,
      tpu.vector_store %arg11[%swap3A_410, %swap3A_411], %get3A_403 {strides = array<i32>} : memref<13x64xi32, #tpu.memory_space<vmem>>, vector<16xi32>,
      %swap3A_413 = arith.constant 4 : i32
      %swap3A_414 = arith.index_cast %swap3A_413 : i32 to index
      %swap3A_415 = arith.constant 32 : index
      %swap3A_416 = tpu.vector_load %arg12[%swap3A_414, %swap3A_415] {strides = array<i32>} : memref<13x64xi32, #tpu.memory_space<vmem>>, vector<16xi32>,
      tpu.vector_store %arg12[%swap3A_414, %swap3A_415], %get3A_405 {strides = array<i32>} : memref<13x64xi32, #tpu.memory_space<vmem>>, vector<16xi32>,
      %swap3A_417 = arith.constant 4 : i32
      %swap3A_418 = arith.index_cast %swap3A_417 : i32 to index
      %swap3A_419 = arith.constant 32 : index
      %swap3A_420 = tpu.vector_load %arg13[%swap3A_418, %swap3A_419] {strides = array<i32>} : memref<13x64xi32, #tpu.memory_space<vmem>>, vector<16xi32>,
      tpu.vector_store %arg13[%swap3A_418, %swap3A_419], %gather3A_408 {strides = array<i32>} : memref<13x64xi32, #tpu.memory_space<vmem>>, vector<16xi32>,
      %get3A_421 = arith.constant 304 : index
      %get3A_422 = tpu.vector_load %arg8[%get3A_421] {strides = array<i32>} : memref<848xi32, #tpu.memory_space<vmem>>, vector<16xi32>,
      %get3A_423 = arith.constant 304 : index
      %get3A_424 = tpu.vector_load %arg9[%get3A_423] {strides = array<i32>} : memref<848xi32, #tpu.memory_space<vmem>>, vector<16xi32>,
      %sub3A_425 = vector.broadcast %mul3A_2 : i32 to vector<16xi32>
      %sub3A_426 = arith.subi %get3A_422, %sub3A_425 : vector<16xi32>
      %gather3A_427 = tpu.vector_load_idx %arg10[%sub3A_426] : memref<31312xi32, #tpu.memory_space<vmem>>[vector<16xi32>], vector<16xi32>,
      %swap3A_428 = arith.constant 4 : i32
      %swap3A_429 = arith.index_cast %swap3A_428 : i32 to index
      %swap3A_430 = arith.constant 48 : index
      %swap3A_431 = tpu.vector_load %arg11[%swap3A_429, %swap3A_430] {strides = array<i32>} : memref<13x64xi32, #tpu.memory_space<vmem>>, vector<16xi32>,
      tpu.vector_store %arg11[%swap3A_429, %swap3A_430], %get3A_422 {strides = array<i32>} : memref<13x64xi32, #tpu.memory_space<vmem>>, vector<16xi32>,
      %swap3A_432 = arith.constant 4 : i32
      %swap3A_433 = arith.index_cast %swap3A_432 : i32 to index
      %swap3A_434 = arith.constant 48 : index
      %swap3A_435 = tpu.vector_load %arg12[%swap3A_433, %swap3A_434] {strides = array<i32>} : memref<13x64xi32, #tpu.memory_space<vmem>>, vector<16xi32>,
      tpu.vector_store %arg12[%swap3A_433, %swap3A_434], %get3A_424 {strides = array<i32>} : memref<13x64xi32, #tpu.memory_space<vmem>>, vector<16xi32>,
      %swap3A_436 = arith.constant 4 : i32
      %swap3A_437 = arith.index_cast %swap3A_436 : i32 to index
      %swap3A_438 = arith.constant 48 : index
      %swap3A_439 = tpu.vector_load %arg13[%swap3A_437, %swap3A_438] {strides = array<i32>} : memref<13x64xi32, #tpu.memory_space<vmem>>, vector<16xi32>,
      tpu.vector_store %arg13[%swap3A_437, %swap3A_438], %gather3A_427 {strides = array<i32>} : memref<13x64xi32, #tpu.memory_space<vmem>>, vector<16xi32>,
      %get3A_440 = arith.constant 320 : index
      %get3A_441 = tpu.vector_load %arg8[%get3A_440] {strides = array<i32>} : memref<848xi32, #tpu.memory_space<vmem>>, vector<16xi32>,
      %get3A_442 = arith.constant 320 : index
      %get3A_443 = tpu.vector_load %arg9[%get3A_442] {strides = array<i32>} : memref<848xi32, #tpu.memory_space<vmem>>, vector<16xi32>,
      %sub3A_444 = vector.broadcast %mul3A_2 : i32 to vector<16xi32>
      %sub3A_445 = arith.subi %get3A_441, %sub3A_444 : vector<16xi32>
      %gather3A_446 = tpu.vector_load_idx %arg10[%sub3A_445] : memref<31312xi32, #tpu.memory_space<vmem>>[vector<16xi32>], vector<16xi32>,
      %swap3A_447 = arith.constant 5 : i32
      %swap3A_448 = arith.index_cast %swap3A_447 : i32 to index
      %swap3A_449 = arith.constant 0 : index
      %swap3A_450 = tpu.vector_load %arg11[%swap3A_448, %swap3A_449] {strides = array<i32>} : memref<13x64xi32, #tpu.memory_space<vmem>>, vector<16xi32>,
      tpu.vector_store %arg11[%swap3A_448, %swap3A_449], %get3A_441 {strides = array<i32>} : memref<13x64xi32, #tpu.memory_space<vmem>>, vector<16xi32>,
      %swap3A_451 = arith.constant 5 : i32
      %swap3A_452 = arith.index_cast %swap3A_451 : i32 to index
      %swap3A_453 = arith.constant 0 : index
      %swap3A_454 = tpu.vector_load %arg12[%swap3A_452, %swap3A_453] {strides = array<i32>} : memref<13x64xi32, #tpu.memory_space<vmem>>, vector<16xi32>,
      tpu.vector_store %arg12[%swap3A_452, %swap3A_453], %get3A_443 {strides = array<i32>} : memref<13x64xi32, #tpu.memory_space<vmem>>, vector<16xi32>,
      %swap3A_455 = arith.constant 5 : i32
      %swap3A_456 = arith.index_cast %swap3A_455 : i32 to index
      %swap3A_457 = arith.constant 0 : index
      %swap3A_458 = tpu.vector_load %arg13[%swap3A_456, %swap3A_457] {strides = array<i32>} : memref<13x64xi32, #tpu.memory_space<vmem>>, vector<16xi32>,
      tpu.vector_store %arg13[%swap3A_456, %swap3A_457], %gather3A_446 {strides = array<i32>} : memref<13x64xi32, #tpu.memory_space<vmem>>, vector<16xi32>,
      %get3A_459 = arith.constant 336 : index
      %get3A_460 = tpu.vector_load %arg8[%get3A_459] {strides = array<i32>} : memref<848xi32, #tpu.memory_space<vmem>>, vector<16xi32>,
      %get3A_461 = arith.constant 336 : index
      %get3A_462 = tpu.vector_load %arg9[%get3A_461] {strides = array<i32>} : memref<848xi32, #tpu.memory_space<vmem>>, vector<16xi32>,
      %sub3A_463 = vector.broadcast %mul3A_2 : i32 to vector<16xi32>
      %sub3A_464 = arith.subi %get3A_460, %sub3A_463 : vector<16xi32>
      %gather3A_465 = tpu.vector_load_idx %arg10[%sub3A_464] : memref<31312xi32, #tpu.memory_space<vmem>>[vector<16xi32>], vector<16xi32>,
      %swap3A_466 = arith.constant 5 : i32
      %swap3A_467 = arith.index_cast %swap3A_466 : i32 to index
      %swap3A_468 = arith.constant 16 : index
      %swap3A_469 = tpu.vector_load %arg11[%swap3A_467, %swap3A_468] {strides = array<i32>} : memref<13x64xi32, #tpu.memory_space<vmem>>, vector<16xi32>,
      tpu.vector_store %arg11[%swap3A_467, %swap3A_468], %get3A_460 {strides = array<i32>} : memref<13x64xi32, #tpu.memory_space<vmem>>, vector<16xi32>,
      %swap3A_470 = arith.constant 5 : i32
      %swap3A_471 = arith.index_cast %swap3A_470 : i32 to index
      %swap3A_472 = arith.constant 16 : index
      %swap3A_473 = tpu.vector_load %arg12[%swap3A_471, %swap3A_472] {strides = array<i32>} : memref<13x64xi32, #tpu.memory_space<vmem>>, vector<16xi32>,
      tpu.vector_store %arg12[%swap3A_471, %swap3A_472], %get3A_462 {strides = array<i32>} : memref<13x64xi32, #tpu.memory_space<vmem>>, vector<16xi32>,
      %swap3A_474 = arith.constant 5 : i32
      %swap3A_475 = arith.index_cast %swap3A_474 : i32 to index
      %swap3A_476 = arith.constant 16 : index
      %swap3A_477 = tpu.vector_load %arg13[%swap3A_475, %swap3A_476] {strides = array<i32>} : memref<13x64xi32, #tpu.memory_space<vmem>>, vector<16xi32>,
      tpu.vector_store %arg13[%swap3A_475, %swap3A_476], %gather3A_465 {strides = array<i32>} : memref<13x64xi32, #tpu.memory_space<vmem>>, vector<16xi32>,
      %get3A_478 = arith.constant 352 : index
      %get3A_479 = tpu.vector_load %arg8[%get3A_478] {strides = array<i32>} : memref<848xi32, #tpu.memory_space<vmem>>, vector<16xi32>,
      %get3A_480 = arith.constant 352 : index
      %get3A_481 = tpu.vector_load %arg9[%get3A_480] {strides = array<i32>} : memref<848xi32, #tpu.memory_space<vmem>>, vector<16xi32>,
      %sub3A_482 = vector.broadcast %mul3A_2 : i32 to vector<16xi32>
      %sub3A_483 = arith.subi %get3A_479, %sub3A_482 : vector<16xi32>
      %gather3A_484 = tpu.vector_load_idx %arg10[%sub3A_483] : memref<31312xi32, #tpu.memory_space<vmem>>[vector<16xi32>], vector<16xi32>,
      %swap3A_485 = arith.constant 5 : i32
      %swap3A_486 = arith.index_cast %swap3A_485 : i32 to index
      %swap3A_487 = arith.constant 32 : index
      %swap3A_488 = tpu.vector_load %arg11[%swap3A_486, %swap3A_487] {strides = array<i32>} : memref<13x64xi32, #tpu.memory_space<vmem>>, vector<16xi32>,
      tpu.vector_store %arg11[%swap3A_486, %swap3A_487], %get3A_479 {strides = array<i32>} : memref<13x64xi32, #tpu.memory_space<vmem>>, vector<16xi32>,
      %swap3A_489 = arith.constant 5 : i32
      %swap3A_490 = arith.index_cast %swap3A_489 : i32 to index
      %swap3A_491 = arith.constant 32 : index
      %swap3A_492 = tpu.vector_load %arg12[%swap3A_490, %swap3A_491] {strides = array<i32>} : memref<13x64xi32, #tpu.memory_space<vmem>>, vector<16xi32>,
      tpu.vector_store %arg12[%swap3A_490, %swap3A_491], %get3A_481 {strides = array<i32>} : memref<13x64xi32, #tpu.memory_space<vmem>>, vector<16xi32>,
      %swap3A_493 = arith.constant 5 : i32
      %swap3A_494 = arith.index_cast %swap3A_493 : i32 to index
      %swap3A_495 = arith.constant 32 : index
      %swap3A_496 = tpu.vector_load %arg13[%swap3A_494, %swap3A_495] {strides = array<i32>} : memref<13x64xi32, #tpu.memory_space<vmem>>, vector<16xi32>,
      tpu.vector_store %arg13[%swap3A_494, %swap3A_495], %gather3A_484 {strides = array<i32>} : memref<13x64xi32, #tpu.memory_space<vmem>>, vector<16xi32>,
      %get3A_497 = arith.constant 368 : index
      %get3A_498 = tpu.vector_load %arg8[%get3A_497] {strides = array<i32>} : memref<848xi32, #tpu.memory_space<vmem>>, vector<16xi32>,
      %get3A_499 = arith.constant 368 : index
      %get3A_500 = tpu.vector_load %arg9[%get3A_499] {strides = array<i32>} : memref<848xi32, #tpu.memory_space<vmem>>, vector<16xi32>,
      %sub3A_501 = vector.broadcast %mul3A_2 : i32 to vector<16xi32>
      %sub3A_502 = arith.subi %get3A_498, %sub3A_501 : vector<16xi32>
      %gather3A_503 = tpu.vector_load_idx %arg10[%sub3A_502] : memref<31312xi32, #tpu.memory_space<vmem>>[vector<16xi32>], vector<16xi32>,
      %swap3A_504 = arith.constant 5 : i32
      %swap3A_505 = arith.index_cast %swap3A_504 : i32 to index
      %swap3A_506 = arith.constant 48 : index
      %swap3A_507 = tpu.vector_load %arg11[%swap3A_505, %swap3A_506] {strides = array<i32>} : memref<13x64xi32, #tpu.memory_space<vmem>>, vector<16xi32>,
      tpu.vector_store %arg11[%swap3A_505, %swap3A_506], %get3A_498 {strides = array<i32>} : memref<13x64xi32, #tpu.memory_space<vmem>>, vector<16xi32>,
      %swap3A_508 = arith.constant 5 : i32
      %swap3A_509 = arith.index_cast %swap3A_508 : i32 to index
      %swap3A_510 = arith.constant 48 : index
      %swap3A_511 = tpu.vector_load %arg12[%swap3A_509, %swap3A_510] {strides = array<i32>} : memref<13x64xi32, #tpu.memory_space<vmem>>, vector<16xi32>,
      tpu.vector_store %arg12[%swap3A_509, %swap3A_510], %get3A_500 {strides = array<i32>} : memref<13x64xi32, #tpu.memory_space<vmem>>, vector<16xi32>,
      %swap3A_512 = arith.constant 5 : i32
      %swap3A_513 = arith.index_cast %swap3A_512 : i32 to index
      %swap3A_514 = arith.constant 48 : index
      %swap3A_515 = tpu.vector_load %arg13[%swap3A_513, %swap3A_514] {strides = array<i32>} : memref<13x64xi32, #tpu.memory_space<vmem>>, vector<16xi32>,
      tpu.vector_store %arg13[%swap3A_513, %swap3A_514], %gather3A_503 {strides = array<i32>} : memref<13x64xi32, #tpu.memory_space<vmem>>, vector<16xi32>,
      %get3A_516 = arith.constant 384 : index
      %get3A_517 = tpu.vector_load %arg8[%get3A_516] {strides = array<i32>} : memref<848xi32, #tpu.memory_space<vmem>>, vector<16xi32>,
      %get3A_518 = arith.constant 384 : index
      %get3A_519 = tpu.vector_load %arg9[%get3A_518] {strides = array<i32>} : memref<848xi32, #tpu.memory_space<vmem>>, vector<16xi32>,
      %sub3A_520 = vector.broadcast %mul3A_2 : i32 to vector<16xi32>
      %sub3A_521 = arith.subi %get3A_517, %sub3A_520 : vector<16xi32>
      %gather3A_522 = tpu.vector_load_idx %arg10[%sub3A_521] : memref<31312xi32, #tpu.memory_space<vmem>>[vector<16xi32>], vector<16xi32>,
      %swap3A_523 = arith.constant 6 : i32
      %swap3A_524 = arith.index_cast %swap3A_523 : i32 to index
      %swap3A_525 = arith.constant 0 : index
      %swap3A_526 = tpu.vector_load %arg11[%swap3A_524, %swap3A_525] {strides = array<i32>} : memref<13x64xi32, #tpu.memory_space<vmem>>, vector<16xi32>,
      tpu.vector_store %arg11[%swap3A_524, %swap3A_525], %get3A_517 {strides = array<i32>} : memref<13x64xi32, #tpu.memory_space<vmem>>, vector<16xi32>,
      %swap3A_527 = arith.constant 6 : i32
      %swap3A_528 = arith.index_cast %swap3A_527 : i32 to index
      %swap3A_529 = arith.constant 0 : index
      %swap3A_530 = tpu.vector_load %arg12[%swap3A_528, %swap3A_529] {strides = array<i32>} : memref<13x64xi32, #tpu.memory_space<vmem>>, vector<16xi32>,
      tpu.vector_store %arg12[%swap3A_528, %swap3A_529], %get3A_519 {strides = array<i32>} : memref<13x64xi32, #tpu.memory_space<vmem>>, vector<16xi32>,
      %swap3A_531 = arith.constant 6 : i32
      %swap3A_532 = arith.index_cast %swap3A_531 : i32 to index
      %swap3A_533 = arith.constant 0 : index
      %swap3A_534 = tpu.vector_load %arg13[%swap3A_532, %swap3A_533] {strides = array<i32>} : memref<13x64xi32, #tpu.memory_space<vmem>>, vector<16xi32>,
      tpu.vector_store %arg13[%swap3A_532, %swap3A_533], %gather3A_522 {strides = array<i32>} : memref<13x64xi32, #tpu.memory_space<vmem>>, vector<16xi32>,
      %get3A_535 = arith.constant 400 : index
      %get3A_536 = tpu.vector_load %arg8[%get3A_535] {strides = array<i32>} : memref<848xi32, #tpu.memory_space<vmem>>, vector<16xi32>,
      %get3A_537 = arith.constant 400 : index
      %get3A_538 = tpu.vector_load %arg9[%get3A_537] {strides = array<i32>} : memref<848xi32, #tpu.memory_space<vmem>>, vector<16xi32>,
      %sub3A_539 = vector.broadcast %mul3A_2 : i32 to vector<16xi32>
      %sub3A_540 = arith.subi %get3A_536, %sub3A_539 : vector<16xi32>
      %gather3A_541 = tpu.vector_load_idx %arg10[%sub3A_540] : memref<31312xi32, #tpu.memory_space<vmem>>[vector<16xi32>], vector<16xi32>,
      %swap3A_542 = arith.constant 6 : i32
      %swap3A_543 = arith.index_cast %swap3A_542 : i32 to index
      %swap3A_544 = arith.constant 16 : index
      %swap3A_545 = tpu.vector_load %arg11[%swap3A_543, %swap3A_544] {strides = array<i32>} : memref<13x64xi32, #tpu.memory_space<vmem>>, vector<16xi32>,
      tpu.vector_store %arg11[%swap3A_543, %swap3A_544], %get3A_536 {strides = array<i32>} : memref<13x64xi32, #tpu.memory_space<vmem>>, vector<16xi32>,
      %swap3A_546 = arith.constant 6 : i32
      %swap3A_547 = arith.index_cast %swap3A_546 : i32 to index
      %swap3A_548 = arith.constant 16 : index
      %swap3A_549 = tpu.vector_load %arg12[%swap3A_547, %swap3A_548] {strides = array<i32>} : memref<13x64xi32, #tpu.memory_space<vmem>>, vector<16xi32>,
      tpu.vector_store %arg12[%swap3A_547, %swap3A_548], %get3A_538 {strides = array<i32>} : memref<13x64xi32, #tpu.memory_space<vmem>>, vector<16xi32>,
      %swap3A_550 = arith.constant 6 : i32
      %swap3A_551 = arith.index_cast %swap3A_550 : i32 to index
      %swap3A_552 = arith.constant 16 : index
      %swap3A_553 = tpu.vector_load %arg13[%swap3A_551, %swap3A_552] {strides = array<i32>} : memref<13x64xi32, #tpu.memory_space<vmem>>, vector<16xi32>,
      tpu.vector_store %arg13[%swap3A_551, %swap3A_552], %gather3A_541 {strides = array<i32>} : memref<13x64xi32, #tpu.memory_space<vmem>>, vector<16xi32>,
      %get3A_554 = arith.constant 416 : index
      %get3A_555 = tpu.vector_load %arg8[%get3A_554] {strides = array<i32>} : memref<848xi32, #tpu.memory_space<vmem>>, vector<16xi32>,
      %get3A_556 = arith.constant 416 : index
      %get3A_557 = tpu.vector_load %arg9[%get3A_556] {strides = array<i32>} : memref<848xi32, #tpu.memory_space<vmem>>, vector<16xi32>,
      %sub3A_558 = vector.broadcast %mul3A_2 : i32 to vector<16xi32>
      %sub3A_559 = arith.subi %get3A_555, %sub3A_558 : vector<16xi32>
      %gather3A_560 = tpu.vector_load_idx %arg10[%sub3A_559] : memref<31312xi32, #tpu.memory_space<vmem>>[vector<16xi32>], vector<16xi32>,
      %swap3A_561 = arith.constant 6 : i32
      %swap3A_562 = arith.index_cast %swap3A_561 : i32 to index
      %swap3A_563 = arith.constant 32 : index
      %swap3A_564 = tpu.vector_load %arg11[%swap3A_562, %swap3A_563] {strides = array<i32>} : memref<13x64xi32, #tpu.memory_space<vmem>>, vector<16xi32>,
      tpu.vector_store %arg11[%swap3A_562, %swap3A_563], %get3A_555 {strides = array<i32>} : memref<13x64xi32, #tpu.memory_space<vmem>>, vector<16xi32>,
      %swap3A_565 = arith.constant 6 : i32
      %swap3A_566 = arith.index_cast %swap3A_565 : i32 to index
      %swap3A_567 = arith.constant 32 : index
      %swap3A_568 = tpu.vector_load %arg12[%swap3A_566, %swap3A_567] {strides = array<i32>} : memref<13x64xi32, #tpu.memory_space<vmem>>, vector<16xi32>,
      tpu.vector_store %arg12[%swap3A_566, %swap3A_567], %get3A_557 {strides = array<i32>} : memref<13x64xi32, #tpu.memory_space<vmem>>, vector<16xi32>,
      %swap3A_569 = arith.constant 6 : i32
      %swap3A_570 = arith.index_cast %swap3A_569 : i32 to index
      %swap3A_571 = arith.constant 32 : index
      %swap3A_572 = tpu.vector_load %arg13[%swap3A_570, %swap3A_571] {strides = array<i32>} : memref<13x64xi32, #tpu.memory_space<vmem>>, vector<16xi32>,
      tpu.vector_store %arg13[%swap3A_570, %swap3A_571], %gather3A_560 {strides = array<i32>} : memref<13x64xi32, #tpu.memory_space<vmem>>, vector<16xi32>,
      %get3A_573 = arith.constant 432 : index
      %get3A_574 = tpu.vector_load %arg8[%get3A_573] {strides = array<i32>} : memref<848xi32, #tpu.memory_space<vmem>>, vector<16xi32>,
      %get3A_575 = arith.constant 432 : index
      %get3A_576 = tpu.vector_load %arg9[%get3A_575] {strides = array<i32>} : memref<848xi32, #tpu.memory_space<vmem>>, vector<16xi32>,
      %sub3A_577 = vector.broadcast %mul3A_2 : i32 to vector<16xi32>
      %sub3A_578 = arith.subi %get3A_574, %sub3A_577 : vector<16xi32>
      %gather3A_579 = tpu.vector_load_idx %arg10[%sub3A_578] : memref<31312xi32, #tpu.memory_space<vmem>>[vector<16xi32>], vector<16xi32>,
      %swap3A_580 = arith.constant 6 : i32
      %swap3A_581 = arith.index_cast %swap3A_580 : i32 to index
      %swap3A_582 = arith.constant 48 : index
      %swap3A_583 = tpu.vector_load %arg11[%swap3A_581, %swap3A_582] {strides = array<i32>} : memref<13x64xi32, #tpu.memory_space<vmem>>, vector<16xi32>,
      tpu.vector_store %arg11[%swap3A_581, %swap3A_582], %get3A_574 {strides = array<i32>} : memref<13x64xi32, #tpu.memory_space<vmem>>, vector<16xi32>,
      %swap3A_584 = arith.constant 6 : i32
      %swap3A_585 = arith.index_cast %swap3A_584 : i32 to index
      %swap3A_586 = arith.constant 48 : index
      %swap3A_587 = tpu.vector_load %arg12[%swap3A_585, %swap3A_586] {strides = array<i32>} : memref<13x64xi32, #tpu.memory_space<vmem>>, vector<16xi32>,
      tpu.vector_store %arg12[%swap3A_585, %swap3A_586], %get3A_576 {strides = array<i32>} : memref<13x64xi32, #tpu.memory_space<vmem>>, vector<16xi32>,
      %swap3A_588 = arith.constant 6 : i32
      %swap3A_589 = arith.index_cast %swap3A_588 : i32 to index
      %swap3A_590 = arith.constant 48 : index
      %swap3A_591 = tpu.vector_load %arg13[%swap3A_589, %swap3A_590] {strides = array<i32>} : memref<13x64xi32, #tpu.memory_space<vmem>>, vector<16xi32>,
      tpu.vector_store %arg13[%swap3A_589, %swap3A_590], %gather3A_579 {strides = array<i32>} : memref<13x64xi32, #tpu.memory_space<vmem>>, vector<16xi32>,
      %get3A_592 = arith.constant 448 : index
      %get3A_593 = tpu.vector_load %arg8[%get3A_592] {strides = array<i32>} : memref<848xi32, #tpu.memory_space<vmem>>, vector<16xi32>,
      %get3A_594 = arith.constant 448 : index
      %get3A_595 = tpu.vector_load %arg9[%get3A_594] {strides = array<i32>} : memref<848xi32, #tpu.memory_space<vmem>>, vector<16xi32>,
      %sub3A_596 = vector.broadcast %mul3A_2 : i32 to vector<16xi32>
      %sub3A_597 = arith.subi %get3A_593, %sub3A_596 : vector<16xi32>
      %gather3A_598 = tpu.vector_load_idx %arg10[%sub3A_597] : memref<31312xi32, #tpu.memory_space<vmem>>[vector<16xi32>], vector<16xi32>,
      %swap3A_599 = arith.constant 7 : i32
      %swap3A_600 = arith.index_cast %swap3A_599 : i32 to index
      %swap3A_601 = arith.constant 0 : index
      %swap3A_602 = tpu.vector_load %arg11[%swap3A_600, %swap3A_601] {strides = array<i32>} : memref<13x64xi32, #tpu.memory_space<vmem>>, vector<16xi32>,
      tpu.vector_store %arg11[%swap3A_600, %swap3A_601], %get3A_593 {strides = array<i32>} : memref<13x64xi32, #tpu.memory_space<vmem>>, vector<16xi32>,
      %swap3A_603 = arith.constant 7 : i32
      %swap3A_604 = arith.index_cast %swap3A_603 : i32 to index
      %swap3A_605 = arith.constant 0 : index
      %swap3A_606 = tpu.vector_load %arg12[%swap3A_604, %swap3A_605] {strides = array<i32>} : memref<13x64xi32, #tpu.memory_space<vmem>>, vector<16xi32>,
      tpu.vector_store %arg12[%swap3A_604, %swap3A_605], %get3A_595 {strides = array<i32>} : memref<13x64xi32, #tpu.memory_space<vmem>>, vector<16xi32>,
      %swap3A_607 = arith.constant 7 : i32
      %swap3A_608 = arith.index_cast %swap3A_607 : i32 to index
      %swap3A_609 = arith.constant 0 : index
      %swap3A_610 = tpu.vector_load %arg13[%swap3A_608, %swap3A_609] {strides = array<i32>} : memref<13x64xi32, #tpu.memory_space<vmem>>, vector<16xi32>,
      tpu.vector_store %arg13[%swap3A_608, %swap3A_609], %gather3A_598 {strides = array<i32>} : memref<13x64xi32, #tpu.memory_space<vmem>>, vector<16xi32>,
      %get3A_611 = arith.constant 464 : index
      %get3A_612 = tpu.vector_load %arg8[%get3A_611] {strides = array<i32>} : memref<848xi32, #tpu.memory_space<vmem>>, vector<16xi32>,
      %get3A_613 = arith.constant 464 : index
      %get3A_614 = tpu.vector_load %arg9[%get3A_613] {strides = array<i32>} : memref<848xi32, #tpu.memory_space<vmem>>, vector<16xi32>,
      %sub3A_615 = vector.broadcast %mul3A_2 : i32 to vector<16xi32>
      %sub3A_616 = arith.subi %get3A_612, %sub3A_615 : vector<16xi32>
      %gather3A_617 = tpu.vector_load_idx %arg10[%sub3A_616] : memref<31312xi32, #tpu.memory_space<vmem>>[vector<16xi32>], vector<16xi32>,
      %swap3A_618 = arith.constant 7 : i32
      %swap3A_619 = arith.index_cast %swap3A_618 : i32 to index
      %swap3A_620 = arith.constant 16 : index
      %swap3A_621 = tpu.vector_load %arg11[%swap3A_619, %swap3A_620] {strides = array<i32>} : memref<13x64xi32, #tpu.memory_space<vmem>>, vector<16xi32>,
      tpu.vector_store %arg11[%swap3A_619, %swap3A_620], %get3A_612 {strides = array<i32>} : memref<13x64xi32, #tpu.memory_space<vmem>>, vector<16xi32>,
      %swap3A_622 = arith.constant 7 : i32
      %swap3A_623 = arith.index_cast %swap3A_622 : i32 to index
      %swap3A_624 = arith.constant 16 : index
      %swap3A_625 = tpu.vector_load %arg12[%swap3A_623, %swap3A_624] {strides = array<i32>} : memref<13x64xi32, #tpu.memory_space<vmem>>, vector<16xi32>,
      tpu.vector_store %arg12[%swap3A_623, %swap3A_624], %get3A_614 {strides = array<i32>} : memref<13x64xi32, #tpu.memory_space<vmem>>, vector<16xi32>,
      %swap3A_626 = arith.constant 7 : i32
      %swap3A_627 = arith.index_cast %swap3A_626 : i32 to index
      %swap3A_628 = arith.constant 16 : index
      %swap3A_629 = tpu.vector_load %arg13[%swap3A_627, %swap3A_628] {strides = array<i32>} : memref<13x64xi32, #tpu.memory_space<vmem>>, vector<16xi32>,
      tpu.vector_store %arg13[%swap3A_627, %swap3A_628], %gather3A_617 {strides = array<i32>} : memref<13x64xi32, #tpu.memory_space<vmem>>, vector<16xi32>,
      %get3A_630 = arith.constant 480 : index
      %get3A_631 = tpu.vector_load %arg8[%get3A_630] {strides = array<i32>} : memref<848xi32, #tpu.memory_space<vmem>>, vector<16xi32>,
      %get3A_632 = arith.constant 480 : index
      %get3A_633 = tpu.vector_load %arg9[%get3A_632] {strides = array<i32>} : memref<848xi32, #tpu.memory_space<vmem>>, vector<16xi32>,
      %sub3A_634 = vector.broadcast %mul3A_2 : i32 to vector<16xi32>
      %sub3A_635 = arith.subi %get3A_631, %sub3A_634 : vector<16xi32>
      %gather3A_636 = tpu.vector_load_idx %arg10[%sub3A_635] : memref<31312xi32, #tpu.memory_space<vmem>>[vector<16xi32>], vector<16xi32>,
      %swap3A_637 = arith.constant 7 : i32
      %swap3A_638 = arith.index_cast %swap3A_637 : i32 to index
      %swap3A_639 = arith.constant 32 : index
      %swap3A_640 = tpu.vector_load %arg11[%swap3A_638, %swap3A_639] {strides = array<i32>} : memref<13x64xi32, #tpu.memory_space<vmem>>, vector<16xi32>,
      tpu.vector_store %arg11[%swap3A_638, %swap3A_639], %get3A_631 {strides = array<i32>} : memref<13x64xi32, #tpu.memory_space<vmem>>, vector<16xi32>,
      %swap3A_641 = arith.constant 7 : i32
      %swap3A_642 = arith.index_cast %swap3A_641 : i32 to index
      %swap3A_643 = arith.constant 32 : index
      %swap3A_644 = tpu.vector_load %arg12[%swap3A_642, %swap3A_643] {strides = array<i32>} : memref<13x64xi32, #tpu.memory_space<vmem>>, vector<16xi32>,
      tpu.vector_store %arg12[%swap3A_642, %swap3A_643], %get3A_633 {strides = array<i32>} : memref<13x64xi32, #tpu.memory_space<vmem>>, vector<16xi32>,
      %swap3A_645 = arith.constant 7 : i32
      %swap3A_646 = arith.index_cast %swap3A_645 : i32 to index
      %swap3A_647 = arith.constant 32 : index
      %swap3A_648 = tpu.vector_load %arg13[%swap3A_646, %swap3A_647] {strides = array<i32>} : memref<13x64xi32, #tpu.memory_space<vmem>>, vector<16xi32>,
      tpu.vector_store %arg13[%swap3A_646, %swap3A_647], %gather3A_636 {strides = array<i32>} : memref<13x64xi32, #tpu.memory_space<vmem>>, vector<16xi32>,
      %get3A_649 = arith.constant 496 : index
      %get3A_650 = tpu.vector_load %arg8[%get3A_649] {strides = array<i32>} : memref<848xi32, #tpu.memory_space<vmem>>, vector<16xi32>,
      %get3A_651 = arith.constant 496 : index
      %get3A_652 = tpu.vector_load %arg9[%get3A_651] {strides = array<i32>} : memref<848xi32, #tpu.memory_space<vmem>>, vector<16xi32>,
      %sub3A_653 = vector.broadcast %mul3A_2 : i32 to vector<16xi32>
      %sub3A_654 = arith.subi %get3A_650, %sub3A_653 : vector<16xi32>
      %gather3A_655 = tpu.vector_load_idx %arg10[%sub3A_654] : memref<31312xi32, #tpu.memory_space<vmem>>[vector<16xi32>], vector<16xi32>,
      %swap3A_656 = arith.constant 7 : i32
      %swap3A_657 = arith.index_cast %swap3A_656 : i32 to index
      %swap3A_658 = arith.constant 48 : index
      %swap3A_659 = tpu.vector_load %arg11[%swap3A_657, %swap3A_658] {strides = array<i32>} : memref<13x64xi32, #tpu.memory_space<vmem>>, vector<16xi32>,
      tpu.vector_store %arg11[%swap3A_657, %swap3A_658], %get3A_650 {strides = array<i32>} : memref<13x64xi32, #tpu.memory_space<vmem>>, vector<16xi32>,
      %swap3A_660 = arith.constant 7 : i32
      %swap3A_661 = arith.index_cast %swap3A_660 : i32 to index
      %swap3A_662 = arith.constant 48 : index
      %swap3A_663 = tpu.vector_load %arg12[%swap3A_661, %swap3A_662] {strides = array<i32>} : memref<13x64xi32, #tpu.memory_space<vmem>>, vector<16xi32>,
      tpu.vector_store %arg12[%swap3A_661, %swap3A_662], %get3A_652 {strides = array<i32>} : memref<13x64xi32, #tpu.memory_space<vmem>>, vector<16xi32>,
      %swap3A_664 = arith.constant 7 : i32
      %swap3A_665 = arith.index_cast %swap3A_664 : i32 to index
      %swap3A_666 = arith.constant 48 : index
      %swap3A_667 = tpu.vector_load %arg13[%swap3A_665, %swap3A_666] {strides = array<i32>} : memref<13x64xi32, #tpu.memory_space<vmem>>, vector<16xi32>,
      tpu.vector_store %arg13[%swap3A_665, %swap3A_666], %gather3A_655 {strides = array<i32>} : memref<13x64xi32, #tpu.memory_space<vmem>>, vector<16xi32>,
      %get3A_668 = arith.constant 512 : index
      %get3A_669 = tpu.vector_load %arg8[%get3A_668] {strides = array<i32>} : memref<848xi32, #tpu.memory_space<vmem>>, vector<16xi32>,
      %get3A_670 = arith.constant 512 : index
      %get3A_671 = tpu.vector_load %arg9[%get3A_670] {strides = array<i32>} : memref<848xi32, #tpu.memory_space<vmem>>, vector<16xi32>,
      %sub3A_672 = vector.broadcast %mul3A_2 : i32 to vector<16xi32>
      %sub3A_673 = arith.subi %get3A_669, %sub3A_672 : vector<16xi32>
      %gather3A_674 = tpu.vector_load_idx %arg10[%sub3A_673] : memref<31312xi32, #tpu.memory_space<vmem>>[vector<16xi32>], vector<16xi32>,
      %swap3A_675 = arith.constant 8 : i32
      %swap3A_676 = arith.index_cast %swap3A_675 : i32 to index
      %swap3A_677 = arith.constant 0 : index
      %swap3A_678 = tpu.vector_load %arg11[%swap3A_676, %swap3A_677] {strides = array<i32>} : memref<13x64xi32, #tpu.memory_space<vmem>>, vector<16xi32>,
      tpu.vector_store %arg11[%swap3A_676, %swap3A_677], %get3A_669 {strides = array<i32>} : memref<13x64xi32, #tpu.memory_space<vmem>>, vector<16xi32>,
      %swap3A_679 = arith.constant 8 : i32
      %swap3A_680 = arith.index_cast %swap3A_679 : i32 to index
      %swap3A_681 = arith.constant 0 : index
      %swap3A_682 = tpu.vector_load %arg12[%swap3A_680, %swap3A_681] {strides = array<i32>} : memref<13x64xi32, #tpu.memory_space<vmem>>, vector<16xi32>,
      tpu.vector_store %arg12[%swap3A_680, %swap3A_681], %get3A_671 {strides = array<i32>} : memref<13x64xi32, #tpu.memory_space<vmem>>, vector<16xi32>,
      %swap3A_683 = arith.constant 8 : i32
      %swap3A_684 = arith.index_cast %swap3A_683 : i32 to index
      %swap3A_685 = arith.constant 0 : index
      %swap3A_686 = tpu.vector_load %arg13[%swap3A_684, %swap3A_685] {strides = array<i32>} : memref<13x64xi32, #tpu.memory_space<vmem>>, vector<16xi32>,
      tpu.vector_store %arg13[%swap3A_684, %swap3A_685], %gather3A_674 {strides = array<i32>} : memref<13x64xi32, #tpu.memory_space<vmem>>, vector<16xi32>,
      %get3A_687 = arith.constant 528 : index
      %get3A_688 = tpu.vector_load %arg8[%get3A_687] {strides = array<i32>} : memref<848xi32, #tpu.memory_space<vmem>>, vector<16xi32>,
      %get3A_689 = arith.constant 528 : index
      %get3A_690 = tpu.vector_load %arg9[%get3A_689] {strides = array<i32>} : memref<848xi32, #tpu.memory_space<vmem>>, vector<16xi32>,
      %sub3A_691 = vector.broadcast %mul3A_2 : i32 to vector<16xi32>
      %sub3A_692 = arith.subi %get3A_688, %sub3A_691 : vector<16xi32>
      %gather3A_693 = tpu.vector_load_idx %arg10[%sub3A_692] : memref<31312xi32, #tpu.memory_space<vmem>>[vector<16xi32>], vector<16xi32>,
      %swap3A_694 = arith.constant 8 : i32
      %swap3A_695 = arith.index_cast %swap3A_694 : i32 to index
      %swap3A_696 = arith.constant 16 : index
      %swap3A_697 = tpu.vector_load %arg11[%swap3A_695, %swap3A_696] {strides = array<i32>} : memref<13x64xi32, #tpu.memory_space<vmem>>, vector<16xi32>,
      tpu.vector_store %arg11[%swap3A_695, %swap3A_696], %get3A_688 {strides = array<i32>} : memref<13x64xi32, #tpu.memory_space<vmem>>, vector<16xi32>,
      %swap3A_698 = arith.constant 8 : i32
      %swap3A_699 = arith.index_cast %swap3A_698 : i32 to index
      %swap3A_700 = arith.constant 16 : index
      %swap3A_701 = tpu.vector_load %arg12[%swap3A_699, %swap3A_700] {strides = array<i32>} : memref<13x64xi32, #tpu.memory_space<vmem>>, vector<16xi32>,
      tpu.vector_store %arg12[%swap3A_699, %swap3A_700], %get3A_690 {strides = array<i32>} : memref<13x64xi32, #tpu.memory_space<vmem>>, vector<16xi32>,
      %swap3A_702 = arith.constant 8 : i32
      %swap3A_703 = arith.index_cast %swap3A_702 : i32 to index
      %swap3A_704 = arith.constant 16 : index
      %swap3A_705 = tpu.vector_load %arg13[%swap3A_703, %swap3A_704] {strides = array<i32>} : memref<13x64xi32, #tpu.memory_space<vmem>>, vector<16xi32>,
      tpu.vector_store %arg13[%swap3A_703, %swap3A_704], %gather3A_693 {strides = array<i32>} : memref<13x64xi32, #tpu.memory_space<vmem>>, vector<16xi32>,
      %get3A_706 = arith.constant 544 : index
      %get3A_707 = tpu.vector_load %arg8[%get3A_706] {strides = array<i32>} : memref<848xi32, #tpu.memory_space<vmem>>, vector<16xi32>,
      %get3A_708 = arith.constant 544 : index
      %get3A_709 = tpu.vector_load %arg9[%get3A_708] {strides = array<i32>} : memref<848xi32, #tpu.memory_space<vmem>>, vector<16xi32>,
      %sub3A_710 = vector.broadcast %mul3A_2 : i32 to vector<16xi32>
      %sub3A_711 = arith.subi %get3A_707, %sub3A_710 : vector<16xi32>
      %gather3A_712 = tpu.vector_load_idx %arg10[%sub3A_711] : memref<31312xi32, #tpu.memory_space<vmem>>[vector<16xi32>], vector<16xi32>,
      %swap3A_713 = arith.constant 8 : i32
      %swap3A_714 = arith.index_cast %swap3A_713 : i32 to index
      %swap3A_715 = arith.constant 32 : index
      %swap3A_716 = tpu.vector_load %arg11[%swap3A_714, %swap3A_715] {strides = array<i32>} : memref<13x64xi32, #tpu.memory_space<vmem>>, vector<16xi32>,
      tpu.vector_store %arg11[%swap3A_714, %swap3A_715], %get3A_707 {strides = array<i32>} : memref<13x64xi32, #tpu.memory_space<vmem>>, vector<16xi32>,
      %swap3A_717 = arith.constant 8 : i32
      %swap3A_718 = arith.index_cast %swap3A_717 : i32 to index
      %swap3A_719 = arith.constant 32 : index
      %swap3A_720 = tpu.vector_load %arg12[%swap3A_718, %swap3A_719] {strides = array<i32>} : memref<13x64xi32, #tpu.memory_space<vmem>>, vector<16xi32>,
      tpu.vector_store %arg12[%swap3A_718, %swap3A_719], %get3A_709 {strides = array<i32>} : memref<13x64xi32, #tpu.memory_space<vmem>>, vector<16xi32>,
      %swap3A_721 = arith.constant 8 : i32
      %swap3A_722 = arith.index_cast %swap3A_721 : i32 to index
      %swap3A_723 = arith.constant 32 : index
      %swap3A_724 = tpu.vector_load %arg13[%swap3A_722, %swap3A_723] {strides = array<i32>} : memref<13x64xi32, #tpu.memory_space<vmem>>, vector<16xi32>,
      tpu.vector_store %arg13[%swap3A_722, %swap3A_723], %gather3A_712 {strides = array<i32>} : memref<13x64xi32, #tpu.memory_space<vmem>>, vector<16xi32>,
      %get3A_725 = arith.constant 560 : index
      %get3A_726 = tpu.vector_load %arg8[%get3A_725] {strides = array<i32>} : memref<848xi32, #tpu.memory_space<vmem>>, vector<16xi32>,
      %get3A_727 = arith.constant 560 : index
      %get3A_728 = tpu.vector_load %arg9[%get3A_727] {strides = array<i32>} : memref<848xi32, #tpu.memory_space<vmem>>, vector<16xi32>,
      %sub3A_729 = vector.broadcast %mul3A_2 : i32 to vector<16xi32>
      %sub3A_730 = arith.subi %get3A_726, %sub3A_729 : vector<16xi32>
      %gather3A_731 = tpu.vector_load_idx %arg10[%sub3A_730] : memref<31312xi32, #tpu.memory_space<vmem>>[vector<16xi32>], vector<16xi32>,
      %swap3A_732 = arith.constant 8 : i32
      %swap3A_733 = arith.index_cast %swap3A_732 : i32 to index
      %swap3A_734 = arith.constant 48 : index
      %swap3A_735 = tpu.vector_load %arg11[%swap3A_733, %swap3A_734] {strides = array<i32>} : memref<13x64xi32, #tpu.memory_space<vmem>>, vector<16xi32>,
      tpu.vector_store %arg11[%swap3A_733, %swap3A_734], %get3A_726 {strides = array<i32>} : memref<13x64xi32, #tpu.memory_space<vmem>>, vector<16xi32>,
      %swap3A_736 = arith.constant 8 : i32
      %swap3A_737 = arith.index_cast %swap3A_736 : i32 to index
      %swap3A_738 = arith.constant 48 : index
      %swap3A_739 = tpu.vector_load %arg12[%swap3A_737, %swap3A_738] {strides = array<i32>} : memref<13x64xi32, #tpu.memory_space<vmem>>, vector<16xi32>,
      tpu.vector_store %arg12[%swap3A_737, %swap3A_738], %get3A_728 {strides = array<i32>} : memref<13x64xi32, #tpu.memory_space<vmem>>, vector<16xi32>,
      %swap3A_740 = arith.constant 8 : i32
      %swap3A_741 = arith.index_cast %swap3A_740 : i32 to index
      %swap3A_742 = arith.constant 48 : index
      %swap3A_743 = tpu.vector_load %arg13[%swap3A_741, %swap3A_742] {strides = array<i32>} : memref<13x64xi32, #tpu.memory_space<vmem>>, vector<16xi32>,
      tpu.vector_store %arg13[%swap3A_741, %swap3A_742], %gather3A_731 {strides = array<i32>} : memref<13x64xi32, #tpu.memory_space<vmem>>, vector<16xi32>,
      %get3A_744 = arith.constant 576 : index
      %get3A_745 = tpu.vector_load %arg8[%get3A_744] {strides = array<i32>} : memref<848xi32, #tpu.memory_space<vmem>>, vector<16xi32>,
      %get3A_746 = arith.constant 576 : index
      %get3A_747 = tpu.vector_load %arg9[%get3A_746] {strides = array<i32>} : memref<848xi32, #tpu.memory_space<vmem>>, vector<16xi32>,
      %sub3A_748 = vector.broadcast %mul3A_2 : i32 to vector<16xi32>
      %sub3A_749 = arith.subi %get3A_745, %sub3A_748 : vector<16xi32>
      %gather3A_750 = tpu.vector_load_idx %arg10[%sub3A_749] : memref<31312xi32, #tpu.memory_space<vmem>>[vector<16xi32>], vector<16xi32>,
      %swap3A_751 = arith.constant 9 : i32
      %swap3A_752 = arith.index_cast %swap3A_751 : i32 to index
      %swap3A_753 = arith.constant 0 : index
      %swap3A_754 = tpu.vector_load %arg11[%swap3A_752, %swap3A_753] {strides = array<i32>} : memref<13x64xi32, #tpu.memory_space<vmem>>, vector<16xi32>,
      tpu.vector_store %arg11[%swap3A_752, %swap3A_753], %get3A_745 {strides = array<i32>} : memref<13x64xi32, #tpu.memory_space<vmem>>, vector<16xi32>,
      %swap3A_755 = arith.constant 9 : i32
      %swap3A_756 = arith.index_cast %swap3A_755 : i32 to index
      %swap3A_757 = arith.constant 0 : index
      %swap3A_758 = tpu.vector_load %arg12[%swap3A_756, %swap3A_757] {strides = array<i32>} : memref<13x64xi32, #tpu.memory_space<vmem>>, vector<16xi32>,
      tpu.vector_store %arg12[%swap3A_756, %swap3A_757], %get3A_747 {strides = array<i32>} : memref<13x64xi32, #tpu.memory_space<vmem>>, vector<16xi32>,
      %swap3A_759 = arith.constant 9 : i32
      %swap3A_760 = arith.index_cast %swap3A_759 : i32 to index
      %swap3A_761 = arith.constant 0 : index
      %swap3A_762 = tpu.vector_load %arg13[%swap3A_760, %swap3A_761] {strides = array<i32>} : memref<13x64xi32, #tpu.memory_space<vmem>>, vector<16xi32>,
      tpu.vector_store %arg13[%swap3A_760, %swap3A_761], %gather3A_750 {strides = array<i32>} : memref<13x64xi32, #tpu.memory_space<vmem>>, vector<16xi32>,
      %get3A_763 = arith.constant 592 : index
      %get3A_764 = tpu.vector_load %arg8[%get3A_763] {strides = array<i32>} : memref<848xi32, #tpu.memory_space<vmem>>, vector<16xi32>,
      %get3A_765 = arith.constant 592 : index
      %get3A_766 = tpu.vector_load %arg9[%get3A_765] {strides = array<i32>} : memref<848xi32, #tpu.memory_space<vmem>>, vector<16xi32>,
      %sub3A_767 = vector.broadcast %mul3A_2 : i32 to vector<16xi32>
      %sub3A_768 = arith.subi %get3A_764, %sub3A_767 : vector<16xi32>
      %gather3A_769 = tpu.vector_load_idx %arg10[%sub3A_768] : memref<31312xi32, #tpu.memory_space<vmem>>[vector<16xi32>], vector<16xi32>,
      %swap3A_770 = arith.constant 9 : i32
      %swap3A_771 = arith.index_cast %swap3A_770 : i32 to index
      %swap3A_772 = arith.constant 16 : index
      %swap3A_773 = tpu.vector_load %arg11[%swap3A_771, %swap3A_772] {strides = array<i32>} : memref<13x64xi32, #tpu.memory_space<vmem>>, vector<16xi32>,
      tpu.vector_store %arg11[%swap3A_771, %swap3A_772], %get3A_764 {strides = array<i32>} : memref<13x64xi32, #tpu.memory_space<vmem>>, vector<16xi32>,
      %swap3A_774 = arith.constant 9 : i32
      %swap3A_775 = arith.index_cast %swap3A_774 : i32 to index
      %swap3A_776 = arith.constant 16 : index
      %swap3A_777 = tpu.vector_load %arg12[%swap3A_775, %swap3A_776] {strides = array<i32>} : memref<13x64xi32, #tpu.memory_space<vmem>>, vector<16xi32>,
      tpu.vector_store %arg12[%swap3A_775, %swap3A_776], %get3A_766 {strides = array<i32>} : memref<13x64xi32, #tpu.memory_space<vmem>>, vector<16xi32>,
      %swap3A_778 = arith.constant 9 : i32
      %swap3A_779 = arith.index_cast %swap3A_778 : i32 to index
      %swap3A_780 = arith.constant 16 : index
      %swap3A_781 = tpu.vector_load %arg13[%swap3A_779, %swap3A_780] {strides = array<i32>} : memref<13x64xi32, #tpu.memory_space<vmem>>, vector<16xi32>,
      tpu.vector_store %arg13[%swap3A_779, %swap3A_780], %gather3A_769 {strides = array<i32>} : memref<13x64xi32, #tpu.memory_space<vmem>>, vector<16xi32>,
      %get3A_782 = arith.constant 608 : index
      %get3A_783 = tpu.vector_load %arg8[%get3A_782] {strides = array<i32>} : memref<848xi32, #tpu.memory_space<vmem>>, vector<16xi32>,
      %get3A_784 = arith.constant 608 : index
      %get3A_785 = tpu.vector_load %arg9[%get3A_784] {strides = array<i32>} : memref<848xi32, #tpu.memory_space<vmem>>, vector<16xi32>,
      %sub3A_786 = vector.broadcast %mul3A_2 : i32 to vector<16xi32>
      %sub3A_787 = arith.subi %get3A_783, %sub3A_786 : vector<16xi32>
      %gather3A_788 = tpu.vector_load_idx %arg10[%sub3A_787] : memref<31312xi32, #tpu.memory_space<vmem>>[vector<16xi32>], vector<16xi32>,
      %swap3A_789 = arith.constant 9 : i32
      %swap3A_790 = arith.index_cast %swap3A_789 : i32 to index
      %swap3A_791 = arith.constant 32 : index
      %swap3A_792 = tpu.vector_load %arg11[%swap3A_790, %swap3A_791] {strides = array<i32>} : memref<13x64xi32, #tpu.memory_space<vmem>>, vector<16xi32>,
      tpu.vector_store %arg11[%swap3A_790, %swap3A_791], %get3A_783 {strides = array<i32>} : memref<13x64xi32, #tpu.memory_space<vmem>>, vector<16xi32>,
      %swap3A_793 = arith.constant 9 : i32
      %swap3A_794 = arith.index_cast %swap3A_793 : i32 to index
      %swap3A_795 = arith.constant 32 : index
      %swap3A_796 = tpu.vector_load %arg12[%swap3A_794, %swap3A_795] {strides = array<i32>} : memref<13x64xi32, #tpu.memory_space<vmem>>, vector<16xi32>,
      tpu.vector_store %arg12[%swap3A_794, %swap3A_795], %get3A_785 {strides = array<i32>} : memref<13x64xi32, #tpu.memory_space<vmem>>, vector<16xi32>,
      %swap3A_797 = arith.constant 9 : i32
      %swap3A_798 = arith.index_cast %swap3A_797 : i32 to index
      %swap3A_799 = arith.constant 32 : index
      %swap3A_800 = tpu.vector_load %arg13[%swap3A_798, %swap3A_799] {strides = array<i32>} : memref<13x64xi32, #tpu.memory_space<vmem>>, vector<16xi32>,
      tpu.vector_store %arg13[%swap3A_798, %swap3A_799], %gather3A_788 {strides = array<i32>} : memref<13x64xi32, #tpu.memory_space<vmem>>, vector<16xi32>,
      %get3A_801 = arith.constant 624 : index
      %get3A_802 = tpu.vector_load %arg8[%get3A_801] {strides = array<i32>} : memref<848xi32, #tpu.memory_space<vmem>>, vector<16xi32>,
      %get3A_803 = arith.constant 624 : index
      %get3A_804 = tpu.vector_load %arg9[%get3A_803] {strides = array<i32>} : memref<848xi32, #tpu.memory_space<vmem>>, vector<16xi32>,
      %sub3A_805 = vector.broadcast %mul3A_2 : i32 to vector<16xi32>
      %sub3A_806 = arith.subi %get3A_802, %sub3A_805 : vector<16xi32>
      %gather3A_807 = tpu.vector_load_idx %arg10[%sub3A_806] : memref<31312xi32, #tpu.memory_space<vmem>>[vector<16xi32>], vector<16xi32>,
      %swap3A_808 = arith.constant 9 : i32
      %swap3A_809 = arith.index_cast %swap3A_808 : i32 to index
      %swap3A_810 = arith.constant 48 : index
      %swap3A_811 = tpu.vector_load %arg11[%swap3A_809, %swap3A_810] {strides = array<i32>} : memref<13x64xi32, #tpu.memory_space<vmem>>, vector<16xi32>,
      tpu.vector_store %arg11[%swap3A_809, %swap3A_810], %get3A_802 {strides = array<i32>} : memref<13x64xi32, #tpu.memory_space<vmem>>, vector<16xi32>,
      %swap3A_812 = arith.constant 9 : i32
      %swap3A_813 = arith.index_cast %swap3A_812 : i32 to index
      %swap3A_814 = arith.constant 48 : index
      %swap3A_815 = tpu.vector_load %arg12[%swap3A_813, %swap3A_814] {strides = array<i32>} : memref<13x64xi32, #tpu.memory_space<vmem>>, vector<16xi32>,
      tpu.vector_store %arg12[%swap3A_813, %swap3A_814], %get3A_804 {strides = array<i32>} : memref<13x64xi32, #tpu.memory_space<vmem>>, vector<16xi32>,
      %swap3A_816 = arith.constant 9 : i32
      %swap3A_817 = arith.index_cast %swap3A_816 : i32 to index
      %swap3A_818 = arith.constant 48 : index
      %swap3A_819 = tpu.vector_load %arg13[%swap3A_817, %swap3A_818] {strides = array<i32>} : memref<13x64xi32, #tpu.memory_space<vmem>>, vector<16xi32>,
      tpu.vector_store %arg13[%swap3A_817, %swap3A_818], %gather3A_807 {strides = array<i32>} : memref<13x64xi32, #tpu.memory_space<vmem>>, vector<16xi32>,
      %get3A_820 = arith.constant 640 : index
      %get3A_821 = tpu.vector_load %arg8[%get3A_820] {strides = array<i32>} : memref<848xi32, #tpu.memory_space<vmem>>, vector<16xi32>,
      %get3A_822 = arith.constant 640 : index
      %get3A_823 = tpu.vector_load %arg9[%get3A_822] {strides = array<i32>} : memref<848xi32, #tpu.memory_space<vmem>>, vector<16xi32>,
      %sub3A_824 = vector.broadcast %mul3A_2 : i32 to vector<16xi32>
      %sub3A_825 = arith.subi %get3A_821, %sub3A_824 : vector<16xi32>
      %gather3A_826 = tpu.vector_load_idx %arg10[%sub3A_825] : memref<31312xi32, #tpu.memory_space<vmem>>[vector<16xi32>], vector<16xi32>,
      %swap3A_827 = arith.constant 10 : i32
      %swap3A_828 = arith.index_cast %swap3A_827 : i32 to index
      %swap3A_829 = arith.constant 0 : index
      %swap3A_830 = tpu.vector_load %arg11[%swap3A_828, %swap3A_829] {strides = array<i32>} : memref<13x64xi32, #tpu.memory_space<vmem>>, vector<16xi32>,
      tpu.vector_store %arg11[%swap3A_828, %swap3A_829], %get3A_821 {strides = array<i32>} : memref<13x64xi32, #tpu.memory_space<vmem>>, vector<16xi32>,
      %swap3A_831 = arith.constant 10 : i32
      %swap3A_832 = arith.index_cast %swap3A_831 : i32 to index
      %swap3A_833 = arith.constant 0 : index
      %swap3A_834 = tpu.vector_load %arg12[%swap3A_832, %swap3A_833] {strides = array<i32>} : memref<13x64xi32, #tpu.memory_space<vmem>>, vector<16xi32>,
      tpu.vector_store %arg12[%swap3A_832, %swap3A_833], %get3A_823 {strides = array<i32>} : memref<13x64xi32, #tpu.memory_space<vmem>>, vector<16xi32>,
      %swap3A_835 = arith.constant 10 : i32
      %swap3A_836 = arith.index_cast %swap3A_835 : i32 to index
      %swap3A_837 = arith.constant 0 : index
      %swap3A_838 = tpu.vector_load %arg13[%swap3A_836, %swap3A_837] {strides = array<i32>} : memref<13x64xi32, #tpu.memory_space<vmem>>, vector<16xi32>,
      tpu.vector_store %arg13[%swap3A_836, %swap3A_837], %gather3A_826 {strides = array<i32>} : memref<13x64xi32, #tpu.memory_space<vmem>>, vector<16xi32>,
      %get3A_839 = arith.constant 656 : index
      %get3A_840 = tpu.vector_load %arg8[%get3A_839] {strides = array<i32>} : memref<848xi32, #tpu.memory_space<vmem>>, vector<16xi32>,
      %get3A_841 = arith.constant 656 : index
      %get3A_842 = tpu.vector_load %arg9[%get3A_841] {strides = array<i32>} : memref<848xi32, #tpu.memory_space<vmem>>, vector<16xi32>,
      %sub3A_843 = vector.broadcast %mul3A_2 : i32 to vector<16xi32>
      %sub3A_844 = arith.subi %get3A_840, %sub3A_843 : vector<16xi32>
      %gather3A_845 = tpu.vector_load_idx %arg10[%sub3A_844] : memref<31312xi32, #tpu.memory_space<vmem>>[vector<16xi32>], vector<16xi32>,
      %swap3A_846 = arith.constant 10 : i32
      %swap3A_847 = arith.index_cast %swap3A_846 : i32 to index
      %swap3A_848 = arith.constant 16 : index
      %swap3A_849 = tpu.vector_load %arg11[%swap3A_847, %swap3A_848] {strides = array<i32>} : memref<13x64xi32, #tpu.memory_space<vmem>>, vector<16xi32>,
      tpu.vector_store %arg11[%swap3A_847, %swap3A_848], %get3A_840 {strides = array<i32>} : memref<13x64xi32, #tpu.memory_space<vmem>>, vector<16xi32>,
      %swap3A_850 = arith.constant 10 : i32
      %swap3A_851 = arith.index_cast %swap3A_850 : i32 to index
      %swap3A_852 = arith.constant 16 : index
      %swap3A_853 = tpu.vector_load %arg12[%swap3A_851, %swap3A_852] {strides = array<i32>} : memref<13x64xi32, #tpu.memory_space<vmem>>, vector<16xi32>,
      tpu.vector_store %arg12[%swap3A_851, %swap3A_852], %get3A_842 {strides = array<i32>} : memref<13x64xi32, #tpu.memory_space<vmem>>, vector<16xi32>,
      %swap3A_854 = arith.constant 10 : i32
      %swap3A_855 = arith.index_cast %swap3A_854 : i32 to index
      %swap3A_856 = arith.constant 16 : index
      %swap3A_857 = tpu.vector_load %arg13[%swap3A_855, %swap3A_856] {strides = array<i32>} : memref<13x64xi32, #tpu.memory_space<vmem>>, vector<16xi32>,
      tpu.vector_store %arg13[%swap3A_855, %swap3A_856], %gather3A_845 {strides = array<i32>} : memref<13x64xi32, #tpu.memory_space<vmem>>, vector<16xi32>,
      %get3A_858 = arith.constant 672 : index
      %get3A_859 = tpu.vector_load %arg8[%get3A_858] {strides = array<i32>} : memref<848xi32, #tpu.memory_space<vmem>>, vector<16xi32>,
      %get3A_860 = arith.constant 672 : index
      %get3A_861 = tpu.vector_load %arg9[%get3A_860] {strides = array<i32>} : memref<848xi32, #tpu.memory_space<vmem>>, vector<16xi32>,
      %sub3A_862 = vector.broadcast %mul3A_2 : i32 to vector<16xi32>
      %sub3A_863 = arith.subi %get3A_859, %sub3A_862 : vector<16xi32>
      %gather3A_864 = tpu.vector_load_idx %arg10[%sub3A_863] : memref<31312xi32, #tpu.memory_space<vmem>>[vector<16xi32>], vector<16xi32>,
      %swap3A_865 = arith.constant 10 : i32
      %swap3A_866 = arith.index_cast %swap3A_865 : i32 to index
      %swap3A_867 = arith.constant 32 : index
      %swap3A_868 = tpu.vector_load %arg11[%swap3A_866, %swap3A_867] {strides = array<i32>} : memref<13x64xi32, #tpu.memory_space<vmem>>, vector<16xi32>,
      tpu.vector_store %arg11[%swap3A_866, %swap3A_867], %get3A_859 {strides = array<i32>} : memref<13x64xi32, #tpu.memory_space<vmem>>, vector<16xi32>,
      %swap3A_869 = arith.constant 10 : i32
      %swap3A_870 = arith.index_cast %swap3A_869 : i32 to index
      %swap3A_871 = arith.constant 32 : index
      %swap3A_872 = tpu.vector_load %arg12[%swap3A_870, %swap3A_871] {strides = array<i32>} : memref<13x64xi32, #tpu.memory_space<vmem>>, vector<16xi32>,
      tpu.vector_store %arg12[%swap3A_870, %swap3A_871], %get3A_861 {strides = array<i32>} : memref<13x64xi32, #tpu.memory_space<vmem>>, vector<16xi32>,
      %swap3A_873 = arith.constant 10 : i32
      %swap3A_874 = arith.index_cast %swap3A_873 : i32 to index
      %swap3A_875 = arith.constant 32 : index
      %swap3A_876 = tpu.vector_load %arg13[%swap3A_874, %swap3A_875] {strides = array<i32>} : memref<13x64xi32, #tpu.memory_space<vmem>>, vector<16xi32>,
      tpu.vector_store %arg13[%swap3A_874, %swap3A_875], %gather3A_864 {strides = array<i32>} : memref<13x64xi32, #tpu.memory_space<vmem>>, vector<16xi32>,
      %get3A_877 = arith.constant 688 : index
      %get3A_878 = tpu.vector_load %arg8[%get3A_877] {strides = array<i32>} : memref<848xi32, #tpu.memory_space<vmem>>, vector<16xi32>,
      %get3A_879 = arith.constant 688 : index
      %get3A_880 = tpu.vector_load %arg9[%get3A_879] {strides = array<i32>} : memref<848xi32, #tpu.memory_space<vmem>>, vector<16xi32>,
      %sub3A_881 = vector.broadcast %mul3A_2 : i32 to vector<16xi32>
      %sub3A_882 = arith.subi %get3A_878, %sub3A_881 : vector<16xi32>
      %gather3A_883 = tpu.vector_load_idx %arg10[%sub3A_882] : memref<31312xi32, #tpu.memory_space<vmem>>[vector<16xi32>], vector<16xi32>,
      %swap3A_884 = arith.constant 10 : i32
      %swap3A_885 = arith.index_cast %swap3A_884 : i32 to index
      %swap3A_886 = arith.constant 48 : index
      %swap3A_887 = tpu.vector_load %arg11[%swap3A_885, %swap3A_886] {strides = array<i32>} : memref<13x64xi32, #tpu.memory_space<vmem>>, vector<16xi32>,
      tpu.vector_store %arg11[%swap3A_885, %swap3A_886], %get3A_878 {strides = array<i32>} : memref<13x64xi32, #tpu.memory_space<vmem>>, vector<16xi32>,
      %swap3A_888 = arith.constant 10 : i32
      %swap3A_889 = arith.index_cast %swap3A_888 : i32 to index
      %swap3A_890 = arith.constant 48 : index
      %swap3A_891 = tpu.vector_load %arg12[%swap3A_889, %swap3A_890] {strides = array<i32>} : memref<13x64xi32, #tpu.memory_space<vmem>>, vector<16xi32>,
      tpu.vector_store %arg12[%swap3A_889, %swap3A_890], %get3A_880 {strides = array<i32>} : memref<13x64xi32, #tpu.memory_space<vmem>>, vector<16xi32>,
      %swap3A_892 = arith.constant 10 : i32
      %swap3A_893 = arith.index_cast %swap3A_892 : i32 to index
      %swap3A_894 = arith.constant 48 : index
      %swap3A_895 = tpu.vector_load %arg13[%swap3A_893, %swap3A_894] {strides = array<i32>} : memref<13x64xi32, #tpu.memory_space<vmem>>, vector<16xi32>,
      tpu.vector_store %arg13[%swap3A_893, %swap3A_894], %gather3A_883 {strides = array<i32>} : memref<13x64xi32, #tpu.memory_space<vmem>>, vector<16xi32>,
      %get3A_896 = arith.constant 704 : index
      %get3A_897 = tpu.vector_load %arg8[%get3A_896] {strides = array<i32>} : memref<848xi32, #tpu.memory_space<vmem>>, vector<16xi32>,
      %get3A_898 = arith.constant 704 : index
      %get3A_899 = tpu.vector_load %arg9[%get3A_898] {strides = array<i32>} : memref<848xi32, #tpu.memory_space<vmem>>, vector<16xi32>,
      %sub3A_900 = vector.broadcast %mul3A_2 : i32 to vector<16xi32>
      %sub3A_901 = arith.subi %get3A_897, %sub3A_900 : vector<16xi32>
      %gather3A_902 = tpu.vector_load_idx %arg10[%sub3A_901] : memref<31312xi32, #tpu.memory_space<vmem>>[vector<16xi32>], vector<16xi32>,
      %swap3A_903 = arith.constant 11 : i32
      %swap3A_904 = arith.index_cast %swap3A_903 : i32 to index
      %swap3A_905 = arith.constant 0 : index
      %swap3A_906 = tpu.vector_load %arg11[%swap3A_904, %swap3A_905] {strides = array<i32>} : memref<13x64xi32, #tpu.memory_space<vmem>>, vector<16xi32>,
      tpu.vector_store %arg11[%swap3A_904, %swap3A_905], %get3A_897 {strides = array<i32>} : memref<13x64xi32, #tpu.memory_space<vmem>>, vector<16xi32>,
      %swap3A_907 = arith.constant 11 : i32
      %swap3A_908 = arith.index_cast %swap3A_907 : i32 to index
      %swap3A_909 = arith.constant 0 : index
      %swap3A_910 = tpu.vector_load %arg12[%swap3A_908, %swap3A_909] {strides = array<i32>} : memref<13x64xi32, #tpu.memory_space<vmem>>, vector<16xi32>,
      tpu.vector_store %arg12[%swap3A_908, %swap3A_909], %get3A_899 {strides = array<i32>} : memref<13x64xi32, #tpu.memory_space<vmem>>, vector<16xi32>,
      %swap3A_911 = arith.constant 11 : i32
      %swap3A_912 = arith.index_cast %swap3A_911 : i32 to index
      %swap3A_913 = arith.constant 0 : index
      %swap3A_914 = tpu.vector_load %arg13[%swap3A_912, %swap3A_913] {strides = array<i32>} : memref<13x64xi32, #tpu.memory_space<vmem>>, vector<16xi32>,
      tpu.vector_store %arg13[%swap3A_912, %swap3A_913], %gather3A_902 {strides = array<i32>} : memref<13x64xi32, #tpu.memory_space<vmem>>, vector<16xi32>,
      %get3A_915 = arith.constant 720 : index
      %get3A_916 = tpu.vector_load %arg8[%get3A_915] {strides = array<i32>} : memref<848xi32, #tpu.memory_space<vmem>>, vector<16xi32>,
      %get3A_917 = arith.constant 720 : index
      %get3A_918 = tpu.vector_load %arg9[%get3A_917] {strides = array<i32>} : memref<848xi32, #tpu.memory_space<vmem>>, vector<16xi32>,
      %sub3A_919 = vector.broadcast %mul3A_2 : i32 to vector<16xi32>
      %sub3A_920 = arith.subi %get3A_916, %sub3A_919 : vector<16xi32>
      %gather3A_921 = tpu.vector_load_idx %arg10[%sub3A_920] : memref<31312xi32, #tpu.memory_space<vmem>>[vector<16xi32>], vector<16xi32>,
      %swap3A_922 = arith.constant 11 : i32
      %swap3A_923 = arith.index_cast %swap3A_922 : i32 to index
      %swap3A_924 = arith.constant 16 : index
      %swap3A_925 = tpu.vector_load %arg11[%swap3A_923, %swap3A_924] {strides = array<i32>} : memref<13x64xi32, #tpu.memory_space<vmem>>, vector<16xi32>,
      tpu.vector_store %arg11[%swap3A_923, %swap3A_924], %get3A_916 {strides = array<i32>} : memref<13x64xi32, #tpu.memory_space<vmem>>, vector<16xi32>,
      %swap3A_926 = arith.constant 11 : i32
      %swap3A_927 = arith.index_cast %swap3A_926 : i32 to index
      %swap3A_928 = arith.constant 16 : index
      %swap3A_929 = tpu.vector_load %arg12[%swap3A_927, %swap3A_928] {strides = array<i32>} : memref<13x64xi32, #tpu.memory_space<vmem>>, vector<16xi32>,
      tpu.vector_store %arg12[%swap3A_927, %swap3A_928], %get3A_918 {strides = array<i32>} : memref<13x64xi32, #tpu.memory_space<vmem>>, vector<16xi32>,
      %swap3A_930 = arith.constant 11 : i32
      %swap3A_931 = arith.index_cast %swap3A_930 : i32 to index
      %swap3A_932 = arith.constant 16 : index
      %swap3A_933 = tpu.vector_load %arg13[%swap3A_931, %swap3A_932] {strides = array<i32>} : memref<13x64xi32, #tpu.memory_space<vmem>>, vector<16xi32>,
      tpu.vector_store %arg13[%swap3A_931, %swap3A_932], %gather3A_921 {strides = array<i32>} : memref<13x64xi32, #tpu.memory_space<vmem>>, vector<16xi32>,
      %get3A_934 = arith.constant 736 : index
      %get3A_935 = tpu.vector_load %arg8[%get3A_934] {strides = array<i32>} : memref<848xi32, #tpu.memory_space<vmem>>, vector<16xi32>,
      %get3A_936 = arith.constant 736 : index
      %get3A_937 = tpu.vector_load %arg9[%get3A_936] {strides = array<i32>} : memref<848xi32, #tpu.memory_space<vmem>>, vector<16xi32>,
      %sub3A_938 = vector.broadcast %mul3A_2 : i32 to vector<16xi32>
      %sub3A_939 = arith.subi %get3A_935, %sub3A_938 : vector<16xi32>
      %gather3A_940 = tpu.vector_load_idx %arg10[%sub3A_939] : memref<31312xi32, #tpu.memory_space<vmem>>[vector<16xi32>], vector<16xi32>,
      %swap3A_941 = arith.constant 11 : i32
      %swap3A_942 = arith.index_cast %swap3A_941 : i32 to index
      %swap3A_943 = arith.constant 32 : index
      %swap3A_944 = tpu.vector_load %arg11[%swap3A_942, %swap3A_943] {strides = array<i32>} : memref<13x64xi32, #tpu.memory_space<vmem>>, vector<16xi32>,
      tpu.vector_store %arg11[%swap3A_942, %swap3A_943], %get3A_935 {strides = array<i32>} : memref<13x64xi32, #tpu.memory_space<vmem>>, vector<16xi32>,
      %swap3A_945 = arith.constant 11 : i32
      %swap3A_946 = arith.index_cast %swap3A_945 : i32 to index
      %swap3A_947 = arith.constant 32 : index
      %swap3A_948 = tpu.vector_load %arg12[%swap3A_946, %swap3A_947] {strides = array<i32>} : memref<13x64xi32, #tpu.memory_space<vmem>>, vector<16xi32>,
      tpu.vector_store %arg12[%swap3A_946, %swap3A_947], %get3A_937 {strides = array<i32>} : memref<13x64xi32, #tpu.memory_space<vmem>>, vector<16xi32>,
      %swap3A_949 = arith.constant 11 : i32
      %swap3A_950 = arith.index_cast %swap3A_949 : i32 to index
      %swap3A_951 = arith.constant 32 : index
      %swap3A_952 = tpu.vector_load %arg13[%swap3A_950, %swap3A_951] {strides = array<i32>} : memref<13x64xi32, #tpu.memory_space<vmem>>, vector<16xi32>,
      tpu.vector_store %arg13[%swap3A_950, %swap3A_951], %gather3A_940 {strides = array<i32>} : memref<13x64xi32, #tpu.memory_space<vmem>>, vector<16xi32>,
      %get3A_953 = arith.constant 752 : index
      %get3A_954 = tpu.vector_load %arg8[%get3A_953] {strides = array<i32>} : memref<848xi32, #tpu.memory_space<vmem>>, vector<16xi32>,
      %get3A_955 = arith.constant 752 : index
      %get3A_956 = tpu.vector_load %arg9[%get3A_955] {strides = array<i32>} : memref<848xi32, #tpu.memory_space<vmem>>, vector<16xi32>,
      %sub3A_957 = vector.broadcast %mul3A_2 : i32 to vector<16xi32>
      %sub3A_958 = arith.subi %get3A_954, %sub3A_957 : vector<16xi32>
      %gather3A_959 = tpu.vector_load_idx %arg10[%sub3A_958] : memref<31312xi32, #tpu.memory_space<vmem>>[vector<16xi32>], vector<16xi32>,
      %swap3A_960 = arith.constant 11 : i32
      %swap3A_961 = arith.index_cast %swap3A_960 : i32 to index
      %swap3A_962 = arith.constant 48 : index
      %swap3A_963 = tpu.vector_load %arg11[%swap3A_961, %swap3A_962] {strides = array<i32>} : memref<13x64xi32, #tpu.memory_space<vmem>>, vector<16xi32>,
      tpu.vector_store %arg11[%swap3A_961, %swap3A_962], %get3A_954 {strides = array<i32>} : memref<13x64xi32, #tpu.memory_space<vmem>>, vector<16xi32>,
      %swap3A_964 = arith.constant 11 : i32
      %swap3A_965 = arith.index_cast %swap3A_964 : i32 to index
      %swap3A_966 = arith.constant 48 : index
      %swap3A_967 = tpu.vector_load %arg12[%swap3A_965, %swap3A_966] {strides = array<i32>} : memref<13x64xi32, #tpu.memory_space<vmem>>, vector<16xi32>,
      tpu.vector_store %arg12[%swap3A_965, %swap3A_966], %get3A_956 {strides = array<i32>} : memref<13x64xi32, #tpu.memory_space<vmem>>, vector<16xi32>,
      %swap3A_968 = arith.constant 11 : i32
      %swap3A_969 = arith.index_cast %swap3A_968 : i32 to index
      %swap3A_970 = arith.constant 48 : index
      %swap3A_971 = tpu.vector_load %arg13[%swap3A_969, %swap3A_970] {strides = array<i32>} : memref<13x64xi32, #tpu.memory_space<vmem>>, vector<16xi32>,
      tpu.vector_store %arg13[%swap3A_969, %swap3A_970], %gather3A_959 {strides = array<i32>} : memref<13x64xi32, #tpu.memory_space<vmem>>, vector<16xi32>,
      %get3A_972 = arith.constant 768 : index
      %get3A_973 = tpu.vector_load %arg8[%get3A_972] {strides = array<i32>} : memref<848xi32, #tpu.memory_space<vmem>>, vector<16xi32>,
      %get3A_974 = arith.constant 768 : index
      %get3A_975 = tpu.vector_load %arg9[%get3A_974] {strides = array<i32>} : memref<848xi32, #tpu.memory_space<vmem>>, vector<16xi32>,
      %sub3A_976 = vector.broadcast %mul3A_2 : i32 to vector<16xi32>
      %sub3A_977 = arith.subi %get3A_973, %sub3A_976 : vector<16xi32>
      %gather3A_978 = tpu.vector_load_idx %arg10[%sub3A_977] : memref<31312xi32, #tpu.memory_space<vmem>>[vector<16xi32>], vector<16xi32>,
      %swap3A_979 = arith.constant 12 : i32
      %swap3A_980 = arith.index_cast %swap3A_979 : i32 to index
      %swap3A_981 = arith.constant 0 : index
      %swap3A_982 = tpu.vector_load %arg11[%swap3A_980, %swap3A_981] {strides = array<i32>} : memref<13x64xi32, #tpu.memory_space<vmem>>, vector<16xi32>,
      tpu.vector_store %arg11[%swap3A_980, %swap3A_981], %get3A_973 {strides = array<i32>} : memref<13x64xi32, #tpu.memory_space<vmem>>, vector<16xi32>,
      %swap3A_983 = arith.constant 12 : i32
      %swap3A_984 = arith.index_cast %swap3A_983 : i32 to index
      %swap3A_985 = arith.constant 0 : index
      %swap3A_986 = tpu.vector_load %arg12[%swap3A_984, %swap3A_985] {strides = array<i32>} : memref<13x64xi32, #tpu.memory_space<vmem>>, vector<16xi32>,
      tpu.vector_store %arg12[%swap3A_984, %swap3A_985], %get3A_975 {strides = array<i32>} : memref<13x64xi32, #tpu.memory_space<vmem>>, vector<16xi32>,
      %swap3A_987 = arith.constant 12 : i32
      %swap3A_988 = arith.index_cast %swap3A_987 : i32 to index
      %swap3A_989 = arith.constant 0 : index
      %swap3A_990 = tpu.vector_load %arg13[%swap3A_988, %swap3A_989] {strides = array<i32>} : memref<13x64xi32, #tpu.memory_space<vmem>>, vector<16xi32>,
      tpu.vector_store %arg13[%swap3A_988, %swap3A_989], %gather3A_978 {strides = array<i32>} : memref<13x64xi32, #tpu.memory_space<vmem>>, vector<16xi32>,
      %get3A_991 = arith.constant 784 : index
      %get3A_992 = tpu.vector_load %arg8[%get3A_991] {strides = array<i32>} : memref<848xi32, #tpu.memory_space<vmem>>, vector<16xi32>,
      %get3A_993 = arith.constant 784 : index
      %get3A_994 = tpu.vector_load %arg9[%get3A_993] {strides = array<i32>} : memref<848xi32, #tpu.memory_space<vmem>>, vector<16xi32>,
      %sub3A_995 = vector.broadcast %mul3A_2 : i32 to vector<16xi32>
      %sub3A_996 = arith.subi %get3A_992, %sub3A_995 : vector<16xi32>
      %gather3A_997 = tpu.vector_load_idx %arg10[%sub3A_996] : memref<31312xi32, #tpu.memory_space<vmem>>[vector<16xi32>], vector<16xi32>,
      %swap3A_998 = arith.constant 12 : i32
      %swap3A_999 = arith.index_cast %swap3A_998 : i32 to index
      %swap3A_1000 = arith.constant 16 : index
      %swap3A_1001 = tpu.vector_load %arg11[%swap3A_999, %swap3A_1000] {strides = array<i32>} : memref<13x64xi32, #tpu.memory_space<vmem>>, vector<16xi32>,
      tpu.vector_store %arg11[%swap3A_999, %swap3A_1000], %get3A_992 {strides = array<i32>} : memref<13x64xi32, #tpu.memory_space<vmem>>, vector<16xi32>,
      %swap3A_1002 = arith.constant 12 : i32
      %swap3A_1003 = arith.index_cast %swap3A_1002 : i32 to index
      %swap3A_1004 = arith.constant 16 : index
      %swap3A_1005 = tpu.vector_load %arg12[%swap3A_1003, %swap3A_1004] {strides = array<i32>} : memref<13x64xi32, #tpu.memory_space<vmem>>, vector<16xi32>,
      tpu.vector_store %arg12[%swap3A_1003, %swap3A_1004], %get3A_994 {strides = array<i32>} : memref<13x64xi32, #tpu.memory_space<vmem>>, vector<16xi32>,
      %swap3A_1006 = arith.constant 12 : i32
      %swap3A_1007 = arith.index_cast %swap3A_1006 : i32 to index
      %swap3A_1008 = arith.constant 16 : index
      %swap3A_1009 = tpu.vector_load %arg13[%swap3A_1007, %swap3A_1008] {strides = array<i32>} : memref<13x64xi32, #tpu.memory_space<vmem>>, vector<16xi32>,
      tpu.vector_store %arg13[%swap3A_1007, %swap3A_1008], %gather3A_997 {strides = array<i32>} : memref<13x64xi32, #tpu.memory_space<vmem>>, vector<16xi32>,
      %get3A_1010 = arith.constant 800 : index
      %get3A_1011 = tpu.vector_load %arg8[%get3A_1010] {strides = array<i32>} : memref<848xi32, #tpu.memory_space<vmem>>, vector<16xi32>,
      %get3A_1012 = arith.constant 800 : index
      %get3A_1013 = tpu.vector_load %arg9[%get3A_1012] {strides = array<i32>} : memref<848xi32, #tpu.memory_space<vmem>>, vector<16xi32>,
      %sub3A_1014 = vector.broadcast %mul3A_2 : i32 to vector<16xi32>
      %sub3A_1015 = arith.subi %get3A_1011, %sub3A_1014 : vector<16xi32>
      %gather3A_1016 = tpu.vector_load_idx %arg10[%sub3A_1015] : memref<31312xi32, #tpu.memory_space<vmem>>[vector<16xi32>], vector<16xi32>,
      %swap3A_1017 = arith.constant 12 : i32
      %swap3A_1018 = arith.index_cast %swap3A_1017 : i32 to index
      %swap3A_1019 = arith.constant 32 : index
      %swap3A_1020 = tpu.vector_load %arg11[%swap3A_1018, %swap3A_1019] {strides = array<i32>} : memref<13x64xi32, #tpu.memory_space<vmem>>, vector<16xi32>,
      tpu.vector_store %arg11[%swap3A_1018, %swap3A_1019], %get3A_1011 {strides = array<i32>} : memref<13x64xi32, #tpu.memory_space<vmem>>, vector<16xi32>,
      %swap3A_1021 = arith.constant 12 : i32
      %swap3A_1022 = arith.index_cast %swap3A_1021 : i32 to index
      %swap3A_1023 = arith.constant 32 : index
      %swap3A_1024 = tpu.vector_load %arg12[%swap3A_1022, %swap3A_1023] {strides = array<i32>} : memref<13x64xi32, #tpu.memory_space<vmem>>, vector<16xi32>,
      tpu.vector_store %arg12[%swap3A_1022, %swap3A_1023], %get3A_1013 {strides = array<i32>} : memref<13x64xi32, #tpu.memory_space<vmem>>, vector<16xi32>,
      %swap3A_1025 = arith.constant 12 : i32
      %swap3A_1026 = arith.index_cast %swap3A_1025 : i32 to index
      %swap3A_1027 = arith.constant 32 : index
      %swap3A_1028 = tpu.vector_load %arg13[%swap3A_1026, %swap3A_1027] {strides = array<i32>} : memref<13x64xi32, #tpu.memory_space<vmem>>, vector<16xi32>,
      tpu.vector_store %arg13[%swap3A_1026, %swap3A_1027], %gather3A_1016 {strides = array<i32>} : memref<13x64xi32, #tpu.memory_space<vmem>>, vector<16xi32>,
      %get3A_1029 = arith.constant 816 : index
      %get3A_1030 = tpu.vector_load %arg8[%get3A_1029] {strides = array<i32>} : memref<848xi32, #tpu.memory_space<vmem>>, vector<16xi32>,
      %get3A_1031 = arith.constant 816 : index
      %get3A_1032 = tpu.vector_load %arg9[%get3A_1031] {strides = array<i32>} : memref<848xi32, #tpu.memory_space<vmem>>, vector<16xi32>,
      %sub3A_1033 = vector.broadcast %mul3A_2 : i32 to vector<16xi32>
      %sub3A_1034 = arith.subi %get3A_1030, %sub3A_1033 : vector<16xi32>
      %gather3A_1035 = tpu.vector_load_idx %arg10[%sub3A_1034] : memref<31312xi32, #tpu.memory_space<vmem>>[vector<16xi32>], vector<16xi32>,
      %swap3A_1036 = arith.constant 12 : i32
      %swap3A_1037 = arith.index_cast %swap3A_1036 : i32 to index
      %swap3A_1038 = arith.constant 48 : index
      %swap3A_1039 = tpu.vector_load %arg11[%swap3A_1037, %swap3A_1038] {strides = array<i32>} : memref<13x64xi32, #tpu.memory_space<vmem>>, vector<16xi32>,
      tpu.vector_store %arg11[%swap3A_1037, %swap3A_1038], %get3A_1030 {strides = array<i32>} : memref<13x64xi32, #tpu.memory_space<vmem>>, vector<16xi32>,
      %swap3A_1040 = arith.constant 12 : i32
      %swap3A_1041 = arith.index_cast %swap3A_1040 : i32 to index
      %swap3A_1042 = arith.constant 48 : index
      %swap3A_1043 = tpu.vector_load %arg12[%swap3A_1041, %swap3A_1042] {strides = array<i32>} : memref<13x64xi32, #tpu.memory_space<vmem>>, vector<16xi32>,
      tpu.vector_store %arg12[%swap3A_1041, %swap3A_1042], %get3A_1032 {strides = array<i32>} : memref<13x64xi32, #tpu.memory_space<vmem>>, vector<16xi32>,
      %swap3A_1044 = arith.constant 12 : i32
      %swap3A_1045 = arith.index_cast %swap3A_1044 : i32 to index
      %swap3A_1046 = arith.constant 48 : index
      %swap3A_1047 = tpu.vector_load %arg13[%swap3A_1045, %swap3A_1046] {strides = array<i32>} : memref<13x64xi32, #tpu.memory_space<vmem>>, vector<16xi32>,
      tpu.vector_store %arg13[%swap3A_1045, %swap3A_1046], %gather3A_1035 {strides = array<i32>} : memref<13x64xi32, #tpu.memory_space<vmem>>, vector<16xi32>,
      %dma_start3A = arith.constant 0 : i32
      %dma_start3A_1048 = arith.constant 0 : i32
      %dma_start3A_1049 = tpu.memref_slice %arg13[%dma_start3A, %dma_start3A_1048] : memref<13x64xi32, #tpu.memory_space<vmem>> -> memref<1x64xi32, #tpu.memory_space<vmem>>
      %dma_start3A_1050 = tpu.memref_squeeze %dma_start3A_1049 : memref<1x64xi32, #tpu.memory_space<vmem>> -> memref<64xi32, #tpu.memory_space<vmem>>
      %dma_start3A_1051 = arith.constant 0 : i32
      %dma_start3A_1052 = arith.constant 0 : i32
      %dma_start3A_1053 = tpu.memref_slice %arg3[%dma_start3A_1051, %dma_start3A_1052] : memref<16384x64xf32, #tpu.memory_space<hbm>> -> memref<16384x64xf32, #tpu.memory_space<hbm>>
      tpu.enqueue_indirect_dma source(%dma_start3A_1053 : memref<16384x64xf32, #tpu.memory_space<hbm>>) target(%arg14 : memref<64x64xf32, #tpu.memory_space<vmem>>) offsets(%dma_start3A_1050 : memref<64xi32, #tpu.memory_space<vmem>>) semaphore(%arg15 : memref<!tpu.dma_semaphore, #tpu.memory_space<semaphore_mem>>)
      %dma_wait3A = arith.constant 0 : i32
      %dma_wait3A_1054 = arith.constant 0 : i32
      %dma_wait3A_1055 = tpu.memref_slice %arg13[%dma_wait3A, %dma_wait3A_1054] : memref<13x64xi32, #tpu.memory_space<vmem>> -> memref<1x64xi32, #tpu.memory_space<vmem>>
      %dma_wait3A_1056 = tpu.memref_squeeze %dma_wait3A_1055 : memref<1x64xi32, #tpu.memory_space<vmem>> -> memref<64xi32, #tpu.memory_space<vmem>>
      %dma_wait3A_1057 = arith.constant 0 : i32
      %dma_wait3A_1058 = arith.constant 0 : i32
      %dma_wait3A_1059 = tpu.memref_slice %arg3[%dma_wait3A_1057, %dma_wait3A_1058] : memref<16384x64xf32, #tpu.memory_space<hbm>> -> memref<16384x64xf32, #tpu.memory_space<hbm>>
      tpu.wait_indirect_dma semaphore(%arg15 : memref<!tpu.dma_semaphore, #tpu.memory_space<semaphore_mem>>) src(%dma_wait3A_1059 : memref<16384x64xf32, #tpu.memory_space<hbm>>) dst(%arg14 : memref<64x64xf32, #tpu.memory_space<vmem>>)
      %dma_start3A_1060 = arith.constant 0 : i32
      %dma_start3A_1061 = arith.constant 0 : i32
      %dma_start3A_1062 = tpu.memref_slice %arg11[%dma_start3A_1060, %dma_start3A_1061] : memref<13x64xi32, #tpu.memory_space<vmem>> -> memref<1x64xi32, #tpu.memory_space<vmem>>
      %dma_start3A_1063 = tpu.memref_squeeze %dma_start3A_1062 : memref<1x64xi32, #tpu.memory_space<vmem>> -> memref<64xi32, #tpu.memory_space<vmem>>
      %dma_start3A_1064 = arith.constant 0 : i32
      %dma_start3A_1065 = arith.constant 0 : i32
      %dma_start3A_1066 = tpu.memref_slice %arg4[%dma_start3A_1064, %dma_start3A_1065] : memref<1000000x64xf32, #tpu.memory_space<hbm>> -> memref<1000000x64xf32, #tpu.memory_space<hbm>>
      tpu.enqueue_indirect_dma source(%arg14 : memref<64x64xf32, #tpu.memory_space<vmem>>) target(%dma_start3A_1066 : memref<1000000x64xf32, #tpu.memory_space<hbm>>) offsets(%dma_start3A_1063 : memref<64xi32, #tpu.memory_space<vmem>>) semaphore(%arg16 : memref<!tpu.dma_semaphore, #tpu.memory_space<semaphore_mem>>)
      %dma_wait3A_1067 = arith.constant 0 : i32
      %dma_wait3A_1068 = arith.constant 0 : i32
      %dma_wait3A_1069 = tpu.memref_slice %arg11[%dma_wait3A_1067, %dma_wait3A_1068] : memref<13x64xi32, #tpu.memory_space<vmem>> -> memref<1x64xi32, #tpu.memory_space<vmem>>
      %dma_wait3A_1070 = tpu.memref_squeeze %dma_wait3A_1069 : memref<1x64xi32, #tpu.memory_space<vmem>> -> memref<64xi32, #tpu.memory_space<vmem>>
      %dma_wait3A_1071 = arith.constant 0 : i32
      %dma_wait3A_1072 = arith.constant 0 : i32
      %dma_wait3A_1073 = tpu.memref_slice %arg4[%dma_wait3A_1071, %dma_wait3A_1072] : memref<1000000x64xf32, #tpu.memory_space<hbm>> -> memref<1000000x64xf32, #tpu.memory_space<hbm>>
      tpu.wait_indirect_dma semaphore(%arg16 : memref<!tpu.dma_semaphore, #tpu.memory_space<semaphore_mem>>) src(%arg14 : memref<64x64xf32, #tpu.memory_space<vmem>>) dst(%dma_wait3A_1073 : memref<1000000x64xf32, #tpu.memory_space<hbm>>)
      %dma_start3A_1074 = arith.constant 0 : i32
      %dma_start3A_1075 = arith.constant 0 : i32
      %dma_start3A_1076 = tpu.memref_slice %arg12[%dma_start3A_1074, %dma_start3A_1075] : memref<13x64xi32, #tpu.memory_space<vmem>> -> memref<1x64xi32, #tpu.memory_space<vmem>>
      %dma_start3A_1077 = tpu.memref_squeeze %dma_start3A_1076 : memref<1x64xi32, #tpu.memory_space<vmem>> -> memref<64xi32, #tpu.memory_space<vmem>>
      %dma_start3A_1078 = arith.constant 0 : i32
      %dma_start3A_1079 = arith.constant 0 : i32
      %dma_start3A_1080 = tpu.memref_slice %arg5[%dma_start3A_1078, %dma_start3A_1079] : memref<16384x64xf32, #tpu.memory_space<hbm>> -> memref<16384x64xf32, #tpu.memory_space<hbm>>
      tpu.enqueue_indirect_dma source(%arg14 : memref<64x64xf32, #tpu.memory_space<vmem>>) target(%dma_start3A_1080 : memref<16384x64xf32, #tpu.memory_space<hbm>>) offsets(%dma_start3A_1077 : memref<64xi32, #tpu.memory_space<vmem>>) semaphore(%arg16 : memref<!tpu.dma_semaphore, #tpu.memory_space<semaphore_mem>>)
      %dma_wait3A_1081 = arith.constant 0 : i32
      %dma_wait3A_1082 = arith.constant 0 : i32
      %dma_wait3A_1083 = tpu.memref_slice %arg12[%dma_wait3A_1081, %dma_wait3A_1082] : memref<13x64xi32, #tpu.memory_space<vmem>> -> memref<1x64xi32, #tpu.memory_space<vmem>>
      %dma_wait3A_1084 = tpu.memref_squeeze %dma_wait3A_1083 : memref<1x64xi32, #tpu.memory_space<vmem>> -> memref<64xi32, #tpu.memory_space<vmem>>
      %dma_wait3A_1085 = arith.constant 0 : i32
      %dma_wait3A_1086 = arith.constant 0 : i32
      %dma_wait3A_1087 = tpu.memref_slice %arg5[%dma_wait3A_1085, %dma_wait3A_1086] : memref<16384x64xf32, #tpu.memory_space<hbm>> -> memref<16384x64xf32, #tpu.memory_space<hbm>>
      tpu.wait_indirect_dma semaphore(%arg16 : memref<!tpu.dma_semaphore, #tpu.memory_space<semaphore_mem>>) src(%arg14 : memref<64x64xf32, #tpu.memory_space<vmem>>) dst(%dma_wait3A_1087 : memref<16384x64xf32, #tpu.memory_space<hbm>>)
      %dma_start3A_1088 = arith.constant 1 : i32
      %dma_start3A_1089 = arith.constant 0 : i32
      %dma_start3A_1090 = tpu.memref_slice %arg13[%dma_start3A_1088, %dma_start3A_1089] : memref<13x64xi32, #tpu.memory_space<vmem>> -> memref<1x64xi32, #tpu.memory_space<vmem>>
      %dma_start3A_1091 = tpu.memref_squeeze %dma_start3A_1090 : memref<1x64xi32, #tpu.memory_space<vmem>> -> memref<64xi32, #tpu.memory_space<vmem>>
      %dma_start3A_1092 = arith.constant 0 : i32
      %dma_start3A_1093 = arith.constant 0 : i32
      %dma_start3A_1094 = tpu.memref_slice %arg3[%dma_start3A_1092, %dma_start3A_1093] : memref<16384x64xf32, #tpu.memory_space<hbm>> -> memref<16384x64xf32, #tpu.memory_space<hbm>>
      tpu.enqueue_indirect_dma source(%dma_start3A_1094 : memref<16384x64xf32, #tpu.memory_space<hbm>>) target(%arg14 : memref<64x64xf32, #tpu.memory_space<vmem>>) offsets(%dma_start3A_1091 : memref<64xi32, #tpu.memory_space<vmem>>) semaphore(%arg15 : memref<!tpu.dma_semaphore, #tpu.memory_space<semaphore_mem>>)
      %dma_wait3A_1095 = arith.constant 1 : i32
      %dma_wait3A_1096 = arith.constant 0 : i32
      %dma_wait3A_1097 = tpu.memref_slice %arg13[%dma_wait3A_1095, %dma_wait3A_1096] : memref<13x64xi32, #tpu.memory_space<vmem>> -> memref<1x64xi32, #tpu.memory_space<vmem>>
      %dma_wait3A_1098 = tpu.memref_squeeze %dma_wait3A_1097 : memref<1x64xi32, #tpu.memory_space<vmem>> -> memref<64xi32, #tpu.memory_space<vmem>>
      %dma_wait3A_1099 = arith.constant 0 : i32
      %dma_wait3A_1100 = arith.constant 0 : i32
      %dma_wait3A_1101 = tpu.memref_slice %arg3[%dma_wait3A_1099, %dma_wait3A_1100] : memref<16384x64xf32, #tpu.memory_space<hbm>> -> memref<16384x64xf32, #tpu.memory_space<hbm>>
      tpu.wait_indirect_dma semaphore(%arg15 : memref<!tpu.dma_semaphore, #tpu.memory_space<semaphore_mem>>) src(%dma_wait3A_1101 : memref<16384x64xf32, #tpu.memory_space<hbm>>) dst(%arg14 : memref<64x64xf32, #tpu.memory_space<vmem>>)
      %dma_start3A_1102 = arith.constant 1 : i32
      %dma_start3A_1103 = arith.constant 0 : i32
      %dma_start3A_1104 = tpu.memref_slice %arg11[%dma_start3A_1102, %dma_start3A_1103] : memref<13x64xi32, #tpu.memory_space<vmem>> -> memref<1x64xi32, #tpu.memory_space<vmem>>
      %dma_start3A_1105 = tpu.memref_squeeze %dma_start3A_1104 : memref<1x64xi32, #tpu.memory_space<vmem>> -> memref<64xi32, #tpu.memory_space<vmem>>
      %dma_start3A_1106 = arith.constant 0 : i32
      %dma_start3A_1107 = arith.constant 0 : i32
      %dma_start3A_1108 = tpu.memref_slice %arg4[%dma_start3A_1106, %dma_start3A_1107] : memref<1000000x64xf32, #tpu.memory_space<hbm>> -> memref<1000000x64xf32, #tpu.memory_space<hbm>>
      tpu.enqueue_indirect_dma source(%arg14 : memref<64x64xf32, #tpu.memory_space<vmem>>) target(%dma_start3A_1108 : memref<1000000x64xf32, #tpu.memory_space<hbm>>) offsets(%dma_start3A_1105 : memref<64xi32, #tpu.memory_space<vmem>>) semaphore(%arg16 : memref<!tpu.dma_semaphore, #tpu.memory_space<semaphore_mem>>)
      %dma_wait3A_1109 = arith.constant 1 : i32
      %dma_wait3A_1110 = arith.constant 0 : i32
      %dma_wait3A_1111 = tpu.memref_slice %arg11[%dma_wait3A_1109, %dma_wait3A_1110] : memref<13x64xi32, #tpu.memory_space<vmem>> -> memref<1x64xi32, #tpu.memory_space<vmem>>
      %dma_wait3A_1112 = tpu.memref_squeeze %dma_wait3A_1111 : memref<1x64xi32, #tpu.memory_space<vmem>> -> memref<64xi32, #tpu.memory_space<vmem>>
      %dma_wait3A_1113 = arith.constant 0 : i32
      %dma_wait3A_1114 = arith.constant 0 : i32
      %dma_wait3A_1115 = tpu.memref_slice %arg4[%dma_wait3A_1113, %dma_wait3A_1114] : memref<1000000x64xf32, #tpu.memory_space<hbm>> -> memref<1000000x64xf32, #tpu.memory_space<hbm>>
      tpu.wait_indirect_dma semaphore(%arg16 : memref<!tpu.dma_semaphore, #tpu.memory_space<semaphore_mem>>) src(%arg14 : memref<64x64xf32, #tpu.memory_space<vmem>>) dst(%dma_wait3A_1115 : memref<1000000x64xf32, #tpu.memory_space<hbm>>)
      %dma_start3A_1116 = arith.constant 1 : i32
      %dma_start3A_1117 = arith.constant 0 : i32
      %dma_start3A_1118 = tpu.memref_slice %arg12[%dma_start3A_1116, %dma_start3A_1117] : memref<13x64xi32, #tpu.memory_space<vmem>> -> memref<1x64xi32, #tpu.memory_space<vmem>>
      %dma_start3A_1119 = tpu.memref_squeeze %dma_start3A_1118 : memref<1x64xi32, #tpu.memory_space<vmem>> -> memref<64xi32, #tpu.memory_space<vmem>>
      %dma_start3A_1120 = arith.constant 0 : i32
      %dma_start3A_1121 = arith.constant 0 : i32
      %dma_start3A_1122 = tpu.memref_slice %arg5[%dma_start3A_1120, %dma_start3A_1121] : memref<16384x64xf32, #tpu.memory_space<hbm>> -> memref<16384x64xf32, #tpu.memory_space<hbm>>
      tpu.enqueue_indirect_dma source(%arg14 : memref<64x64xf32, #tpu.memory_space<vmem>>) target(%dma_start3A_1122 : memref<16384x64xf32, #tpu.memory_space<hbm>>) offsets(%dma_start3A_1119 : memref<64xi32, #tpu.memory_space<vmem>>) semaphore(%arg16 : memref<!tpu.dma_semaphore, #tpu.memory_space<semaphore_mem>>)
      %dma_wait3A_1123 = arith.constant 1 : i32
      %dma_wait3A_1124 = arith.constant 0 : i32
      %dma_wait3A_1125 = tpu.memref_slice %arg12[%dma_wait3A_1123, %dma_wait3A_1124] : memref<13x64xi32, #tpu.memory_space<vmem>> -> memref<1x64xi32, #tpu.memory_space<vmem>>
      %dma_wait3A_1126 = tpu.memref_squeeze %dma_wait3A_1125 : memref<1x64xi32, #tpu.memory_space<vmem>> -> memref<64xi32, #tpu.memory_space<vmem>>
      %dma_wait3A_1127 = arith.constant 0 : i32
      %dma_wait3A_1128 = arith.constant 0 : i32
      %dma_wait3A_1129 = tpu.memref_slice %arg5[%dma_wait3A_1127, %dma_wait3A_1128] : memref<16384x64xf32, #tpu.memory_space<hbm>> -> memref<16384x64xf32, #tpu.memory_space<hbm>>
      tpu.wait_indirect_dma semaphore(%arg16 : memref<!tpu.dma_semaphore, #tpu.memory_space<semaphore_mem>>) src(%arg14 : memref<64x64xf32, #tpu.memory_space<vmem>>) dst(%dma_wait3A_1129 : memref<16384x64xf32, #tpu.memory_space<hbm>>)
      %dma_start3A_1130 = arith.constant 2 : i32
      %dma_start3A_1131 = arith.constant 0 : i32
      %dma_start3A_1132 = tpu.memref_slice %arg13[%dma_start3A_1130, %dma_start3A_1131] : memref<13x64xi32, #tpu.memory_space<vmem>> -> memref<1x64xi32, #tpu.memory_space<vmem>>
      %dma_start3A_1133 = tpu.memref_squeeze %dma_start3A_1132 : memref<1x64xi32, #tpu.memory_space<vmem>> -> memref<64xi32, #tpu.memory_space<vmem>>
      %dma_start3A_1134 = arith.constant 0 : i32
      %dma_start3A_1135 = arith.constant 0 : i32
      %dma_start3A_1136 = tpu.memref_slice %arg3[%dma_start3A_1134, %dma_start3A_1135] : memref<16384x64xf32, #tpu.memory_space<hbm>> -> memref<16384x64xf32, #tpu.memory_space<hbm>>
      tpu.enqueue_indirect_dma source(%dma_start3A_1136 : memref<16384x64xf32, #tpu.memory_space<hbm>>) target(%arg14 : memref<64x64xf32, #tpu.memory_space<vmem>>) offsets(%dma_start3A_1133 : memref<64xi32, #tpu.memory_space<vmem>>) semaphore(%arg15 : memref<!tpu.dma_semaphore, #tpu.memory_space<semaphore_mem>>)
      %dma_wait3A_1137 = arith.constant 2 : i32
      %dma_wait3A_1138 = arith.constant 0 : i32
      %dma_wait3A_1139 = tpu.memref_slice %arg13[%dma_wait3A_1137, %dma_wait3A_1138] : memref<13x64xi32, #tpu.memory_space<vmem>> -> memref<1x64xi32, #tpu.memory_space<vmem>>
      %dma_wait3A_1140 = tpu.memref_squeeze %dma_wait3A_1139 : memref<1x64xi32, #tpu.memory_space<vmem>> -> memref<64xi32, #tpu.memory_space<vmem>>
      %dma_wait3A_1141 = arith.constant 0 : i32
      %dma_wait3A_1142 = arith.constant 0 : i32
      %dma_wait3A_1143 = tpu.memref_slice %arg3[%dma_wait3A_1141, %dma_wait3A_1142] : memref<16384x64xf32, #tpu.memory_space<hbm>> -> memref<16384x64xf32, #tpu.memory_space<hbm>>
      tpu.wait_indirect_dma semaphore(%arg15 : memref<!tpu.dma_semaphore, #tpu.memory_space<semaphore_mem>>) src(%dma_wait3A_1143 : memref<16384x64xf32, #tpu.memory_space<hbm>>) dst(%arg14 : memref<64x64xf32, #tpu.memory_space<vmem>>)
      %dma_start3A_1144 = arith.constant 2 : i32
      %dma_start3A_1145 = arith.constant 0 : i32
      %dma_start3A_1146 = tpu.memref_slice %arg11[%dma_start3A_1144, %dma_start3A_1145] : memref<13x64xi32, #tpu.memory_space<vmem>> -> memref<1x64xi32, #tpu.memory_space<vmem>>
      %dma_start3A_1147 = tpu.memref_squeeze %dma_start3A_1146 : memref<1x64xi32, #tpu.memory_space<vmem>> -> memref<64xi32, #tpu.memory_space<vmem>>
      %dma_start3A_1148 = arith.constant 0 : i32
      %dma_start3A_1149 = arith.constant 0 : i32
      %dma_start3A_1150 = tpu.memref_slice %arg4[%dma_start3A_1148, %dma_start3A_1149] : memref<1000000x64xf32, #tpu.memory_space<hbm>> -> memref<1000000x64xf32, #tpu.memory_space<hbm>>
      tpu.enqueue_indirect_dma source(%arg14 : memref<64x64xf32, #tpu.memory_space<vmem>>) target(%dma_start3A_1150 : memref<1000000x64xf32, #tpu.memory_space<hbm>>) offsets(%dma_start3A_1147 : memref<64xi32, #tpu.memory_space<vmem>>) semaphore(%arg16 : memref<!tpu.dma_semaphore, #tpu.memory_space<semaphore_mem>>)
      %dma_wait3A_1151 = arith.constant 2 : i32
      %dma_wait3A_1152 = arith.constant 0 : i32
      %dma_wait3A_1153 = tpu.memref_slice %arg11[%dma_wait3A_1151, %dma_wait3A_1152] : memref<13x64xi32, #tpu.memory_space<vmem>> -> memref<1x64xi32, #tpu.memory_space<vmem>>
      %dma_wait3A_1154 = tpu.memref_squeeze %dma_wait3A_1153 : memref<1x64xi32, #tpu.memory_space<vmem>> -> memref<64xi32, #tpu.memory_space<vmem>>
      %dma_wait3A_1155 = arith.constant 0 : i32
      %dma_wait3A_1156 = arith.constant 0 : i32
      %dma_wait3A_1157 = tpu.memref_slice %arg4[%dma_wait3A_1155, %dma_wait3A_1156] : memref<1000000x64xf32, #tpu.memory_space<hbm>> -> memref<1000000x64xf32, #tpu.memory_space<hbm>>
      tpu.wait_indirect_dma semaphore(%arg16 : memref<!tpu.dma_semaphore, #tpu.memory_space<semaphore_mem>>) src(%arg14 : memref<64x64xf32, #tpu.memory_space<vmem>>) dst(%dma_wait3A_1157 : memref<1000000x64xf32, #tpu.memory_space<hbm>>)
      %dma_start3A_1158 = arith.constant 2 : i32
      %dma_start3A_1159 = arith.constant 0 : i32
      %dma_start3A_1160 = tpu.memref_slice %arg12[%dma_start3A_1158, %dma_start3A_1159] : memref<13x64xi32, #tpu.memory_space<vmem>> -> memref<1x64xi32, #tpu.memory_space<vmem>>
      %dma_start3A_1161 = tpu.memref_squeeze %dma_start3A_1160 : memref<1x64xi32, #tpu.memory_space<vmem>> -> memref<64xi32, #tpu.memory_space<vmem>>
      %dma_start3A_1162 = arith.constant 0 : i32
      %dma_start3A_1163 = arith.constant 0 : i32
      %dma_start3A_1164 = tpu.memref_slice %arg5[%dma_start3A_1162, %dma_start3A_1163] : memref<16384x64xf32, #tpu.memory_space<hbm>> -> memref<16384x64xf32, #tpu.memory_space<hbm>>
      tpu.enqueue_indirect_dma source(%arg14 : memref<64x64xf32, #tpu.memory_space<vmem>>) target(%dma_start3A_1164 : memref<16384x64xf32, #tpu.memory_space<hbm>>) offsets(%dma_start3A_1161 : memref<64xi32, #tpu.memory_space<vmem>>) semaphore(%arg16 : memref<!tpu.dma_semaphore, #tpu.memory_space<semaphore_mem>>)
      %dma_wait3A_1165 = arith.constant 2 : i32
      %dma_wait3A_1166 = arith.constant 0 : i32
      %dma_wait3A_1167 = tpu.memref_slice %arg12[%dma_wait3A_1165, %dma_wait3A_1166] : memref<13x64xi32, #tpu.memory_space<vmem>> -> memref<1x64xi32, #tpu.memory_space<vmem>>
      %dma_wait3A_1168 = tpu.memref_squeeze %dma_wait3A_1167 : memref<1x64xi32, #tpu.memory_space<vmem>> -> memref<64xi32, #tpu.memory_space<vmem>>
      %dma_wait3A_1169 = arith.constant 0 : i32
      %dma_wait3A_1170 = arith.constant 0 : i32
      %dma_wait3A_1171 = tpu.memref_slice %arg5[%dma_wait3A_1169, %dma_wait3A_1170] : memref<16384x64xf32, #tpu.memory_space<hbm>> -> memref<16384x64xf32, #tpu.memory_space<hbm>>
      tpu.wait_indirect_dma semaphore(%arg16 : memref<!tpu.dma_semaphore, #tpu.memory_space<semaphore_mem>>) src(%arg14 : memref<64x64xf32, #tpu.memory_space<vmem>>) dst(%dma_wait3A_1171 : memref<16384x64xf32, #tpu.memory_space<hbm>>)
      %dma_start3A_1172 = arith.constant 3 : i32
      %dma_start3A_1173 = arith.constant 0 : i32
      %dma_start3A_1174 = tpu.memref_slice %arg13[%dma_start3A_1172, %dma_start3A_1173] : memref<13x64xi32, #tpu.memory_space<vmem>> -> memref<1x64xi32, #tpu.memory_space<vmem>>
      %dma_start3A_1175 = tpu.memref_squeeze %dma_start3A_1174 : memref<1x64xi32, #tpu.memory_space<vmem>> -> memref<64xi32, #tpu.memory_space<vmem>>
      %dma_start3A_1176 = arith.constant 0 : i32
      %dma_start3A_1177 = arith.constant 0 : i32
      %dma_start3A_1178 = tpu.memref_slice %arg3[%dma_start3A_1176, %dma_start3A_1177] : memref<16384x64xf32, #tpu.memory_space<hbm>> -> memref<16384x64xf32, #tpu.memory_space<hbm>>
      tpu.enqueue_indirect_dma source(%dma_start3A_1178 : memref<16384x64xf32, #tpu.memory_space<hbm>>) target(%arg14 : memref<64x64xf32, #tpu.memory_space<vmem>>) offsets(%dma_start3A_1175 : memref<64xi32, #tpu.memory_space<vmem>>) semaphore(%arg15 : memref<!tpu.dma_semaphore, #tpu.memory_space<semaphore_mem>>)
      %dma_wait3A_1179 = arith.constant 3 : i32
      %dma_wait3A_1180 = arith.constant 0 : i32
      %dma_wait3A_1181 = tpu.memref_slice %arg13[%dma_wait3A_1179, %dma_wait3A_1180] : memref<13x64xi32, #tpu.memory_space<vmem>> -> memref<1x64xi32, #tpu.memory_space<vmem>>
      %dma_wait3A_1182 = tpu.memref_squeeze %dma_wait3A_1181 : memref<1x64xi32, #tpu.memory_space<vmem>> -> memref<64xi32, #tpu.memory_space<vmem>>
      %dma_wait3A_1183 = arith.constant 0 : i32
      %dma_wait3A_1184 = arith.constant 0 : i32
      %dma_wait3A_1185 = tpu.memref_slice %arg3[%dma_wait3A_1183, %dma_wait3A_1184] : memref<16384x64xf32, #tpu.memory_space<hbm>> -> memref<16384x64xf32, #tpu.memory_space<hbm>>
      tpu.wait_indirect_dma semaphore(%arg15 : memref<!tpu.dma_semaphore, #tpu.memory_space<semaphore_mem>>) src(%dma_wait3A_1185 : memref<16384x64xf32, #tpu.memory_space<hbm>>) dst(%arg14 : memref<64x64xf32, #tpu.memory_space<vmem>>)
      %dma_start3A_1186 = arith.constant 3 : i32
      %dma_start3A_1187 = arith.constant 0 : i32
      %dma_start3A_1188 = tpu.memref_slice %arg11[%dma_start3A_1186, %dma_start3A_1187] : memref<13x64xi32, #tpu.memory_space<vmem>> -> memref<1x64xi32, #tpu.memory_space<vmem>>
      %dma_start3A_1189 = tpu.memref_squeeze %dma_start3A_1188 : memref<1x64xi32, #tpu.memory_space<vmem>> -> memref<64xi32, #tpu.memory_space<vmem>>
      %dma_start3A_1190 = arith.constant 0 : i32
      %dma_start3A_1191 = arith.constant 0 : i32
      %dma_start3A_1192 = tpu.memref_slice %arg4[%dma_start3A_1190, %dma_start3A_1191] : memref<1000000x64xf32, #tpu.memory_space<hbm>> -> memref<1000000x64xf32, #tpu.memory_space<hbm>>
      tpu.enqueue_indirect_dma source(%arg14 : memref<64x64xf32, #tpu.memory_space<vmem>>) target(%dma_start3A_1192 : memref<1000000x64xf32, #tpu.memory_space<hbm>>) offsets(%dma_start3A_1189 : memref<64xi32, #tpu.memory_space<vmem>>) semaphore(%arg16 : memref<!tpu.dma_semaphore, #tpu.memory_space<semaphore_mem>>)
      %dma_wait3A_1193 = arith.constant 3 : i32
      %dma_wait3A_1194 = arith.constant 0 : i32
      %dma_wait3A_1195 = tpu.memref_slice %arg11[%dma_wait3A_1193, %dma_wait3A_1194] : memref<13x64xi32, #tpu.memory_space<vmem>> -> memref<1x64xi32, #tpu.memory_space<vmem>>
      %dma_wait3A_1196 = tpu.memref_squeeze %dma_wait3A_1195 : memref<1x64xi32, #tpu.memory_space<vmem>> -> memref<64xi32, #tpu.memory_space<vmem>>
      %dma_wait3A_1197 = arith.constant 0 : i32
      %dma_wait3A_1198 = arith.constant 0 : i32
      %dma_wait3A_1199 = tpu.memref_slice %arg4[%dma_wait3A_1197, %dma_wait3A_1198] : memref<1000000x64xf32, #tpu.memory_space<hbm>> -> memref<1000000x64xf32, #tpu.memory_space<hbm>>
      tpu.wait_indirect_dma semaphore(%arg16 : memref<!tpu.dma_semaphore, #tpu.memory_space<semaphore_mem>>) src(%arg14 : memref<64x64xf32, #tpu.memory_space<vmem>>) dst(%dma_wait3A_1199 : memref<1000000x64xf32, #tpu.memory_space<hbm>>)
      %dma_start3A_1200 = arith.constant 3 : i32
      %dma_start3A_1201 = arith.constant 0 : i32
      %dma_start3A_1202 = tpu.memref_slice %arg12[%dma_start3A_1200, %dma_start3A_1201] : memref<13x64xi32, #tpu.memory_space<vmem>> -> memref<1x64xi32, #tpu.memory_space<vmem>>
      %dma_start3A_1203 = tpu.memref_squeeze %dma_start3A_1202 : memref<1x64xi32, #tpu.memory_space<vmem>> -> memref<64xi32, #tpu.memory_space<vmem>>
      %dma_start3A_1204 = arith.constant 0 : i32
      %dma_start3A_1205 = arith.constant 0 : i32
      %dma_start3A_1206 = tpu.memref_slice %arg5[%dma_start3A_1204, %dma_start3A_1205] : memref<16384x64xf32, #tpu.memory_space<hbm>> -> memref<16384x64xf32, #tpu.memory_space<hbm>>
      tpu.enqueue_indirect_dma source(%arg14 : memref<64x64xf32, #tpu.memory_space<vmem>>) target(%dma_start3A_1206 : memref<16384x64xf32, #tpu.memory_space<hbm>>) offsets(%dma_start3A_1203 : memref<64xi32, #tpu.memory_space<vmem>>) semaphore(%arg16 : memref<!tpu.dma_semaphore, #tpu.memory_space<semaphore_mem>>)
      %dma_wait3A_1207 = arith.constant 3 : i32
      %dma_wait3A_1208 = arith.constant 0 : i32
      %dma_wait3A_1209 = tpu.memref_slice %arg12[%dma_wait3A_1207, %dma_wait3A_1208] : memref<13x64xi32, #tpu.memory_space<vmem>> -> memref<1x64xi32, #tpu.memory_space<vmem>>
      %dma_wait3A_1210 = tpu.memref_squeeze %dma_wait3A_1209 : memref<1x64xi32, #tpu.memory_space<vmem>> -> memref<64xi32, #tpu.memory_space<vmem>>
      %dma_wait3A_1211 = arith.constant 0 : i32
      %dma_wait3A_1212 = arith.constant 0 : i32
      %dma_wait3A_1213 = tpu.memref_slice %arg5[%dma_wait3A_1211, %dma_wait3A_1212] : memref<16384x64xf32, #tpu.memory_space<hbm>> -> memref<16384x64xf32, #tpu.memory_space<hbm>>
      tpu.wait_indirect_dma semaphore(%arg16 : memref<!tpu.dma_semaphore, #tpu.memory_space<semaphore_mem>>) src(%arg14 : memref<64x64xf32, #tpu.memory_space<vmem>>) dst(%dma_wait3A_1213 : memref<16384x64xf32, #tpu.memory_space<hbm>>)
      %dma_start3A_1214 = arith.constant 4 : i32
      %dma_start3A_1215 = arith.constant 0 : i32
      %dma_start3A_1216 = tpu.memref_slice %arg13[%dma_start3A_1214, %dma_start3A_1215] : memref<13x64xi32, #tpu.memory_space<vmem>> -> memref<1x64xi32, #tpu.memory_space<vmem>>
      %dma_start3A_1217 = tpu.memref_squeeze %dma_start3A_1216 : memref<1x64xi32, #tpu.memory_space<vmem>> -> memref<64xi32, #tpu.memory_space<vmem>>
      %dma_start3A_1218 = arith.constant 0 : i32
      %dma_start3A_1219 = arith.constant 0 : i32
      %dma_start3A_1220 = tpu.memref_slice %arg3[%dma_start3A_1218, %dma_start3A_1219] : memref<16384x64xf32, #tpu.memory_space<hbm>> -> memref<16384x64xf32, #tpu.memory_space<hbm>>
      tpu.enqueue_indirect_dma source(%dma_start3A_1220 : memref<16384x64xf32, #tpu.memory_space<hbm>>) target(%arg14 : memref<64x64xf32, #tpu.memory_space<vmem>>) offsets(%dma_start3A_1217 : memref<64xi32, #tpu.memory_space<vmem>>) semaphore(%arg15 : memref<!tpu.dma_semaphore, #tpu.memory_space<semaphore_mem>>)
      %dma_wait3A_1221 = arith.constant 4 : i32
      %dma_wait3A_1222 = arith.constant 0 : i32
      %dma_wait3A_1223 = tpu.memref_slice %arg13[%dma_wait3A_1221, %dma_wait3A_1222] : memref<13x64xi32, #tpu.memory_space<vmem>> -> memref<1x64xi32, #tpu.memory_space<vmem>>
      %dma_wait3A_1224 = tpu.memref_squeeze %dma_wait3A_1223 : memref<1x64xi32, #tpu.memory_space<vmem>> -> memref<64xi32, #tpu.memory_space<vmem>>
      %dma_wait3A_1225 = arith.constant 0 : i32
      %dma_wait3A_1226 = arith.constant 0 : i32
      %dma_wait3A_1227 = tpu.memref_slice %arg3[%dma_wait3A_1225, %dma_wait3A_1226] : memref<16384x64xf32, #tpu.memory_space<hbm>> -> memref<16384x64xf32, #tpu.memory_space<hbm>>
      tpu.wait_indirect_dma semaphore(%arg15 : memref<!tpu.dma_semaphore, #tpu.memory_space<semaphore_mem>>) src(%dma_wait3A_1227 : memref<16384x64xf32, #tpu.memory_space<hbm>>) dst(%arg14 : memref<64x64xf32, #tpu.memory_space<vmem>>)
      %dma_start3A_1228 = arith.constant 4 : i32
      %dma_start3A_1229 = arith.constant 0 : i32
      %dma_start3A_1230 = tpu.memref_slice %arg11[%dma_start3A_1228, %dma_start3A_1229] : memref<13x64xi32, #tpu.memory_space<vmem>> -> memref<1x64xi32, #tpu.memory_space<vmem>>
      %dma_start3A_1231 = tpu.memref_squeeze %dma_start3A_1230 : memref<1x64xi32, #tpu.memory_space<vmem>> -> memref<64xi32, #tpu.memory_space<vmem>>
      %dma_start3A_1232 = arith.constant 0 : i32
      %dma_start3A_1233 = arith.constant 0 : i32
      %dma_start3A_1234 = tpu.memref_slice %arg4[%dma_start3A_1232, %dma_start3A_1233] : memref<1000000x64xf32, #tpu.memory_space<hbm>> -> memref<1000000x64xf32, #tpu.memory_space<hbm>>
      tpu.enqueue_indirect_dma source(%arg14 : memref<64x64xf32, #tpu.memory_space<vmem>>) target(%dma_start3A_1234 : memref<1000000x64xf32, #tpu.memory_space<hbm>>) offsets(%dma_start3A_1231 : memref<64xi32, #tpu.memory_space<vmem>>) semaphore(%arg16 : memref<!tpu.dma_semaphore, #tpu.memory_space<semaphore_mem>>)
      %dma_wait3A_1235 = arith.constant 4 : i32
      %dma_wait3A_1236 = arith.constant 0 : i32
      %dma_wait3A_1237 = tpu.memref_slice %arg11[%dma_wait3A_1235, %dma_wait3A_1236] : memref<13x64xi32, #tpu.memory_space<vmem>> -> memref<1x64xi32, #tpu.memory_space<vmem>>
      %dma_wait3A_1238 = tpu.memref_squeeze %dma_wait3A_1237 : memref<1x64xi32, #tpu.memory_space<vmem>> -> memref<64xi32, #tpu.memory_space<vmem>>
      %dma_wait3A_1239 = arith.constant 0 : i32
      %dma_wait3A_1240 = arith.constant 0 : i32
      %dma_wait3A_1241 = tpu.memref_slice %arg4[%dma_wait3A_1239, %dma_wait3A_1240] : memref<1000000x64xf32, #tpu.memory_space<hbm>> -> memref<1000000x64xf32, #tpu.memory_space<hbm>>
      tpu.wait_indirect_dma semaphore(%arg16 : memref<!tpu.dma_semaphore, #tpu.memory_space<semaphore_mem>>) src(%arg14 : memref<64x64xf32, #tpu.memory_space<vmem>>) dst(%dma_wait3A_1241 : memref<1000000x64xf32, #tpu.memory_space<hbm>>)
      %dma_start3A_1242 = arith.constant 4 : i32
      %dma_start3A_1243 = arith.constant 0 : i32
      %dma_start3A_1244 = tpu.memref_slice %arg12[%dma_start3A_1242, %dma_start3A_1243] : memref<13x64xi32, #tpu.memory_space<vmem>> -> memref<1x64xi32, #tpu.memory_space<vmem>>
      %dma_start3A_1245 = tpu.memref_squeeze %dma_start3A_1244 : memref<1x64xi32, #tpu.memory_space<vmem>> -> memref<64xi32, #tpu.memory_space<vmem>>
      %dma_start3A_1246 = arith.constant 0 : i32
      %dma_start3A_1247 = arith.constant 0 : i32
      %dma_start3A_1248 = tpu.memref_slice %arg5[%dma_start3A_1246, %dma_start3A_1247] : memref<16384x64xf32, #tpu.memory_space<hbm>> -> memref<16384x64xf32, #tpu.memory_space<hbm>>
      tpu.enqueue_indirect_dma source(%arg14 : memref<64x64xf32, #tpu.memory_space<vmem>>) target(%dma_start3A_1248 : memref<16384x64xf32, #tpu.memory_space<hbm>>) offsets(%dma_start3A_1245 : memref<64xi32, #tpu.memory_space<vmem>>) semaphore(%arg16 : memref<!tpu.dma_semaphore, #tpu.memory_space<semaphore_mem>>)
      %dma_wait3A_1249 = arith.constant 4 : i32
      %dma_wait3A_1250 = arith.constant 0 : i32
      %dma_wait3A_1251 = tpu.memref_slice %arg12[%dma_wait3A_1249, %dma_wait3A_1250] : memref<13x64xi32, #tpu.memory_space<vmem>> -> memref<1x64xi32, #tpu.memory_space<vmem>>
      %dma_wait3A_1252 = tpu.memref_squeeze %dma_wait3A_1251 : memref<1x64xi32, #tpu.memory_space<vmem>> -> memref<64xi32, #tpu.memory_space<vmem>>
      %dma_wait3A_1253 = arith.constant 0 : i32
      %dma_wait3A_1254 = arith.constant 0 : i32
      %dma_wait3A_1255 = tpu.memref_slice %arg5[%dma_wait3A_1253, %dma_wait3A_1254] : memref<16384x64xf32, #tpu.memory_space<hbm>> -> memref<16384x64xf32, #tpu.memory_space<hbm>>
      tpu.wait_indirect_dma semaphore(%arg16 : memref<!tpu.dma_semaphore, #tpu.memory_space<semaphore_mem>>) src(%arg14 : memref<64x64xf32, #tpu.memory_space<vmem>>) dst(%dma_wait3A_1255 : memref<16384x64xf32, #tpu.memory_space<hbm>>)
      %dma_start3A_1256 = arith.constant 5 : i32
      %dma_start3A_1257 = arith.constant 0 : i32
      %dma_start3A_1258 = tpu.memref_slice %arg13[%dma_start3A_1256, %dma_start3A_1257] : memref<13x64xi32, #tpu.memory_space<vmem>> -> memref<1x64xi32, #tpu.memory_space<vmem>>
      %dma_start3A_1259 = tpu.memref_squeeze %dma_start3A_1258 : memref<1x64xi32, #tpu.memory_space<vmem>> -> memref<64xi32, #tpu.memory_space<vmem>>
      %dma_start3A_1260 = arith.constant 0 : i32
      %dma_start3A_1261 = arith.constant 0 : i32
      %dma_start3A_1262 = tpu.memref_slice %arg3[%dma_start3A_1260, %dma_start3A_1261] : memref<16384x64xf32, #tpu.memory_space<hbm>> -> memref<16384x64xf32, #tpu.memory_space<hbm>>
      tpu.enqueue_indirect_dma source(%dma_start3A_1262 : memref<16384x64xf32, #tpu.memory_space<hbm>>) target(%arg14 : memref<64x64xf32, #tpu.memory_space<vmem>>) offsets(%dma_start3A_1259 : memref<64xi32, #tpu.memory_space<vmem>>) semaphore(%arg15 : memref<!tpu.dma_semaphore, #tpu.memory_space<semaphore_mem>>)
      %dma_wait3A_1263 = arith.constant 5 : i32
      %dma_wait3A_1264 = arith.constant 0 : i32
      %dma_wait3A_1265 = tpu.memref_slice %arg13[%dma_wait3A_1263, %dma_wait3A_1264] : memref<13x64xi32, #tpu.memory_space<vmem>> -> memref<1x64xi32, #tpu.memory_space<vmem>>
      %dma_wait3A_1266 = tpu.memref_squeeze %dma_wait3A_1265 : memref<1x64xi32, #tpu.memory_space<vmem>> -> memref<64xi32, #tpu.memory_space<vmem>>
      %dma_wait3A_1267 = arith.constant 0 : i32
      %dma_wait3A_1268 = arith.constant 0 : i32
      %dma_wait3A_1269 = tpu.memref_slice %arg3[%dma_wait3A_1267, %dma_wait3A_1268] : memref<16384x64xf32, #tpu.memory_space<hbm>> -> memref<16384x64xf32, #tpu.memory_space<hbm>>
      tpu.wait_indirect_dma semaphore(%arg15 : memref<!tpu.dma_semaphore, #tpu.memory_space<semaphore_mem>>) src(%dma_wait3A_1269 : memref<16384x64xf32, #tpu.memory_space<hbm>>) dst(%arg14 : memref<64x64xf32, #tpu.memory_space<vmem>>)
      %dma_start3A_1270 = arith.constant 5 : i32
      %dma_start3A_1271 = arith.constant 0 : i32
      %dma_start3A_1272 = tpu.memref_slice %arg11[%dma_start3A_1270, %dma_start3A_1271] : memref<13x64xi32, #tpu.memory_space<vmem>> -> memref<1x64xi32, #tpu.memory_space<vmem>>
      %dma_start3A_1273 = tpu.memref_squeeze %dma_start3A_1272 : memref<1x64xi32, #tpu.memory_space<vmem>> -> memref<64xi32, #tpu.memory_space<vmem>>
      %dma_start3A_1274 = arith.constant 0 : i32
      %dma_start3A_1275 = arith.constant 0 : i32
      %dma_start3A_1276 = tpu.memref_slice %arg4[%dma_start3A_1274, %dma_start3A_1275] : memref<1000000x64xf32, #tpu.memory_space<hbm>> -> memref<1000000x64xf32, #tpu.memory_space<hbm>>
      tpu.enqueue_indirect_dma source(%arg14 : memref<64x64xf32, #tpu.memory_space<vmem>>) target(%dma_start3A_1276 : memref<1000000x64xf32, #tpu.memory_space<hbm>>) offsets(%dma_start3A_1273 : memref<64xi32, #tpu.memory_space<vmem>>) semaphore(%arg16 : memref<!tpu.dma_semaphore, #tpu.memory_space<semaphore_mem>>)
      %dma_wait3A_1277 = arith.constant 5 : i32
      %dma_wait3A_1278 = arith.constant 0 : i32
      %dma_wait3A_1279 = tpu.memref_slice %arg11[%dma_wait3A_1277, %dma_wait3A_1278] : memref<13x64xi32, #tpu.memory_space<vmem>> -> memref<1x64xi32, #tpu.memory_space<vmem>>
      %dma_wait3A_1280 = tpu.memref_squeeze %dma_wait3A_1279 : memref<1x64xi32, #tpu.memory_space<vmem>> -> memref<64xi32, #tpu.memory_space<vmem>>
      %dma_wait3A_1281 = arith.constant 0 : i32
      %dma_wait3A_1282 = arith.constant 0 : i32
      %dma_wait3A_1283 = tpu.memref_slice %arg4[%dma_wait3A_1281, %dma_wait3A_1282] : memref<1000000x64xf32, #tpu.memory_space<hbm>> -> memref<1000000x64xf32, #tpu.memory_space<hbm>>
      tpu.wait_indirect_dma semaphore(%arg16 : memref<!tpu.dma_semaphore, #tpu.memory_space<semaphore_mem>>) src(%arg14 : memref<64x64xf32, #tpu.memory_space<vmem>>) dst(%dma_wait3A_1283 : memref<1000000x64xf32, #tpu.memory_space<hbm>>)
      %dma_start3A_1284 = arith.constant 5 : i32
      %dma_start3A_1285 = arith.constant 0 : i32
      %dma_start3A_1286 = tpu.memref_slice %arg12[%dma_start3A_1284, %dma_start3A_1285] : memref<13x64xi32, #tpu.memory_space<vmem>> -> memref<1x64xi32, #tpu.memory_space<vmem>>
      %dma_start3A_1287 = tpu.memref_squeeze %dma_start3A_1286 : memref<1x64xi32, #tpu.memory_space<vmem>> -> memref<64xi32, #tpu.memory_space<vmem>>
      %dma_start3A_1288 = arith.constant 0 : i32
      %dma_start3A_1289 = arith.constant 0 : i32
      %dma_start3A_1290 = tpu.memref_slice %arg5[%dma_start3A_1288, %dma_start3A_1289] : memref<16384x64xf32, #tpu.memory_space<hbm>> -> memref<16384x64xf32, #tpu.memory_space<hbm>>
      tpu.enqueue_indirect_dma source(%arg14 : memref<64x64xf32, #tpu.memory_space<vmem>>) target(%dma_start3A_1290 : memref<16384x64xf32, #tpu.memory_space<hbm>>) offsets(%dma_start3A_1287 : memref<64xi32, #tpu.memory_space<vmem>>) semaphore(%arg16 : memref<!tpu.dma_semaphore, #tpu.memory_space<semaphore_mem>>)
      %dma_wait3A_1291 = arith.constant 5 : i32
      %dma_wait3A_1292 = arith.constant 0 : i32
      %dma_wait3A_1293 = tpu.memref_slice %arg12[%dma_wait3A_1291, %dma_wait3A_1292] : memref<13x64xi32, #tpu.memory_space<vmem>> -> memref<1x64xi32, #tpu.memory_space<vmem>>
      %dma_wait3A_1294 = tpu.memref_squeeze %dma_wait3A_1293 : memref<1x64xi32, #tpu.memory_space<vmem>> -> memref<64xi32, #tpu.memory_space<vmem>>
      %dma_wait3A_1295 = arith.constant 0 : i32
      %dma_wait3A_1296 = arith.constant 0 : i32
      %dma_wait3A_1297 = tpu.memref_slice %arg5[%dma_wait3A_1295, %dma_wait3A_1296] : memref<16384x64xf32, #tpu.memory_space<hbm>> -> memref<16384x64xf32, #tpu.memory_space<hbm>>
      tpu.wait_indirect_dma semaphore(%arg16 : memref<!tpu.dma_semaphore, #tpu.memory_space<semaphore_mem>>) src(%arg14 : memref<64x64xf32, #tpu.memory_space<vmem>>) dst(%dma_wait3A_1297 : memref<16384x64xf32, #tpu.memory_space<hbm>>)
      %dma_start3A_1298 = arith.constant 6 : i32
      %dma_start3A_1299 = arith.constant 0 : i32
      %dma_start3A_1300 = tpu.memref_slice %arg13[%dma_start3A_1298, %dma_start3A_1299] : memref<13x64xi32, #tpu.memory_space<vmem>> -> memref<1x64xi32, #tpu.memory_space<vmem>>
      %dma_start3A_1301 = tpu.memref_squeeze %dma_start3A_1300 : memref<1x64xi32, #tpu.memory_space<vmem>> -> memref<64xi32, #tpu.memory_space<vmem>>
      %dma_start3A_1302 = arith.constant 0 : i32
      %dma_start3A_1303 = arith.constant 0 : i32
      %dma_start3A_1304 = tpu.memref_slice %arg3[%dma_start3A_1302, %dma_start3A_1303] : memref<16384x64xf32, #tpu.memory_space<hbm>> -> memref<16384x64xf32, #tpu.memory_space<hbm>>
      tpu.enqueue_indirect_dma source(%dma_start3A_1304 : memref<16384x64xf32, #tpu.memory_space<hbm>>) target(%arg14 : memref<64x64xf32, #tpu.memory_space<vmem>>) offsets(%dma_start3A_1301 : memref<64xi32, #tpu.memory_space<vmem>>) semaphore(%arg15 : memref<!tpu.dma_semaphore, #tpu.memory_space<semaphore_mem>>)
      %dma_wait3A_1305 = arith.constant 6 : i32
      %dma_wait3A_1306 = arith.constant 0 : i32
      %dma_wait3A_1307 = tpu.memref_slice %arg13[%dma_wait3A_1305, %dma_wait3A_1306] : memref<13x64xi32, #tpu.memory_space<vmem>> -> memref<1x64xi32, #tpu.memory_space<vmem>>
      %dma_wait3A_1308 = tpu.memref_squeeze %dma_wait3A_1307 : memref<1x64xi32, #tpu.memory_space<vmem>> -> memref<64xi32, #tpu.memory_space<vmem>>
      %dma_wait3A_1309 = arith.constant 0 : i32
      %dma_wait3A_1310 = arith.constant 0 : i32
      %dma_wait3A_1311 = tpu.memref_slice %arg3[%dma_wait3A_1309, %dma_wait3A_1310] : memref<16384x64xf32, #tpu.memory_space<hbm>> -> memref<16384x64xf32, #tpu.memory_space<hbm>>
      tpu.wait_indirect_dma semaphore(%arg15 : memref<!tpu.dma_semaphore, #tpu.memory_space<semaphore_mem>>) src(%dma_wait3A_1311 : memref<16384x64xf32, #tpu.memory_space<hbm>>) dst(%arg14 : memref<64x64xf32, #tpu.memory_space<vmem>>)
      %dma_start3A_1312 = arith.constant 6 : i32
      %dma_start3A_1313 = arith.constant 0 : i32
      %dma_start3A_1314 = tpu.memref_slice %arg11[%dma_start3A_1312, %dma_start3A_1313] : memref<13x64xi32, #tpu.memory_space<vmem>> -> memref<1x64xi32, #tpu.memory_space<vmem>>
      %dma_start3A_1315 = tpu.memref_squeeze %dma_start3A_1314 : memref<1x64xi32, #tpu.memory_space<vmem>> -> memref<64xi32, #tpu.memory_space<vmem>>
      %dma_start3A_1316 = arith.constant 0 : i32
      %dma_start3A_1317 = arith.constant 0 : i32
      %dma_start3A_1318 = tpu.memref_slice %arg4[%dma_start3A_1316, %dma_start3A_1317] : memref<1000000x64xf32, #tpu.memory_space<hbm>> -> memref<1000000x64xf32, #tpu.memory_space<hbm>>
      tpu.enqueue_indirect_dma source(%arg14 : memref<64x64xf32, #tpu.memory_space<vmem>>) target(%dma_start3A_1318 : memref<1000000x64xf32, #tpu.memory_space<hbm>>) offsets(%dma_start3A_1315 : memref<64xi32, #tpu.memory_space<vmem>>) semaphore(%arg16 : memref<!tpu.dma_semaphore, #tpu.memory_space<semaphore_mem>>)
      %dma_wait3A_1319 = arith.constant 6 : i32
      %dma_wait3A_1320 = arith.constant 0 : i32
      %dma_wait3A_1321 = tpu.memref_slice %arg11[%dma_wait3A_1319, %dma_wait3A_1320] : memref<13x64xi32, #tpu.memory_space<vmem>> -> memref<1x64xi32, #tpu.memory_space<vmem>>
      %dma_wait3A_1322 = tpu.memref_squeeze %dma_wait3A_1321 : memref<1x64xi32, #tpu.memory_space<vmem>> -> memref<64xi32, #tpu.memory_space<vmem>>
      %dma_wait3A_1323 = arith.constant 0 : i32
      %dma_wait3A_1324 = arith.constant 0 : i32
      %dma_wait3A_1325 = tpu.memref_slice %arg4[%dma_wait3A_1323, %dma_wait3A_1324] : memref<1000000x64xf32, #tpu.memory_space<hbm>> -> memref<1000000x64xf32, #tpu.memory_space<hbm>>
      tpu.wait_indirect_dma semaphore(%arg16 : memref<!tpu.dma_semaphore, #tpu.memory_space<semaphore_mem>>) src(%arg14 : memref<64x64xf32, #tpu.memory_space<vmem>>) dst(%dma_wait3A_1325 : memref<1000000x64xf32, #tpu.memory_space<hbm>>)
      %dma_start3A_1326 = arith.constant 6 : i32
      %dma_start3A_1327 = arith.constant 0 : i32
      %dma_start3A_1328 = tpu.memref_slice %arg12[%dma_start3A_1326, %dma_start3A_1327] : memref<13x64xi32, #tpu.memory_space<vmem>> -> memref<1x64xi32, #tpu.memory_space<vmem>>
      %dma_start3A_1329 = tpu.memref_squeeze %dma_start3A_1328 : memref<1x64xi32, #tpu.memory_space<vmem>> -> memref<64xi32, #tpu.memory_space<vmem>>
      %dma_start3A_1330 = arith.constant 0 : i32
      %dma_start3A_1331 = arith.constant 0 : i32
      %dma_start3A_1332 = tpu.memref_slice %arg5[%dma_start3A_1330, %dma_start3A_1331] : memref<16384x64xf32, #tpu.memory_space<hbm>> -> memref<16384x64xf32, #tpu.memory_space<hbm>>
      tpu.enqueue_indirect_dma source(%arg14 : memref<64x64xf32, #tpu.memory_space<vmem>>) target(%dma_start3A_1332 : memref<16384x64xf32, #tpu.memory_space<hbm>>) offsets(%dma_start3A_1329 : memref<64xi32, #tpu.memory_space<vmem>>) semaphore(%arg16 : memref<!tpu.dma_semaphore, #tpu.memory_space<semaphore_mem>>)
      %dma_wait3A_1333 = arith.constant 6 : i32
      %dma_wait3A_1334 = arith.constant 0 : i32
      %dma_wait3A_1335 = tpu.memref_slice %arg12[%dma_wait3A_1333, %dma_wait3A_1334] : memref<13x64xi32, #tpu.memory_space<vmem>> -> memref<1x64xi32, #tpu.memory_space<vmem>>
      %dma_wait3A_1336 = tpu.memref_squeeze %dma_wait3A_1335 : memref<1x64xi32, #tpu.memory_space<vmem>> -> memref<64xi32, #tpu.memory_space<vmem>>
      %dma_wait3A_1337 = arith.constant 0 : i32
      %dma_wait3A_1338 = arith.constant 0 : i32
      %dma_wait3A_1339 = tpu.memref_slice %arg5[%dma_wait3A_1337, %dma_wait3A_1338] : memref<16384x64xf32, #tpu.memory_space<hbm>> -> memref<16384x64xf32, #tpu.memory_space<hbm>>
      tpu.wait_indirect_dma semaphore(%arg16 : memref<!tpu.dma_semaphore, #tpu.memory_space<semaphore_mem>>) src(%arg14 : memref<64x64xf32, #tpu.memory_space<vmem>>) dst(%dma_wait3A_1339 : memref<16384x64xf32, #tpu.memory_space<hbm>>)
      %dma_start3A_1340 = arith.constant 7 : i32
      %dma_start3A_1341 = arith.constant 0 : i32
      %dma_start3A_1342 = tpu.memref_slice %arg13[%dma_start3A_1340, %dma_start3A_1341] : memref<13x64xi32, #tpu.memory_space<vmem>> -> memref<1x64xi32, #tpu.memory_space<vmem>>
      %dma_start3A_1343 = tpu.memref_squeeze %dma_start3A_1342 : memref<1x64xi32, #tpu.memory_space<vmem>> -> memref<64xi32, #tpu.memory_space<vmem>>
      %dma_start3A_1344 = arith.constant 0 : i32
      %dma_start3A_1345 = arith.constant 0 : i32
      %dma_start3A_1346 = tpu.memref_slice %arg3[%dma_start3A_1344, %dma_start3A_1345] : memref<16384x64xf32, #tpu.memory_space<hbm>> -> memref<16384x64xf32, #tpu.memory_space<hbm>>
      tpu.enqueue_indirect_dma source(%dma_start3A_1346 : memref<16384x64xf32, #tpu.memory_space<hbm>>) target(%arg14 : memref<64x64xf32, #tpu.memory_space<vmem>>) offsets(%dma_start3A_1343 : memref<64xi32, #tpu.memory_space<vmem>>) semaphore(%arg15 : memref<!tpu.dma_semaphore, #tpu.memory_space<semaphore_mem>>)
      %dma_wait3A_1347 = arith.constant 7 : i32
      %dma_wait3A_1348 = arith.constant 0 : i32
      %dma_wait3A_1349 = tpu.memref_slice %arg13[%dma_wait3A_1347, %dma_wait3A_1348] : memref<13x64xi32, #tpu.memory_space<vmem>> -> memref<1x64xi32, #tpu.memory_space<vmem>>
      %dma_wait3A_1350 = tpu.memref_squeeze %dma_wait3A_1349 : memref<1x64xi32, #tpu.memory_space<vmem>> -> memref<64xi32, #tpu.memory_space<vmem>>
      %dma_wait3A_1351 = arith.constant 0 : i32
      %dma_wait3A_1352 = arith.constant 0 : i32
      %dma_wait3A_1353 = tpu.memref_slice %arg3[%dma_wait3A_1351, %dma_wait3A_1352] : memref<16384x64xf32, #tpu.memory_space<hbm>> -> memref<16384x64xf32, #tpu.memory_space<hbm>>
      tpu.wait_indirect_dma semaphore(%arg15 : memref<!tpu.dma_semaphore, #tpu.memory_space<semaphore_mem>>) src(%dma_wait3A_1353 : memref<16384x64xf32, #tpu.memory_space<hbm>>) dst(%arg14 : memref<64x64xf32, #tpu.memory_space<vmem>>)
      %dma_start3A_1354 = arith.constant 7 : i32
      %dma_start3A_1355 = arith.constant 0 : i32
      %dma_start3A_1356 = tpu.memref_slice %arg11[%dma_start3A_1354, %dma_start3A_1355] : memref<13x64xi32, #tpu.memory_space<vmem>> -> memref<1x64xi32, #tpu.memory_space<vmem>>
      %dma_start3A_1357 = tpu.memref_squeeze %dma_start3A_1356 : memref<1x64xi32, #tpu.memory_space<vmem>> -> memref<64xi32, #tpu.memory_space<vmem>>
      %dma_start3A_1358 = arith.constant 0 : i32
      %dma_start3A_1359 = arith.constant 0 : i32
      %dma_start3A_1360 = tpu.memref_slice %arg4[%dma_start3A_1358, %dma_start3A_1359] : memref<1000000x64xf32, #tpu.memory_space<hbm>> -> memref<1000000x64xf32, #tpu.memory_space<hbm>>
      tpu.enqueue_indirect_dma source(%arg14 : memref<64x64xf32, #tpu.memory_space<vmem>>) target(%dma_start3A_1360 : memref<1000000x64xf32, #tpu.memory_space<hbm>>) offsets(%dma_start3A_1357 : memref<64xi32, #tpu.memory_space<vmem>>) semaphore(%arg16 : memref<!tpu.dma_semaphore, #tpu.memory_space<semaphore_mem>>)
      %dma_wait3A_1361 = arith.constant 7 : i32
      %dma_wait3A_1362 = arith.constant 0 : i32
      %dma_wait3A_1363 = tpu.memref_slice %arg11[%dma_wait3A_1361, %dma_wait3A_1362] : memref<13x64xi32, #tpu.memory_space<vmem>> -> memref<1x64xi32, #tpu.memory_space<vmem>>
      %dma_wait3A_1364 = tpu.memref_squeeze %dma_wait3A_1363 : memref<1x64xi32, #tpu.memory_space<vmem>> -> memref<64xi32, #tpu.memory_space<vmem>>
      %dma_wait3A_1365 = arith.constant 0 : i32
      %dma_wait3A_1366 = arith.constant 0 : i32
      %dma_wait3A_1367 = tpu.memref_slice %arg4[%dma_wait3A_1365, %dma_wait3A_1366] : memref<1000000x64xf32, #tpu.memory_space<hbm>> -> memref<1000000x64xf32, #tpu.memory_space<hbm>>
      tpu.wait_indirect_dma semaphore(%arg16 : memref<!tpu.dma_semaphore, #tpu.memory_space<semaphore_mem>>) src(%arg14 : memref<64x64xf32, #tpu.memory_space<vmem>>) dst(%dma_wait3A_1367 : memref<1000000x64xf32, #tpu.memory_space<hbm>>)
      %dma_start3A_1368 = arith.constant 7 : i32
      %dma_start3A_1369 = arith.constant 0 : i32
      %dma_start3A_1370 = tpu.memref_slice %arg12[%dma_start3A_1368, %dma_start3A_1369] : memref<13x64xi32, #tpu.memory_space<vmem>> -> memref<1x64xi32, #tpu.memory_space<vmem>>
      %dma_start3A_1371 = tpu.memref_squeeze %dma_start3A_1370 : memref<1x64xi32, #tpu.memory_space<vmem>> -> memref<64xi32, #tpu.memory_space<vmem>>
      %dma_start3A_1372 = arith.constant 0 : i32
      %dma_start3A_1373 = arith.constant 0 : i32
      %dma_start3A_1374 = tpu.memref_slice %arg5[%dma_start3A_1372, %dma_start3A_1373] : memref<16384x64xf32, #tpu.memory_space<hbm>> -> memref<16384x64xf32, #tpu.memory_space<hbm>>
      tpu.enqueue_indirect_dma source(%arg14 : memref<64x64xf32, #tpu.memory_space<vmem>>) target(%dma_start3A_1374 : memref<16384x64xf32, #tpu.memory_space<hbm>>) offsets(%dma_start3A_1371 : memref<64xi32, #tpu.memory_space<vmem>>) semaphore(%arg16 : memref<!tpu.dma_semaphore, #tpu.memory_space<semaphore_mem>>)
      %dma_wait3A_1375 = arith.constant 7 : i32
      %dma_wait3A_1376 = arith.constant 0 : i32
      %dma_wait3A_1377 = tpu.memref_slice %arg12[%dma_wait3A_1375, %dma_wait3A_1376] : memref<13x64xi32, #tpu.memory_space<vmem>> -> memref<1x64xi32, #tpu.memory_space<vmem>>
      %dma_wait3A_1378 = tpu.memref_squeeze %dma_wait3A_1377 : memref<1x64xi32, #tpu.memory_space<vmem>> -> memref<64xi32, #tpu.memory_space<vmem>>
      %dma_wait3A_1379 = arith.constant 0 : i32
      %dma_wait3A_1380 = arith.constant 0 : i32
      %dma_wait3A_1381 = tpu.memref_slice %arg5[%dma_wait3A_1379, %dma_wait3A_1380] : memref<16384x64xf32, #tpu.memory_space<hbm>> -> memref<16384x64xf32, #tpu.memory_space<hbm>>
      tpu.wait_indirect_dma semaphore(%arg16 : memref<!tpu.dma_semaphore, #tpu.memory_space<semaphore_mem>>) src(%arg14 : memref<64x64xf32, #tpu.memory_space<vmem>>) dst(%dma_wait3A_1381 : memref<16384x64xf32, #tpu.memory_space<hbm>>)
      %dma_start3A_1382 = arith.constant 8 : i32
      %dma_start3A_1383 = arith.constant 0 : i32
      %dma_start3A_1384 = tpu.memref_slice %arg13[%dma_start3A_1382, %dma_start3A_1383] : memref<13x64xi32, #tpu.memory_space<vmem>> -> memref<1x64xi32, #tpu.memory_space<vmem>>
      %dma_start3A_1385 = tpu.memref_squeeze %dma_start3A_1384 : memref<1x64xi32, #tpu.memory_space<vmem>> -> memref<64xi32, #tpu.memory_space<vmem>>
      %dma_start3A_1386 = arith.constant 0 : i32
      %dma_start3A_1387 = arith.constant 0 : i32
      %dma_start3A_1388 = tpu.memref_slice %arg3[%dma_start3A_1386, %dma_start3A_1387] : memref<16384x64xf32, #tpu.memory_space<hbm>> -> memref<16384x64xf32, #tpu.memory_space<hbm>>
      tpu.enqueue_indirect_dma source(%dma_start3A_1388 : memref<16384x64xf32, #tpu.memory_space<hbm>>) target(%arg14 : memref<64x64xf32, #tpu.memory_space<vmem>>) offsets(%dma_start3A_1385 : memref<64xi32, #tpu.memory_space<vmem>>) semaphore(%arg15 : memref<!tpu.dma_semaphore, #tpu.memory_space<semaphore_mem>>)
      %dma_wait3A_1389 = arith.constant 8 : i32
      %dma_wait3A_1390 = arith.constant 0 : i32
      %dma_wait3A_1391 = tpu.memref_slice %arg13[%dma_wait3A_1389, %dma_wait3A_1390] : memref<13x64xi32, #tpu.memory_space<vmem>> -> memref<1x64xi32, #tpu.memory_space<vmem>>
      %dma_wait3A_1392 = tpu.memref_squeeze %dma_wait3A_1391 : memref<1x64xi32, #tpu.memory_space<vmem>> -> memref<64xi32, #tpu.memory_space<vmem>>
      %dma_wait3A_1393 = arith.constant 0 : i32
      %dma_wait3A_1394 = arith.constant 0 : i32
      %dma_wait3A_1395 = tpu.memref_slice %arg3[%dma_wait3A_1393, %dma_wait3A_1394] : memref<16384x64xf32, #tpu.memory_space<hbm>> -> memref<16384x64xf32, #tpu.memory_space<hbm>>
      tpu.wait_indirect_dma semaphore(%arg15 : memref<!tpu.dma_semaphore, #tpu.memory_space<semaphore_mem>>) src(%dma_wait3A_1395 : memref<16384x64xf32, #tpu.memory_space<hbm>>) dst(%arg14 : memref<64x64xf32, #tpu.memory_space<vmem>>)
      %dma_start3A_1396 = arith.constant 8 : i32
      %dma_start3A_1397 = arith.constant 0 : i32
      %dma_start3A_1398 = tpu.memref_slice %arg11[%dma_start3A_1396, %dma_start3A_1397] : memref<13x64xi32, #tpu.memory_space<vmem>> -> memref<1x64xi32, #tpu.memory_space<vmem>>
      %dma_start3A_1399 = tpu.memref_squeeze %dma_start3A_1398 : memref<1x64xi32, #tpu.memory_space<vmem>> -> memref<64xi32, #tpu.memory_space<vmem>>
      %dma_start3A_1400 = arith.constant 0 : i32
      %dma_start3A_1401 = arith.constant 0 : i32
      %dma_start3A_1402 = tpu.memref_slice %arg4[%dma_start3A_1400, %dma_start3A_1401] : memref<1000000x64xf32, #tpu.memory_space<hbm>> -> memref<1000000x64xf32, #tpu.memory_space<hbm>>
      tpu.enqueue_indirect_dma source(%arg14 : memref<64x64xf32, #tpu.memory_space<vmem>>) target(%dma_start3A_1402 : memref<1000000x64xf32, #tpu.memory_space<hbm>>) offsets(%dma_start3A_1399 : memref<64xi32, #tpu.memory_space<vmem>>) semaphore(%arg16 : memref<!tpu.dma_semaphore, #tpu.memory_space<semaphore_mem>>)
      %dma_wait3A_1403 = arith.constant 8 : i32
      %dma_wait3A_1404 = arith.constant 0 : i32
      %dma_wait3A_1405 = tpu.memref_slice %arg11[%dma_wait3A_1403, %dma_wait3A_1404] : memref<13x64xi32, #tpu.memory_space<vmem>> -> memref<1x64xi32, #tpu.memory_space<vmem>>
      %dma_wait3A_1406 = tpu.memref_squeeze %dma_wait3A_1405 : memref<1x64xi32, #tpu.memory_space<vmem>> -> memref<64xi32, #tpu.memory_space<vmem>>
      %dma_wait3A_1407 = arith.constant 0 : i32
      %dma_wait3A_1408 = arith.constant 0 : i32
      %dma_wait3A_1409 = tpu.memref_slice %arg4[%dma_wait3A_1407, %dma_wait3A_1408] : memref<1000000x64xf32, #tpu.memory_space<hbm>> -> memref<1000000x64xf32, #tpu.memory_space<hbm>>
      tpu.wait_indirect_dma semaphore(%arg16 : memref<!tpu.dma_semaphore, #tpu.memory_space<semaphore_mem>>) src(%arg14 : memref<64x64xf32, #tpu.memory_space<vmem>>) dst(%dma_wait3A_1409 : memref<1000000x64xf32, #tpu.memory_space<hbm>>)
      %dma_start3A_1410 = arith.constant 8 : i32
      %dma_start3A_1411 = arith.constant 0 : i32
      %dma_start3A_1412 = tpu.memref_slice %arg12[%dma_start3A_1410, %dma_start3A_1411] : memref<13x64xi32, #tpu.memory_space<vmem>> -> memref<1x64xi32, #tpu.memory_space<vmem>>
      %dma_start3A_1413 = tpu.memref_squeeze %dma_start3A_1412 : memref<1x64xi32, #tpu.memory_space<vmem>> -> memref<64xi32, #tpu.memory_space<vmem>>
      %dma_start3A_1414 = arith.constant 0 : i32
      %dma_start3A_1415 = arith.constant 0 : i32
      %dma_start3A_1416 = tpu.memref_slice %arg5[%dma_start3A_1414, %dma_start3A_1415] : memref<16384x64xf32, #tpu.memory_space<hbm>> -> memref<16384x64xf32, #tpu.memory_space<hbm>>
      tpu.enqueue_indirect_dma source(%arg14 : memref<64x64xf32, #tpu.memory_space<vmem>>) target(%dma_start3A_1416 : memref<16384x64xf32, #tpu.memory_space<hbm>>) offsets(%dma_start3A_1413 : memref<64xi32, #tpu.memory_space<vmem>>) semaphore(%arg16 : memref<!tpu.dma_semaphore, #tpu.memory_space<semaphore_mem>>)
      %dma_wait3A_1417 = arith.constant 8 : i32
      %dma_wait3A_1418 = arith.constant 0 : i32
      %dma_wait3A_1419 = tpu.memref_slice %arg12[%dma_wait3A_1417, %dma_wait3A_1418] : memref<13x64xi32, #tpu.memory_space<vmem>> -> memref<1x64xi32, #tpu.memory_space<vmem>>
      %dma_wait3A_1420 = tpu.memref_squeeze %dma_wait3A_1419 : memref<1x64xi32, #tpu.memory_space<vmem>> -> memref<64xi32, #tpu.memory_space<vmem>>
      %dma_wait3A_1421 = arith.constant 0 : i32
      %dma_wait3A_1422 = arith.constant 0 : i32
      %dma_wait3A_1423 = tpu.memref_slice %arg5[%dma_wait3A_1421, %dma_wait3A_1422] : memref<16384x64xf32, #tpu.memory_space<hbm>> -> memref<16384x64xf32, #tpu.memory_space<hbm>>
      tpu.wait_indirect_dma semaphore(%arg16 : memref<!tpu.dma_semaphore, #tpu.memory_space<semaphore_mem>>) src(%arg14 : memref<64x64xf32, #tpu.memory_space<vmem>>) dst(%dma_wait3A_1423 : memref<16384x64xf32, #tpu.memory_space<hbm>>)
      %dma_start3A_1424 = arith.constant 9 : i32
      %dma_start3A_1425 = arith.constant 0 : i32
      %dma_start3A_1426 = tpu.memref_slice %arg13[%dma_start3A_1424, %dma_start3A_1425] : memref<13x64xi32, #tpu.memory_space<vmem>> -> memref<1x64xi32, #tpu.memory_space<vmem>>
      %dma_start3A_1427 = tpu.memref_squeeze %dma_start3A_1426 : memref<1x64xi32, #tpu.memory_space<vmem>> -> memref<64xi32, #tpu.memory_space<vmem>>
      %dma_start3A_1428 = arith.constant 0 : i32
      %dma_start3A_1429 = arith.constant 0 : i32
      %dma_start3A_1430 = tpu.memref_slice %arg3[%dma_start3A_1428, %dma_start3A_1429] : memref<16384x64xf32, #tpu.memory_space<hbm>> -> memref<16384x64xf32, #tpu.memory_space<hbm>>
      tpu.enqueue_indirect_dma source(%dma_start3A_1430 : memref<16384x64xf32, #tpu.memory_space<hbm>>) target(%arg14 : memref<64x64xf32, #tpu.memory_space<vmem>>) offsets(%dma_start3A_1427 : memref<64xi32, #tpu.memory_space<vmem>>) semaphore(%arg15 : memref<!tpu.dma_semaphore, #tpu.memory_space<semaphore_mem>>)
      %dma_wait3A_1431 = arith.constant 9 : i32
      %dma_wait3A_1432 = arith.constant 0 : i32
      %dma_wait3A_1433 = tpu.memref_slice %arg13[%dma_wait3A_1431, %dma_wait3A_1432] : memref<13x64xi32, #tpu.memory_space<vmem>> -> memref<1x64xi32, #tpu.memory_space<vmem>>
      %dma_wait3A_1434 = tpu.memref_squeeze %dma_wait3A_1433 : memref<1x64xi32, #tpu.memory_space<vmem>> -> memref<64xi32, #tpu.memory_space<vmem>>
      %dma_wait3A_1435 = arith.constant 0 : i32
      %dma_wait3A_1436 = arith.constant 0 : i32
      %dma_wait3A_1437 = tpu.memref_slice %arg3[%dma_wait3A_1435, %dma_wait3A_1436] : memref<16384x64xf32, #tpu.memory_space<hbm>> -> memref<16384x64xf32, #tpu.memory_space<hbm>>
      tpu.wait_indirect_dma semaphore(%arg15 : memref<!tpu.dma_semaphore, #tpu.memory_space<semaphore_mem>>) src(%dma_wait3A_1437 : memref<16384x64xf32, #tpu.memory_space<hbm>>) dst(%arg14 : memref<64x64xf32, #tpu.memory_space<vmem>>)
      %dma_start3A_1438 = arith.constant 9 : i32
      %dma_start3A_1439 = arith.constant 0 : i32
      %dma_start3A_1440 = tpu.memref_slice %arg11[%dma_start3A_1438, %dma_start3A_1439] : memref<13x64xi32, #tpu.memory_space<vmem>> -> memref<1x64xi32, #tpu.memory_space<vmem>>
      %dma_start3A_1441 = tpu.memref_squeeze %dma_start3A_1440 : memref<1x64xi32, #tpu.memory_space<vmem>> -> memref<64xi32, #tpu.memory_space<vmem>>
      %dma_start3A_1442 = arith.constant 0 : i32
      %dma_start3A_1443 = arith.constant 0 : i32
      %dma_start3A_1444 = tpu.memref_slice %arg4[%dma_start3A_1442, %dma_start3A_1443] : memref<1000000x64xf32, #tpu.memory_space<hbm>> -> memref<1000000x64xf32, #tpu.memory_space<hbm>>
      tpu.enqueue_indirect_dma source(%arg14 : memref<64x64xf32, #tpu.memory_space<vmem>>) target(%dma_start3A_1444 : memref<1000000x64xf32, #tpu.memory_space<hbm>>) offsets(%dma_start3A_1441 : memref<64xi32, #tpu.memory_space<vmem>>) semaphore(%arg16 : memref<!tpu.dma_semaphore, #tpu.memory_space<semaphore_mem>>)
      %dma_wait3A_1445 = arith.constant 9 : i32
      %dma_wait3A_1446 = arith.constant 0 : i32
      %dma_wait3A_1447 = tpu.memref_slice %arg11[%dma_wait3A_1445, %dma_wait3A_1446] : memref<13x64xi32, #tpu.memory_space<vmem>> -> memref<1x64xi32, #tpu.memory_space<vmem>>
      %dma_wait3A_1448 = tpu.memref_squeeze %dma_wait3A_1447 : memref<1x64xi32, #tpu.memory_space<vmem>> -> memref<64xi32, #tpu.memory_space<vmem>>
      %dma_wait3A_1449 = arith.constant 0 : i32
      %dma_wait3A_1450 = arith.constant 0 : i32
      %dma_wait3A_1451 = tpu.memref_slice %arg4[%dma_wait3A_1449, %dma_wait3A_1450] : memref<1000000x64xf32, #tpu.memory_space<hbm>> -> memref<1000000x64xf32, #tpu.memory_space<hbm>>
      tpu.wait_indirect_dma semaphore(%arg16 : memref<!tpu.dma_semaphore, #tpu.memory_space<semaphore_mem>>) src(%arg14 : memref<64x64xf32, #tpu.memory_space<vmem>>) dst(%dma_wait3A_1451 : memref<1000000x64xf32, #tpu.memory_space<hbm>>)
      %dma_start3A_1452 = arith.constant 9 : i32
      %dma_start3A_1453 = arith.constant 0 : i32
      %dma_start3A_1454 = tpu.memref_slice %arg12[%dma_start3A_1452, %dma_start3A_1453] : memref<13x64xi32, #tpu.memory_space<vmem>> -> memref<1x64xi32, #tpu.memory_space<vmem>>
      %dma_start3A_1455 = tpu.memref_squeeze %dma_start3A_1454 : memref<1x64xi32, #tpu.memory_space<vmem>> -> memref<64xi32, #tpu.memory_space<vmem>>
      %dma_start3A_1456 = arith.constant 0 : i32
      %dma_start3A_1457 = arith.constant 0 : i32
      %dma_start3A_1458 = tpu.memref_slice %arg5[%dma_start3A_1456, %dma_start3A_1457] : memref<16384x64xf32, #tpu.memory_space<hbm>> -> memref<16384x64xf32, #tpu.memory_space<hbm>>
      tpu.enqueue_indirect_dma source(%arg14 : memref<64x64xf32, #tpu.memory_space<vmem>>) target(%dma_start3A_1458 : memref<16384x64xf32, #tpu.memory_space<hbm>>) offsets(%dma_start3A_1455 : memref<64xi32, #tpu.memory_space<vmem>>) semaphore(%arg16 : memref<!tpu.dma_semaphore, #tpu.memory_space<semaphore_mem>>)
      %dma_wait3A_1459 = arith.constant 9 : i32
      %dma_wait3A_1460 = arith.constant 0 : i32
      %dma_wait3A_1461 = tpu.memref_slice %arg12[%dma_wait3A_1459, %dma_wait3A_1460] : memref<13x64xi32, #tpu.memory_space<vmem>> -> memref<1x64xi32, #tpu.memory_space<vmem>>
      %dma_wait3A_1462 = tpu.memref_squeeze %dma_wait3A_1461 : memref<1x64xi32, #tpu.memory_space<vmem>> -> memref<64xi32, #tpu.memory_space<vmem>>
      %dma_wait3A_1463 = arith.constant 0 : i32
      %dma_wait3A_1464 = arith.constant 0 : i32
      %dma_wait3A_1465 = tpu.memref_slice %arg5[%dma_wait3A_1463, %dma_wait3A_1464] : memref<16384x64xf32, #tpu.memory_space<hbm>> -> memref<16384x64xf32, #tpu.memory_space<hbm>>
      tpu.wait_indirect_dma semaphore(%arg16 : memref<!tpu.dma_semaphore, #tpu.memory_space<semaphore_mem>>) src(%arg14 : memref<64x64xf32, #tpu.memory_space<vmem>>) dst(%dma_wait3A_1465 : memref<16384x64xf32, #tpu.memory_space<hbm>>)
      %dma_start3A_1466 = arith.constant 10 : i32
      %dma_start3A_1467 = arith.constant 0 : i32
      %dma_start3A_1468 = tpu.memref_slice %arg13[%dma_start3A_1466, %dma_start3A_1467] : memref<13x64xi32, #tpu.memory_space<vmem>> -> memref<1x64xi32, #tpu.memory_space<vmem>>
      %dma_start3A_1469 = tpu.memref_squeeze %dma_start3A_1468 : memref<1x64xi32, #tpu.memory_space<vmem>> -> memref<64xi32, #tpu.memory_space<vmem>>
      %dma_start3A_1470 = arith.constant 0 : i32
      %dma_start3A_1471 = arith.constant 0 : i32
      %dma_start3A_1472 = tpu.memref_slice %arg3[%dma_start3A_1470, %dma_start3A_1471] : memref<16384x64xf32, #tpu.memory_space<hbm>> -> memref<16384x64xf32, #tpu.memory_space<hbm>>
      tpu.enqueue_indirect_dma source(%dma_start3A_1472 : memref<16384x64xf32, #tpu.memory_space<hbm>>) target(%arg14 : memref<64x64xf32, #tpu.memory_space<vmem>>) offsets(%dma_start3A_1469 : memref<64xi32, #tpu.memory_space<vmem>>) semaphore(%arg15 : memref<!tpu.dma_semaphore, #tpu.memory_space<semaphore_mem>>)
      %dma_wait3A_1473 = arith.constant 10 : i32
      %dma_wait3A_1474 = arith.constant 0 : i32
      %dma_wait3A_1475 = tpu.memref_slice %arg13[%dma_wait3A_1473, %dma_wait3A_1474] : memref<13x64xi32, #tpu.memory_space<vmem>> -> memref<1x64xi32, #tpu.memory_space<vmem>>
      %dma_wait3A_1476 = tpu.memref_squeeze %dma_wait3A_1475 : memref<1x64xi32, #tpu.memory_space<vmem>> -> memref<64xi32, #tpu.memory_space<vmem>>
      %dma_wait3A_1477 = arith.constant 0 : i32
      %dma_wait3A_1478 = arith.constant 0 : i32
      %dma_wait3A_1479 = tpu.memref_slice %arg3[%dma_wait3A_1477, %dma_wait3A_1478] : memref<16384x64xf32, #tpu.memory_space<hbm>> -> memref<16384x64xf32, #tpu.memory_space<hbm>>
      tpu.wait_indirect_dma semaphore(%arg15 : memref<!tpu.dma_semaphore, #tpu.memory_space<semaphore_mem>>) src(%dma_wait3A_1479 : memref<16384x64xf32, #tpu.memory_space<hbm>>) dst(%arg14 : memref<64x64xf32, #tpu.memory_space<vmem>>)
      %dma_start3A_1480 = arith.constant 10 : i32
      %dma_start3A_1481 = arith.constant 0 : i32
      %dma_start3A_1482 = tpu.memref_slice %arg11[%dma_start3A_1480, %dma_start3A_1481] : memref<13x64xi32, #tpu.memory_space<vmem>> -> memref<1x64xi32, #tpu.memory_space<vmem>>
      %dma_start3A_1483 = tpu.memref_squeeze %dma_start3A_1482 : memref<1x64xi32, #tpu.memory_space<vmem>> -> memref<64xi32, #tpu.memory_space<vmem>>
      %dma_start3A_1484 = arith.constant 0 : i32
      %dma_start3A_1485 = arith.constant 0 : i32
      %dma_start3A_1486 = tpu.memref_slice %arg4[%dma_start3A_1484, %dma_start3A_1485] : memref<1000000x64xf32, #tpu.memory_space<hbm>> -> memref<1000000x64xf32, #tpu.memory_space<hbm>>
      tpu.enqueue_indirect_dma source(%arg14 : memref<64x64xf32, #tpu.memory_space<vmem>>) target(%dma_start3A_1486 : memref<1000000x64xf32, #tpu.memory_space<hbm>>) offsets(%dma_start3A_1483 : memref<64xi32, #tpu.memory_space<vmem>>) semaphore(%arg16 : memref<!tpu.dma_semaphore, #tpu.memory_space<semaphore_mem>>)
      %dma_wait3A_1487 = arith.constant 10 : i32
      %dma_wait3A_1488 = arith.constant 0 : i32
      %dma_wait3A_1489 = tpu.memref_slice %arg11[%dma_wait3A_1487, %dma_wait3A_1488] : memref<13x64xi32, #tpu.memory_space<vmem>> -> memref<1x64xi32, #tpu.memory_space<vmem>>
      %dma_wait3A_1490 = tpu.memref_squeeze %dma_wait3A_1489 : memref<1x64xi32, #tpu.memory_space<vmem>> -> memref<64xi32, #tpu.memory_space<vmem>>
      %dma_wait3A_1491 = arith.constant 0 : i32
      %dma_wait3A_1492 = arith.constant 0 : i32
      %dma_wait3A_1493 = tpu.memref_slice %arg4[%dma_wait3A_1491, %dma_wait3A_1492] : memref<1000000x64xf32, #tpu.memory_space<hbm>> -> memref<1000000x64xf32, #tpu.memory_space<hbm>>
      tpu.wait_indirect_dma semaphore(%arg16 : memref<!tpu.dma_semaphore, #tpu.memory_space<semaphore_mem>>) src(%arg14 : memref<64x64xf32, #tpu.memory_space<vmem>>) dst(%dma_wait3A_1493 : memref<1000000x64xf32, #tpu.memory_space<hbm>>)
      %dma_start3A_1494 = arith.constant 10 : i32
      %dma_start3A_1495 = arith.constant 0 : i32
      %dma_start3A_1496 = tpu.memref_slice %arg12[%dma_start3A_1494, %dma_start3A_1495] : memref<13x64xi32, #tpu.memory_space<vmem>> -> memref<1x64xi32, #tpu.memory_space<vmem>>
      %dma_start3A_1497 = tpu.memref_squeeze %dma_start3A_1496 : memref<1x64xi32, #tpu.memory_space<vmem>> -> memref<64xi32, #tpu.memory_space<vmem>>
      %dma_start3A_1498 = arith.constant 0 : i32
      %dma_start3A_1499 = arith.constant 0 : i32
      %dma_start3A_1500 = tpu.memref_slice %arg5[%dma_start3A_1498, %dma_start3A_1499] : memref<16384x64xf32, #tpu.memory_space<hbm>> -> memref<16384x64xf32, #tpu.memory_space<hbm>>
      tpu.enqueue_indirect_dma source(%arg14 : memref<64x64xf32, #tpu.memory_space<vmem>>) target(%dma_start3A_1500 : memref<16384x64xf32, #tpu.memory_space<hbm>>) offsets(%dma_start3A_1497 : memref<64xi32, #tpu.memory_space<vmem>>) semaphore(%arg16 : memref<!tpu.dma_semaphore, #tpu.memory_space<semaphore_mem>>)
      %dma_wait3A_1501 = arith.constant 10 : i32
      %dma_wait3A_1502 = arith.constant 0 : i32
      %dma_wait3A_1503 = tpu.memref_slice %arg12[%dma_wait3A_1501, %dma_wait3A_1502] : memref<13x64xi32, #tpu.memory_space<vmem>> -> memref<1x64xi32, #tpu.memory_space<vmem>>
      %dma_wait3A_1504 = tpu.memref_squeeze %dma_wait3A_1503 : memref<1x64xi32, #tpu.memory_space<vmem>> -> memref<64xi32, #tpu.memory_space<vmem>>
      %dma_wait3A_1505 = arith.constant 0 : i32
      %dma_wait3A_1506 = arith.constant 0 : i32
      %dma_wait3A_1507 = tpu.memref_slice %arg5[%dma_wait3A_1505, %dma_wait3A_1506] : memref<16384x64xf32, #tpu.memory_space<hbm>> -> memref<16384x64xf32, #tpu.memory_space<hbm>>
      tpu.wait_indirect_dma semaphore(%arg16 : memref<!tpu.dma_semaphore, #tpu.memory_space<semaphore_mem>>) src(%arg14 : memref<64x64xf32, #tpu.memory_space<vmem>>) dst(%dma_wait3A_1507 : memref<16384x64xf32, #tpu.memory_space<hbm>>)
      %dma_start3A_1508 = arith.constant 11 : i32
      %dma_start3A_1509 = arith.constant 0 : i32
      %dma_start3A_1510 = tpu.memref_slice %arg13[%dma_start3A_1508, %dma_start3A_1509] : memref<13x64xi32, #tpu.memory_space<vmem>> -> memref<1x64xi32, #tpu.memory_space<vmem>>
      %dma_start3A_1511 = tpu.memref_squeeze %dma_start3A_1510 : memref<1x64xi32, #tpu.memory_space<vmem>> -> memref<64xi32, #tpu.memory_space<vmem>>
      %dma_start3A_1512 = arith.constant 0 : i32
      %dma_start3A_1513 = arith.constant 0 : i32
      %dma_start3A_1514 = tpu.memref_slice %arg3[%dma_start3A_1512, %dma_start3A_1513] : memref<16384x64xf32, #tpu.memory_space<hbm>> -> memref<16384x64xf32, #tpu.memory_space<hbm>>
      tpu.enqueue_indirect_dma source(%dma_start3A_1514 : memref<16384x64xf32, #tpu.memory_space<hbm>>) target(%arg14 : memref<64x64xf32, #tpu.memory_space<vmem>>) offsets(%dma_start3A_1511 : memref<64xi32, #tpu.memory_space<vmem>>) semaphore(%arg15 : memref<!tpu.dma_semaphore, #tpu.memory_space<semaphore_mem>>)
      %dma_wait3A_1515 = arith.constant 11 : i32
      %dma_wait3A_1516 = arith.constant 0 : i32
      %dma_wait3A_1517 = tpu.memref_slice %arg13[%dma_wait3A_1515, %dma_wait3A_1516] : memref<13x64xi32, #tpu.memory_space<vmem>> -> memref<1x64xi32, #tpu.memory_space<vmem>>
      %dma_wait3A_1518 = tpu.memref_squeeze %dma_wait3A_1517 : memref<1x64xi32, #tpu.memory_space<vmem>> -> memref<64xi32, #tpu.memory_space<vmem>>
      %dma_wait3A_1519 = arith.constant 0 : i32
      %dma_wait3A_1520 = arith.constant 0 : i32
      %dma_wait3A_1521 = tpu.memref_slice %arg3[%dma_wait3A_1519, %dma_wait3A_1520] : memref<16384x64xf32, #tpu.memory_space<hbm>> -> memref<16384x64xf32, #tpu.memory_space<hbm>>
      tpu.wait_indirect_dma semaphore(%arg15 : memref<!tpu.dma_semaphore, #tpu.memory_space<semaphore_mem>>) src(%dma_wait3A_1521 : memref<16384x64xf32, #tpu.memory_space<hbm>>) dst(%arg14 : memref<64x64xf32, #tpu.memory_space<vmem>>)
      %dma_start3A_1522 = arith.constant 11 : i32
      %dma_start3A_1523 = arith.constant 0 : i32
      %dma_start3A_1524 = tpu.memref_slice %arg11[%dma_start3A_1522, %dma_start3A_1523] : memref<13x64xi32, #tpu.memory_space<vmem>> -> memref<1x64xi32, #tpu.memory_space<vmem>>
      %dma_start3A_1525 = tpu.memref_squeeze %dma_start3A_1524 : memref<1x64xi32, #tpu.memory_space<vmem>> -> memref<64xi32, #tpu.memory_space<vmem>>
      %dma_start3A_1526 = arith.constant 0 : i32
      %dma_start3A_1527 = arith.constant 0 : i32
      %dma_start3A_1528 = tpu.memref_slice %arg4[%dma_start3A_1526, %dma_start3A_1527] : memref<1000000x64xf32, #tpu.memory_space<hbm>> -> memref<1000000x64xf32, #tpu.memory_space<hbm>>
      tpu.enqueue_indirect_dma source(%arg14 : memref<64x64xf32, #tpu.memory_space<vmem>>) target(%dma_start3A_1528 : memref<1000000x64xf32, #tpu.memory_space<hbm>>) offsets(%dma_start3A_1525 : memref<64xi32, #tpu.memory_space<vmem>>) semaphore(%arg16 : memref<!tpu.dma_semaphore, #tpu.memory_space<semaphore_mem>>)
      %dma_wait3A_1529 = arith.constant 11 : i32
      %dma_wait3A_1530 = arith.constant 0 : i32
      %dma_wait3A_1531 = tpu.memref_slice %arg11[%dma_wait3A_1529, %dma_wait3A_1530] : memref<13x64xi32, #tpu.memory_space<vmem>> -> memref<1x64xi32, #tpu.memory_space<vmem>>
      %dma_wait3A_1532 = tpu.memref_squeeze %dma_wait3A_1531 : memref<1x64xi32, #tpu.memory_space<vmem>> -> memref<64xi32, #tpu.memory_space<vmem>>
      %dma_wait3A_1533 = arith.constant 0 : i32
      %dma_wait3A_1534 = arith.constant 0 : i32
      %dma_wait3A_1535 = tpu.memref_slice %arg4[%dma_wait3A_1533, %dma_wait3A_1534] : memref<1000000x64xf32, #tpu.memory_space<hbm>> -> memref<1000000x64xf32, #tpu.memory_space<hbm>>
      tpu.wait_indirect_dma semaphore(%arg16 : memref<!tpu.dma_semaphore, #tpu.memory_space<semaphore_mem>>) src(%arg14 : memref<64x64xf32, #tpu.memory_space<vmem>>) dst(%dma_wait3A_1535 : memref<1000000x64xf32, #tpu.memory_space<hbm>>)
      %dma_start3A_1536 = arith.constant 11 : i32
      %dma_start3A_1537 = arith.constant 0 : i32
      %dma_start3A_1538 = tpu.memref_slice %arg12[%dma_start3A_1536, %dma_start3A_1537] : memref<13x64xi32, #tpu.memory_space<vmem>> -> memref<1x64xi32, #tpu.memory_space<vmem>>
      %dma_start3A_1539 = tpu.memref_squeeze %dma_start3A_1538 : memref<1x64xi32, #tpu.memory_space<vmem>> -> memref<64xi32, #tpu.memory_space<vmem>>
      %dma_start3A_1540 = arith.constant 0 : i32
      %dma_start3A_1541 = arith.constant 0 : i32
      %dma_start3A_1542 = tpu.memref_slice %arg5[%dma_start3A_1540, %dma_start3A_1541] : memref<16384x64xf32, #tpu.memory_space<hbm>> -> memref<16384x64xf32, #tpu.memory_space<hbm>>
      tpu.enqueue_indirect_dma source(%arg14 : memref<64x64xf32, #tpu.memory_space<vmem>>) target(%dma_start3A_1542 : memref<16384x64xf32, #tpu.memory_space<hbm>>) offsets(%dma_start3A_1539 : memref<64xi32, #tpu.memory_space<vmem>>) semaphore(%arg16 : memref<!tpu.dma_semaphore, #tpu.memory_space<semaphore_mem>>)
      %dma_wait3A_1543 = arith.constant 11 : i32
      %dma_wait3A_1544 = arith.constant 0 : i32
      %dma_wait3A_1545 = tpu.memref_slice %arg12[%dma_wait3A_1543, %dma_wait3A_1544] : memref<13x64xi32, #tpu.memory_space<vmem>> -> memref<1x64xi32, #tpu.memory_space<vmem>>
      %dma_wait3A_1546 = tpu.memref_squeeze %dma_wait3A_1545 : memref<1x64xi32, #tpu.memory_space<vmem>> -> memref<64xi32, #tpu.memory_space<vmem>>
      %dma_wait3A_1547 = arith.constant 0 : i32
      %dma_wait3A_1548 = arith.constant 0 : i32
      %dma_wait3A_1549 = tpu.memref_slice %arg5[%dma_wait3A_1547, %dma_wait3A_1548] : memref<16384x64xf32, #tpu.memory_space<hbm>> -> memref<16384x64xf32, #tpu.memory_space<hbm>>
      tpu.wait_indirect_dma semaphore(%arg16 : memref<!tpu.dma_semaphore, #tpu.memory_space<semaphore_mem>>) src(%arg14 : memref<64x64xf32, #tpu.memory_space<vmem>>) dst(%dma_wait3A_1549 : memref<16384x64xf32, #tpu.memory_space<hbm>>)
      %dma_start3A_1550 = arith.constant 12 : i32
      %dma_start3A_1551 = arith.constant 0 : i32
      %dma_start3A_1552 = tpu.memref_slice %arg13[%dma_start3A_1550, %dma_start3A_1551] : memref<13x64xi32, #tpu.memory_space<vmem>> -> memref<1x64xi32, #tpu.memory_space<vmem>>
      %dma_start3A_1553 = tpu.memref_squeeze %dma_start3A_1552 : memref<1x64xi32, #tpu.memory_space<vmem>> -> memref<64xi32, #tpu.memory_space<vmem>>
      %dma_start3A_1554 = arith.constant 0 : i32
      %dma_start3A_1555 = arith.constant 0 : i32
      %dma_start3A_1556 = tpu.memref_slice %arg3[%dma_start3A_1554, %dma_start3A_1555] : memref<16384x64xf32, #tpu.memory_space<hbm>> -> memref<16384x64xf32, #tpu.memory_space<hbm>>
      tpu.enqueue_indirect_dma source(%dma_start3A_1556 : memref<16384x64xf32, #tpu.memory_space<hbm>>) target(%arg14 : memref<64x64xf32, #tpu.memory_space<vmem>>) offsets(%dma_start3A_1553 : memref<64xi32, #tpu.memory_space<vmem>>) semaphore(%arg15 : memref<!tpu.dma_semaphore, #tpu.memory_space<semaphore_mem>>)
      %dma_wait3A_1557 = arith.constant 12 : i32
      %dma_wait3A_1558 = arith.constant 0 : i32
      %dma_wait3A_1559 = tpu.memref_slice %arg13[%dma_wait3A_1557, %dma_wait3A_1558] : memref<13x64xi32, #tpu.memory_space<vmem>> -> memref<1x64xi32, #tpu.memory_space<vmem>>
      %dma_wait3A_1560 = tpu.memref_squeeze %dma_wait3A_1559 : memref<1x64xi32, #tpu.memory_space<vmem>> -> memref<64xi32, #tpu.memory_space<vmem>>
      %dma_wait3A_1561 = arith.constant 0 : i32
      %dma_wait3A_1562 = arith.constant 0 : i32
      %dma_wait3A_1563 = tpu.memref_slice %arg3[%dma_wait3A_1561, %dma_wait3A_1562] : memref<16384x64xf32, #tpu.memory_space<hbm>> -> memref<16384x64xf32, #tpu.memory_space<hbm>>
      tpu.wait_indirect_dma semaphore(%arg15 : memref<!tpu.dma_semaphore, #tpu.memory_space<semaphore_mem>>) src(%dma_wait3A_1563 : memref<16384x64xf32, #tpu.memory_space<hbm>>) dst(%arg14 : memref<64x64xf32, #tpu.memory_space<vmem>>)
      %dma_start3A_1564 = arith.constant 12 : i32
      %dma_start3A_1565 = arith.constant 0 : i32
      %dma_start3A_1566 = tpu.memref_slice %arg11[%dma_start3A_1564, %dma_start3A_1565] : memref<13x64xi32, #tpu.memory_space<vmem>> -> memref<1x64xi32, #tpu.memory_space<vmem>>
      %dma_start3A_1567 = tpu.memref_squeeze %dma_start3A_1566 : memref<1x64xi32, #tpu.memory_space<vmem>> -> memref<64xi32, #tpu.memory_space<vmem>>
      %dma_start3A_1568 = arith.constant 0 : i32
      %dma_start3A_1569 = arith.constant 0 : i32
      %dma_start3A_1570 = tpu.memref_slice %arg4[%dma_start3A_1568, %dma_start3A_1569] : memref<1000000x64xf32, #tpu.memory_space<hbm>> -> memref<1000000x64xf32, #tpu.memory_space<hbm>>
      tpu.enqueue_indirect_dma source(%arg14 : memref<64x64xf32, #tpu.memory_space<vmem>>) target(%dma_start3A_1570 : memref<1000000x64xf32, #tpu.memory_space<hbm>>) offsets(%dma_start3A_1567 : memref<64xi32, #tpu.memory_space<vmem>>) semaphore(%arg16 : memref<!tpu.dma_semaphore, #tpu.memory_space<semaphore_mem>>)
      %dma_wait3A_1571 = arith.constant 12 : i32
      %dma_wait3A_1572 = arith.constant 0 : i32
      %dma_wait3A_1573 = tpu.memref_slice %arg11[%dma_wait3A_1571, %dma_wait3A_1572] : memref<13x64xi32, #tpu.memory_space<vmem>> -> memref<1x64xi32, #tpu.memory_space<vmem>>
      %dma_wait3A_1574 = tpu.memref_squeeze %dma_wait3A_1573 : memref<1x64xi32, #tpu.memory_space<vmem>> -> memref<64xi32, #tpu.memory_space<vmem>>
      %dma_wait3A_1575 = arith.constant 0 : i32
      %dma_wait3A_1576 = arith.constant 0 : i32
      %dma_wait3A_1577 = tpu.memref_slice %arg4[%dma_wait3A_1575, %dma_wait3A_1576] : memref<1000000x64xf32, #tpu.memory_space<hbm>> -> memref<1000000x64xf32, #tpu.memory_space<hbm>>
      tpu.wait_indirect_dma semaphore(%arg16 : memref<!tpu.dma_semaphore, #tpu.memory_space<semaphore_mem>>) src(%arg14 : memref<64x64xf32, #tpu.memory_space<vmem>>) dst(%dma_wait3A_1577 : memref<1000000x64xf32, #tpu.memory_space<hbm>>)
      %dma_start3A_1578 = arith.constant 12 : i32
      %dma_start3A_1579 = arith.constant 0 : i32
      %dma_start3A_1580 = tpu.memref_slice %arg12[%dma_start3A_1578, %dma_start3A_1579] : memref<13x64xi32, #tpu.memory_space<vmem>> -> memref<1x64xi32, #tpu.memory_space<vmem>>
      %dma_start3A_1581 = tpu.memref_squeeze %dma_start3A_1580 : memref<1x64xi32, #tpu.memory_space<vmem>> -> memref<64xi32, #tpu.memory_space<vmem>>
      %dma_start3A_1582 = arith.constant 0 : i32
      %dma_start3A_1583 = arith.constant 0 : i32
      %dma_start3A_1584 = tpu.memref_slice %arg5[%dma_start3A_1582, %dma_start3A_1583] : memref<16384x64xf32, #tpu.memory_space<hbm>> -> memref<16384x64xf32, #tpu.memory_space<hbm>>
      tpu.enqueue_indirect_dma source(%arg14 : memref<64x64xf32, #tpu.memory_space<vmem>>) target(%dma_start3A_1584 : memref<16384x64xf32, #tpu.memory_space<hbm>>) offsets(%dma_start3A_1581 : memref<64xi32, #tpu.memory_space<vmem>>) semaphore(%arg16 : memref<!tpu.dma_semaphore, #tpu.memory_space<semaphore_mem>>)
      %dma_wait3A_1585 = arith.constant 12 : i32
      %dma_wait3A_1586 = arith.constant 0 : i32
      %dma_wait3A_1587 = tpu.memref_slice %arg12[%dma_wait3A_1585, %dma_wait3A_1586] : memref<13x64xi32, #tpu.memory_space<vmem>> -> memref<1x64xi32, #tpu.memory_space<vmem>>
      %dma_wait3A_1588 = tpu.memref_squeeze %dma_wait3A_1587 : memref<1x64xi32, #tpu.memory_space<vmem>> -> memref<64xi32, #tpu.memory_space<vmem>>
      %dma_wait3A_1589 = arith.constant 0 : i32
      %dma_wait3A_1590 = arith.constant 0 : i32
      %dma_wait3A_1591 = tpu.memref_slice %arg5[%dma_wait3A_1589, %dma_wait3A_1590] : memref<16384x64xf32, #tpu.memory_space<hbm>> -> memref<16384x64xf32, #tpu.memory_space<hbm>>
      tpu.wait_indirect_dma semaphore(%arg16 : memref<!tpu.dma_semaphore, #tpu.memory_space<semaphore_mem>>) src(%arg14 : memref<64x64xf32, #tpu.memory_space<vmem>>) dst(%dma_wait3A_1591 : memref<16384x64xf32, #tpu.memory_space<hbm>>)
    } else {
    }
    return
  }
}

</mosaic_0001>

<sc_bundles>
// kernel: _impl.3.cloned.1.call-start
scs
__scs_entry_jumppad:
0x0: {  	(pc) =	sbr.rel $0x88, $3  }
0x1: {  	(tag) =	ssettag $0x0;
	lr =	simm.s32 $0x1  }
0x2: {  	[smem:$0x3F9E] =	sst lr;
	_ =	strace $0xD0000000  }
0x3: {  	_ = 	snop  }
0x4: {  	_ = 	snop  }
0x5: {  	_ = 	snop  }
0x6: {  	_ = 	snop  }
0x7: {  	_ = 	snop  }
__scs_overlays_trampoline_lowered:
0x8: {  	[smem:$0x3FAD] =	sst s0  }
0x9: {  	[smem:$0x3FAE] =	sst s1  }
0xa: {  	[smem:$0x3FAF] =	sst s2  }
0xb: {  	[smem:$0x3FB0] =	sst s3  }
0xc: {  	[smem:$0x3FB1] =	sst s4  }
0xd: {  	[smem:$0x3FB2] =	sst s5  }
0xe: {  	[smem:$0x3FB3] =	sst s6  }
0xf: {  	[smem:$0x3FB4] =	sst s7  }
0x10: {  	[smem:$0x3FB5] =	sst s8  }
0x11: {  	[smem:$0x3FB6] =	sst s9;
	s0 =	simm.s32 @!p0 $0x0  }
0x12: {  	s1 =	sld [smem:$0x3F9C];
	s0 =	simm.s32 @p0 $0x1  }
0x13: {  	[smem:$0x3FB7] =	sst s0;
	s0 =	simm.s32 @!p1 $0x0  }
0x14: {  	s2 =	sld [smem:$0x3F9B];
	s0 =	simm.s32 @p1 $0x1  }
0x15: {  	[smem:$0x3FB8] =	sst s0;
	s0 =	simm.s32 @!p2 $0x0  }
0x16: {  	s3 =	sld [smem:$0x3FDB];
	s0 =	simm.s32 @p2 $0x1  }
0x17: {  	s4 =	simm.s32 $0x1BF5;
	[smem:$0x3FBA] =	sst s0  }
0x18: {  	s0 =	sld [smem:$0x3F9D];
	_ =	swait.ge [sflag:s4], $0x0  }
0x19: {  	s7 =	sld [smem:$0x3F9E]  }
0x1a: {  	s8 =	sadd.s32 $0xFFFFE003, lr  }
0x1b: {  	s9 =	sadd.s32 $0xFFFFFEF7, lr;
	s5 =	simm.s32 $0xFFFFFFFF;
	p2 =	slt.u32 s8, $0xFFFFF086  }
0x1c: {  	p1 =	slt.u32 s9, $0xF7A;
	s5 =	simm.s32 @!p2 $0x0  }
0x1d: {  	s5 =	simm.s32 @p1 $0x1;
	p0 =	seq.s32 s7, s2  }
0x1e: {  	s7 =	smul.u32 @!p0 $0xF7A, s2;
	p2 =	seq.s32 @!p0 s5, $0x0  }
0x1f: {  	s9 =	smul.u32 $0xF7A, s1;
	s8 =	simm.s32 @!p0 $0x1BF5;
	p2 =	por !p2, p0  }
0x20: {  	[sflag:s8] =	ssyncset.s32 @!p0 $0xFFFFF086;
	s6 =	sadd.s32 @!p0 s3, s7;
	s7 =	simm.s32 @!p0 $0x108  }
0x21: {  	s3 =	sadd.s32 s3, s9;
	s6 =	sadd.s32 @!p0 $0x88, s6;
	s7 =	simm.s32 @p2 $0x1082  }
0x22: {  	[simem:s7], [sflag:s8] =	dma.local @!p0 [hbm:s6], $0xF7A  }
0x23: {  	s9 =	sor.u32 $0xD0000000, s2;
	s6 =	simm.s32 $0x108;
	_ =	swait.ge @!p0 [sflag:s8], $0x0  }
0x24: {  	s3 =	sadd.s32 $0x88, s3;
	s6 =	simm.s32 @!p1 $0x1082;
	[sflag:s4] =	ssyncset.s32 $0xFFFFF086  }
0x25: {  	[simem:s6], [sflag:s4] =	dma.local [hbm:s3], $0xF7A  }
0x26: {  	[smem:$0x3F9E] =	sst s1;
	(tag) =	ssettag s2;
	_ =	strace s9  }
0x27: {  	s1 =	sld [smem:$0x3FAE]  }
0x28: {  	s2 =	sld [smem:$0x3FAF]  }
0x29: {  	s4 =	sld [smem:$0x3FB1]  }
0x2a: {  	p0 =	seq.s32 s5, $0x0;
	s5 =	sld [smem:$0x3FB2]  }
0x2b: {  	s6 =	sld [smem:$0x3FB3]  }
0x2c: {  	s7 =	sld [smem:$0x3FB4]  }
0x2d: {  	s3 =	simm.s32 $0x108;
	s8 =	sld [smem:$0x3FB5]  }
0x2e: {  	s3 =	simm.s32 @!p0 $0x1082;
	s9 =	sld [smem:$0x3FB6]  }
0x2f: {  	lr =	sadd.s32 s0, s3;
	s0 =	sld [smem:$0x3FAD]  }
0x30: {  	s3 =	sld [smem:$0x3FB0]  }
0x31: {  	[smem:$0x3FB9] =	sst s10  }
0x32: {  	s10 =	sld [smem:$0x3FB7];
	_ =	sdelay $0x3  }
0x33: {  	p0 =	seq.s32 s10, $0x1;
	s10 =	sld [smem:$0x3FB9];
	_ =	sdelay $0x3  }
0x34: {  	[smem:$0x3FB9] =	sst s10  }
0x35: {  	s10 =	sld [smem:$0x3FB8];
	_ =	sdelay $0x3  }
0x36: {  	p1 =	seq.s32 s10, $0x1;
	s10 =	sld [smem:$0x3FB9];
	_ =	sdelay $0x3  }
0x37: {  	[smem:$0x3FB9] =	sst s10  }
0x38: {  	s10 =	sld [smem:$0x3FBA]  }
0x39: {  	_ = 	snop;
	(pc) =	sbr.ind lr, $3  }
0x3a: {  	_ = 	snop  }
0x3b: {  	_ = 	snop  }
0x3c: {  	p2 =	seq.s32 s10, $0x1;
	s10 =	sld [smem:$0x3FB9]  }
0x3d: {  	_ =	shalt  }
0x3e: {  	_ =	shalt  }
0x3f: {  	_ =	shalt  }
0x40: {  	_ =	shalt  }
0x41: {  	_ =	shalt  }
0x42: {  	_ =	shalt  }
0x43: {  	_ =	shalt  }
0x44: {  	_ =	shalt  }
0x45: {  	_ =	shalt  }
0x46: {  	_ =	shalt  }
0x47: {  	_ =	shalt  }
0x48: {  	_ =	shalt  }
0x49: {  	_ =	shalt  }
0x4a: {  	_ =	shalt  }
0x4b: {  	_ =	shalt  }
0x4c: {  	_ =	shalt  }
0x4d: {  	_ =	shalt  }
0x4e: {  	_ =	shalt  }
0x4f: {  	_ =	shalt  }
0x50: {  	_ =	shalt  }
0x51: {  	_ =	shalt  }
0x52: {  	_ =	shalt  }
0x53: {  	_ =	shalt  }
0x54: {  	_ =	shalt  }
0x55: {  	_ =	shalt  }
0x56: {  	_ =	shalt  }
0x57: {  	_ =	shalt  }
0x58: {  	_ =	shalt  }
0x59: {  	_ =	shalt  }
0x5a: {  	_ =	shalt  }
0x5b: {  	_ =	shalt  }
0x5c: {  	_ =	shalt  }
0x5d: {  	_ =	shalt  }
0x5e: {  	_ =	shalt  }
0x5f: {  	_ =	shalt  }
0x60: {  	_ =	shalt  }
0x61: {  	_ =	shalt  }
0x62: {  	_ =	shalt  }
0x63: {  	_ =	shalt  }
0x64: {  	_ =	shalt  }
0x65: {  	_ =	shalt  }
0x66: {  	_ =	shalt  }
0x67: {  	_ =	shalt  }
0x68: {  	_ =	shalt  }
0x69: {  	_ =	shalt  }
0x6a: {  	_ =	shalt  }
0x6b: {  	_ =	shalt  }
0x6c: {  	_ =	shalt  }
0x6d: {  	_ =	shalt  }
0x6e: {  	_ =	shalt  }
0x6f: {  	_ =	shalt  }
0x70: {  	_ =	shalt  }
0x71: {  	_ =	shalt  }
0x72: {  	_ =	shalt  }
0x73: {  	_ =	shalt  }
0x74: {  	_ =	shalt  }
0x75: {  	_ =	shalt  }
0x76: {  	_ =	shalt  }
0x77: {  	_ =	shalt  }
0x78: {  	_ =	shalt  }
0x79: {  	_ =	shalt  }
0x7a: {  	_ =	shalt  }
0x7b: {  	_ =	shalt  }
0x7c: {  	_ =	shalt  }
0x7d: {  	_ =	shalt  }
0x7e: {  	_ =	shalt  }
0x7f: {  	_ =	shalt  }
0x80: {  	_ =	shalt  }
0x81: {  	_ =	shalt  }
0x82: {  	_ =	shalt  }
0x83: {  	_ =	shalt  }
0x84: {  	_ =	shalt  }
0x85: {  	_ =	shalt  }
0x86: {  	_ =	shalt  }
0x87: {  	_ =	shalt  }
.Lfunc_end0:
.L_simem_size_0:
called_computation.1_lowered:
.L_overlay_start_0:
0x88: {  	s2 =	sld [smem:$0x3FD9]  }
0x89: {  	s3 =	sld [smem:$0x3FFE];
	_ =	sdelay $0x1  }
0x8a: {  	s1 =	srdreg.scid  }
0x8b: {  	s0 =	sand.u32 $0x1, s1  }
0x8c: {  	s14 =	sshll.u32 s0, $0xA;
	s2 =	sadd.s32 s3, s2  }
0x8d: {  	s2 =	sadd.s32 s2, s14  }
0x8e: {  	[smem:$0x3FC5] =	sst s2  }
0x8f: {  	_ = 	snop  }
0x90: {  	s2 =	sld [smem:$0x3FD0];
	_ =	sdelay $0x2  }
0x91: {  	s4 =	simm.s32 $0xA;
	s5 =	simm.s32 $0x10;
	s15 =	sld [smem:$0x3FC8]  }
0x92: {  	[smem:s5], [sflag:s4] =	dma.local [hbm:s2], $0x1  }
0x93: {  	_ =	swait.eq [sflag:s4], $0x1  }
0x94: {  	[sflag:s4] =	ssyncset.done $0x0  }
0x95: {  	s16 =	sld [smem:$0x10];
	[sflag:s4] =	ssyncadd.s32 $0xFFFFFFFF  }
0x96: {  	s17 =	sld [smem:$0x11];
	(tm) =	ssettm $0x1  }
0x97: {  	s18 =	sld [smem:$0x3FFB];
	_ =	sdelay $0x3  }
0x98: {  	_ =	strace s18  }
0x99: {  	s5 =	sld [smem:$0x3FFC];
	_ =	sdelay $0x3  }
0x9a: {  	_ =	strace s5  }
0x9b: {  	s5 =	sld [smem:$0x3FFD];
	_ =	sdelay $0x3  }
0x9c: {  	_ =	strace s5  }
0x9d: {  	_ =	strace $0x8FFFFFFF  }
0x9e: {  	s19 =	sld [smem:$0x3FDB];
	_ =	sdelay $0x1  }
0x9f: {  	s6 =	simm.s32 $_scs_section_size  }
0xa0: {  	s7 =	simm.s32 $_size__tile_overlayer_lowered;
	s8 =	simm.s32 $_tile_overlayer_lowered  }
0xa1: {  	s22 =	simm.s32 $0x1BFF;
	s21 =	sshll.u32 s8, $0x1;
	s5 =	sadd.s32 s6, s19  }
0xa2: {  	s9 =	simm.s32 $0x0;
	s20 =	sshll.u32 s7, $0x1;
	s7 =	sadd.s32 s21, s5  }
0xa3: {  	[timem:s9], [sflag:s22] =	dma.local [hbm:s7], s20  }
0xa4: {  	_ =	swait.ge [sflag:s22], s20  }
0xa5: {  	s6 =	ssub.s32 $0x0, s20;
	[sflag:s22] =	ssyncset.done $0x0  }
0xa6: {  	[sflag:s22] =	ssyncadd.s32 s6;
	_ =	sdelay $0x1  }
0xa7: {  	s23 =	simm.s32 $0x1B8B  }
0xa8: {  	_ =	swait.ge [sflag:s23], $0x1  }
0xa9: {  	[sflag:s23] =	ssyncset.done $0x0  }
0xaa: {  	s25 =	simm.s32 $0x1B8E;
	s24 =	sld [smem:$0x3FFE];
	[sflag:s23] =	ssyncadd.s32 $0xFFFFFFFF  }
0xab: {  	s26 =	simm.s32 $execute0_lowered;
	[smem:$0x3FD2] =	sst s25  }
0xac: {  	s7 =	sshll.u32 s26, $0x1;
	_ =	strace $0x80000046;
	[dreg:$0x1] =	wrdreg $0xFFFFFFFF  }
0xad: {  	s28 =	simm.s32 $_size_execute0_lowered;
	s5 =	sadd.s32 s5, s7;
	[dreg:$0x0] =	wrdreg $0x0  }
0xae: {  	s7 =	sshll.u32 s28, $0x1;
	[dreg:$0x2] =	wrdreg s5  }
0xaf: {  	[dreg:$0x3] =	wrdreg s7  }
0xb0: {  	[dreg:$0x4] =	wrdreg $0xC0  }
0xb1: {  	_ =	task [dreg:s9], $0x5FFFF  }
0xb2: {  	[dreg:$0x1] =	wrdreg $0xFFFFFFFF  }
0xb3: {  	[dreg:$0x0] =	wrdreg $0x60  }
0xb4: {  	[dreg:$0x2] =	wrdreg s15  }
0xb5: {  	[dreg:$0x3] =	wrdreg s17  }
0xb6: {  	[dreg:$0x4] =	wrdreg s16  }
0xb7: {  	[dreg:$0x5] =	wrdreg s24  }
0xb8: {  	[dreg:$0x6] =	wrdreg $0x9  }
0xb9: {  	_ =	task.clear_ibuf [dreg:s9], $0x7FFFF;
	_ =	strace $0x90000046  }
0xba: {  	s29 =	simm.s32 $0x9;
	_ =	strace $0x80000048  }
0xbb: {  	_ =	swait.ge [sflag:s29], $0x1  }
0xbc: {  	[sflag:s29] =	ssyncadd.s32 $0xFFFFFFFF  }
0xbd: {  	_ =	strace $0x90000048  }
0xbe: {  	_ =	sfence  }
0xbf: {  	s30 =	sld [smem:$0x0];
	_ =	sdelay $0x2  }
0xc0: {  	s31 =	sshll.u32 s1, $0xD;
	s1 =	sshrl.u32 s1, $0x2  }
0xc1: {  	s3 =	sand.u32 $0x4000, s31;
	s1 =	sadd.s32 s1, s30  }
0xc2: {  	s0 =	sor.u32 s3, s0;
	s1 =	sshll.u32 s1, $0x11  }
0xc3: {  	s0 =	sor.u32 s1, s0  }
0xc4: {  	s0 =	sadd.s32 $0x8F2B, s0  }
0xc5: {  	[sflag:s0] =	ssyncadd.remote.s32 $0x1  }
0xc6: {  	_ =	sfence.sel $0xFFFF  }
0xc7: {  	[dreg:$0x0] =	wrdreg $0xFFFFFFFF;
	(pc) =	sbr.abs _section_cstart, $3  }
0xc8: {  	[dreg:$0x1] =	wrdreg $0xFFFFFFFF  }
0xc9: {  	_ =	task.clear_ibuf [dreg:s9], $0x2FFFF;
	_ =	strace $0x9FFFFFFF  }
0xca: {  	(tm) =	ssettm $0x7FFFFFFF  }
0xcb: {  	_ =	shalt  }
tec
execute0_lowered:
.L_overlay_start_1:
0x0: {  	(tag) =	ssettag $0x1  }
0x1: {  	v0 =	vimm.s32 $0x8000000E;
	vm0 =	vcmask $0x300  }
0x2: {  	s1 =	rddreg [dreg:$0x0];
	v0 =	vsel vm0, $0x8000000F, v0;
	vm0 =	vcmask $0x704  }
0x3: {  	s2 =	rddreg [dreg:$0x1];
	s10 =	simm.s32 $0xB50;
	v0 =	vsel vm0, $0x80000000, v0;
	vm0 =	vcmask $0xB08  }
0x4: {  	s3 =	rddreg [dreg:$0x2];
	s11 =	simm.s32 $0xEA0;
	s14 =	simm.s32 $0x92B0;
	v0 =	vsel vm0, $0x80000001, v0;
	vm0 =	vcmask $0xF0C  }
0x5: {  	s0 =	srdreg.scid;
	s28 =	simm.s32 $0x8B30;
	s29 =	simm.s32 $0x8E70;
	v0 =	vsel vm0, $0x80000002, v0;
	vm0 =	vcmask $0x1310  }
0x6: {  	s5 =	stileid.u32;
	s30 =	simm.s32 $0x91F0;
	s31 =	simm.s32 $0x8B70;
	v0 =	vsel vm0, $0x80000003, v0;
	vm0 =	vcmask $0x1714  }
0x7: {  	s6 =	rddreg [dreg:$0x3];
	s13 =	simm.s32 $0x8BB0;
	s16 =	simm.s32 $0x8EF0;
	v0 =	vsel vm0, $0x80000004, v0;
	vm0 =	vcmask $0x1B18  }
0x8: {  	s18 =	simm.s32 $0x9270;
	s4 =	sand.u32 $0x1, s0;
	s25 =	sshll.u32 s5, $0x1;
	v0 =	vsel vm0, $0x80000005, v0;
	vm0 =	vcmask $0x1F1C  }
0x9: {  	s19 =	simm.s32 $0x8BF0;
	s5 =	simm.s32 $0x0;
	s7 =	sor.u32 s4, s25;
	v0 =	vsel vm0, $0x80000006, v0;
	vm0 =	vcmask $0x2320  }
0xa: {  	v2 =	vimm.s32 $0x0;
	[smem:$0x7FF] =	sst s5;
	s0 =	smul.u32 $0x7A10, s7;
	v0 =	vsel vm0, $0x80000007, v0;
	vm0 =	vcmask $0x2724  }
0xb: {  	s12 =	simm.s32 $0x40;
	s15 =	simm.s32 $0x1;
	vm1 =	vcmask $0x3B38;
	_ =	strace $0x80000047;
	v0 =	vsel vm0, $0x80000008, v0;
	vm0 =	vcmask $0x2B28  }
.Ltmp0:
0xc: {  	s17 =	simm.s32 $0x2;
	v3 =	vlaneseq.u32;
	s20 =	simm.s32 $0x8F30;
	v0 =	vsel vm0, $0x80000009, v0;
	vm0 =	vcmask $0x2F2C;
	(pc) =	sbr.rel .LBB2_1-.Ltmp0, $4  }
0xd: {  	v5 =	vor.u32 $0xFFFFFFF8, v3;
	s8 =	ssub.s32 $0x2, s4;
	p0 =	seq.s32 s7, $0x1F;
	s4 =	sadd.s32 $0x7A10, s0;
	v0 =	vsel vm0, $0x8000000A, v0;
	vm0 =	vcmask $0x3330  }
0xe: {  	s6 =	sadd.s32 $0xE00, s6;
	v6 =	vor.u32 $0x80000000, v3;
	s9 =	sshrl.u32 s8, $0x1;
	s4 =	simm.s32 @p0 $0xF4240;
	v1 =	vsel vm0, $0x8000000B, v0;
	vm0 =	vcmask $0x3734  }
0xf: {  	s26 =	ssub.s32 s8, s9;
	s8 =	simm.s32 $0x3;
	s9 =	simm.s32 $0x800;
	v0 =	vmov s0;
	v4 =	vsel vm0, $0x8000000C, v1;
	v1 =	vmov s4  }
0x10: {  	s7 =	smax.u32 s26, $0x1;
	s0 =	simm.s32 $0x9230;
	s4 =	simm.s32 $0x8EB0;
	vm0 =	vmmov $0x1;
	v4 =	vsel vm1, $0x8000000D, v4;
	vm1 =	vcmask $0x3F3C  }
.LBB2_11:
0x11: {  	s5 =	sadd.s32 $0x1, s5  }
0x12: {  	p0 =	sne.s32 s5, s7  }
.Ltmp1:
0x13: {  	_ = 	snop;
	(pc) =	sbr.rel @!p0 .LBB2_12-.Ltmp1, $1  }
0x14: {  	_ =	sdelay $0x3  }
.LBB2_1:
0x15: {  	s21 =	simm.s32 $0x0;
	s23 =	simm.s32 $0x0;
	s22 =	simm.s32 $0x0  }
.LBB2_2:
0x16: {  	s24 =	sshll.u32 s22, $0x8  }
0x17: {  	s25 =	simm.s32 $0x0;
	s24 =	sadd.s32 s1, s24  }
0x18: {  	[tilespmem:s25], [sflag:$0x3] =	stream.linear.gather [hbm4b:s24+s25], $0x800, $0x38;
	[tilespmem:$0xA2B0] =	vst v63  }
0x19: {  	_ =	swait.ge [sflag:s8], $0x800  }
0x1a: {  	[sflag:s8] =	ssyncset.done $0x0  }
0x1b: {  	s26 =	simm.s32 $0x0;
	[sflag:s8] =	ssyncadd.s32 $0xFFFFF800  }
0x1c: {  	v7 =	vld [tilespmem:s26+$0x0];
	_ =	sdelay $0x4  }
0x1d: {  	vm2 =	vge.s32 v7, v0;
	vm3 =	vlt.s32 v7, v1  }
0x1e: {  	vm2 =	vmand vm2, vm3  }
0x1f: {  	v8 =	vsel vm2, $0x1, v2  }
0x20: {  	(xrf0) =	vadd.scan.msk.s32 $0xffff, v8;
	_ =	sdelay $0x2  }
0x21: {  	v8 =	vmov s23  }
0x22: {  	v8 =	vadd.s32 $0xFFFFFFFF, v8  }
0x23: {  	v8 =	vbroadcast v8, $0x0  }
0x24: {  	v9, _, _ =	vpop (xrf0)  }
0x25: {  	v8 =	vadd.s32 v9, v8;
	(v2sf) =	vpush v9, $0xF  }
0x26: {  	vm3 =	vlt.s32 v8, $0x34F  }
0x27: {  	v8 =	vnsel vm3, $0x34F, v8;
	_ =	sdelay $0x4  }
0x28: {  	[tilespmem:v8+s9+$0x0] =	vst.idx.msk vm2, v7;
	v7 =	vor.u32 s21, v3  }
0x29: {  	s25 =	simm.s32 $0x80;
	s24 =	smov.u32 s21;
	s26 =	simm.s32 $0x10;
	[tilespmem:v8+s10+$0x0] =	vst.idx.msk vm2, v7  }
.LBB2_3:
0x2a: {  	p0 =	sne.s32 s25, $0x1FC0;
	v7 =	vld [tilespmem:s26+$0x0];
	_ =	sdelay $0x4  }
0x2b: {  	vm2 =	vge.s32 v7, v0;
	vm3 =	vlt.s32 v7, v1  }
0x2c: {  	vm2 =	vmand vm2, vm3;
	s26 =	spop (v2sf)  }
0x2d: {  	v8 =	vsel vm2, $0x1, v2;
	s23 =	sadd.s32 s23, s26  }
0x2e: {  	(xrf0) =	vadd.scan.msk.s32 $0xffff, v8;
	p1 =	slt.s32 s23, $0x340  }
0x2f: {  	s23 =	simm.s32 @!p1 $0x340  }
0x30: {  	v8 =	vmov s23  }
0x31: {  	v8 =	vadd.s32 $0xFFFFFFFF, v8  }
0x32: {  	v8 =	vbroadcast v8, $0x0;
	_ =	sdelay $0x1  }
0x33: {  	v9, _, _ =	vpop (xrf0)  }
0x34: {  	v8 =	vadd.s32 v9, v8;
	(v2sf) =	vpush v9, $0xF  }
0x35: {  	vm3 =	vlt.s32 v8, $0x34F  }
0x36: {  	v8 =	vnsel vm3, $0x34F, v8;
	_ =	sdelay $0x1  }
.Ltmp2:
0x37: {  	(pc) =	sbr.rel @p0 .LBB2_3-.Ltmp2, $4  }
0x38: {  	_ = 	snop  }
0x39: {  	s24 =	sadd.s32 $0x10, s24  }
0x3a: {  	[tilespmem:v8+s9+$0x0] =	vst.idx.msk vm2, v7;
	v7 =	vor.u32 s24, v3  }
0x3b: {  	s26 =	sshra.s32 s25, $0x2;
	s25 =	sadd.s32 $0x40, s25;
	[tilespmem:v8+s10+$0x0] =	vst.idx.msk vm2, v7  }
0x3c: {  	v7 =	vld [tilespmem:s26+$0x0];
	_ =	sdelay $0x4  }
0x3d: {  	vm2 =	vge.s32 v7, v0;
	vm3 =	vlt.s32 v7, v1  }
0x3e: {  	vm2 =	vmand vm2, vm3  }
0x3f: {  	v8 =	vsel vm2, $0x1, v2  }
0x40: {  	(xrf0) =	vadd.scan.msk.s32 $0xffff, v8;
	_ =	sdelay $0x5  }
0x41: {  	v8, _, _ =	vpop (xrf0)  }
0x42: {  	(v2sf) =	vpush v8, $0xF;
	_ =	sdelay $0x1  }
0x43: {  	s25 =	spop (v2sf)  }
0x44: {  	s23 =	sadd.s32 s23, s25  }
0x45: {  	p0 =	slt.s32 s23, $0x340  }
0x46: {  	s23 =	simm.s32 @!p0 $0x340  }
0x47: {  	v9 =	vmov s23  }
0x48: {  	v9 =	vadd.s32 $0xFFFFFFFF, v9  }
0x49: {  	v9 =	vbroadcast v9, $0x0;
	_ =	sdelay $0x1  }
0x4a: {  	v8 =	vadd.s32 v8, v9  }
0x4b: {  	vm3 =	vlt.s32 v8, $0x34F  }
0x4c: {  	s22 =	sadd.s32 $0x1, s22;
	v8 =	vnsel vm3, $0x34F, v8  }
0x4d: {  	p1 =	sne.s32 s22, $0x8  }
.Ltmp3:
0x4e: {  	_ = 	snop;
	(pc) =	sbr.rel @p1 .LBB2_2-.Ltmp3, $4  }
0x4f: {  	s25 =	spop (v2sf)  }
0x50: {  	s26 =	sadd.s32 $0x10, s24;
	s24 =	sadd.s32 s23, s25  }
0x51: {  	[tilespmem:v8+s9+$0x0] =	vst.idx.msk vm2, v7;
	v7 =	vor.u32 s26, v3;
	p0 =	slt.s32 s24, $0x340;
	s23 =	smov.u32 s24  }
0x52: {  	s21 =	sadd.s32 $0x800, s21;
	[tilespmem:v8+s10+$0x0] =	vst.idx.msk vm2, v7;
	s23 =	simm.s32 @!p0 $0x340  }
0x53: {  	p0 =	slt.s32 s24, $0x1  }
.Ltmp4:
0x54: {  	_ = 	snop;
	(pc) =	sbr.rel @p0 .LBB2_11-.Ltmp4, $1  }
0x55: {  	_ =	sdelay $0x3  }
0x56: {  	v7 =	vld [tilespmem:$0x800]  }
0x57: {  	v8 =	vld [tilespmem:$0xB50];
	_ =	sdelay $0x3  }
0x58: {  	v7 =	vnsel vm0, $0x0, v7  }
0x59: {  	(xrf0) =	vadd.scan.msk.s32 $0xffff, v7;
	v7 =	vnsel vm0, $0x0, v8  }
0x5a: {  	(xrf0) =	vadd.scan.msk.s32 $0xffff, v7;
	_ =	sdelay $0x3  }
0x5b: {  	s22 =	simm.s32 $0x0  }
0x5c: {  	v10 =	vor.u32 s22, v3;
	v7 =	vmov s23;
	v8, _, _ =	vpop (xrf0)  }
0x5d: {  	vm2 =	vge.s32 v10, v7;
	v10 =	vand.u32 v5, v10;
	v9, _, _ =	vpop (xrf0)  }
0x5e: {  	s23 =	simm.s32 $0x10;
	vm3 =	vmmov vm2;
	v8 =	vbroadcast v8, $0xF;
	v9 =	vbroadcast v9, $0xF  }
.LBB2_7:
0x5f: {  	p0 =	sne.s32 s23, $0x340  }
.Ltmp5:
0x60: {  	_ = 	snop;
	(pc) =	sbr.rel @p0 .LBB2_7-.Ltmp5, $4  }
0x61: {  	_ = 	snop  }
0x62: {  	v11 =	vor.u32 s23, v3;
	s24 =	simm.s32 $0x800  }
0x63: {  	s23 =	sadd.s32 $0x10, s23;
	s21 =	simm.s32 $0xB50;
	[tilespmem:v10+s24+$0x0] =	vst.idx.msk vm2, v8;
	vm2 =	vge.s32 v11, v7  }
0x64: {  	[tilespmem:v10+s21+$0x0] =	vst.idx.msk vm3, v9;
	v10 =	vand.u32 v5, v11;
	vm3 =	vmmov vm2  }
0x65: {  	_ =	sdelay $0x4  }
0x66: {  	[tilespmem:v10+s24+$0x0] =	vst.idx.msk vm2, v8  }
0x67: {  	[tilespmem:v10+s21+$0x0] =	vst.idx.msk vm3, v9  }
0x68: {  	v8 =	vld [tilespmem:s24+$0x0];
	_ =	sdelay $0x3  }
0x69: {  	v9 =	vld [tilespmem:s21+$0x0]  }
0x6a: {  	v8 =	vsub.s32 v8, v0  }
0x6b: {  	v10 =	vor.u32 s22, v3;
	v8 =	vshll.u32 v8, $0x4  }
0x6c: {  	vm2 =	vlt.s32 v10, v7;
	v8 =	vxor.u32 v6, v8  }
0x6d: {  	v8 =	vnsel vm2, $0xFFFFFFFF, v8  }
0x6e: {  	(xrf1) =	vsort.ascd.msk.u32 $0xffff, v8, v9;
	_ =	sdelay $0xd  }
0x6f: {  	v8, v9, _ =	vpop (xrf1)  }
0x70: {  	v10 =	vshrl.u32 v8, $0x4  }
0x71: {  	v11 =	vxor.u32 $0x8000000, v10  }
0x72: {  	(xrf1) =	vsort.ascd.msk.u32 $0xffff, v4, v11;
	_ =	sdelay $0xd  }
0x73: {  	_, v12, _ =	vpop (xrf1)  }
0x74: {  	vm2 =	vne.s32 v11, v12  }
0x75: {  	vm3 =	vne.s32 v8, $0xFFFFFFFF;
	vm2 =	vmor vm2, vm1  }
0x76: {  	v10 =	vand.u32 $0x7, v10;
	v8 =	vand.u32 $0xFFFFFF8, v11;
	vm2 =	vmand vm3, vm2  }
0x77: {  	v8 =	vor.u32 v10, v8;
	_ =	sdelay $0x4  }
0x78: {  	s23 =	simm.s32 $0x810;
	[tilespmem:v8+s11+$0x0] =	vst.idx.msk vm2, v9  }
0x79: {  	s22 =	simm.s32 $0x10;
	s24 =	simm.s32 $0x20;
	v8 =	vld [tilespmem:s23+$0x0]  }
.LBB2_9:
0x7a: {  	p0 =	sne.s32 s24, $0x340;
	_ =	sdelay $0x1  }
0x7b: {  	s21 =	sadd.s32 $0x10, s21  }
0x7c: {  	v9 =	vld [tilespmem:s21+$0x0]  }
0x7d: {  	v8 =	vsub.s32 v8, v0  }
0x7e: {  	v10 =	vor.u32 s22, v3;
	s22 =	smov.u32 s24;
	v8 =	vshll.u32 v8, $0x4  }
0x7f: {  	vm2 =	vlt.s32 v10, v7;
	v8 =	vxor.u32 v6, v8  }
0x80: {  	v8 =	vnsel vm2, $0xFFFFFFFF, v8  }
0x81: {  	(xrf1) =	vsort.ascd.msk.u32 $0xffff, v8, v9;
	_ =	sdelay $0xd  }
0x82: {  	v8, v9, _ =	vpop (xrf1)  }
0x83: {  	v10 =	vshrl.u32 v8, $0x4  }
0x84: {  	v11 =	vxor.u32 $0x8000000, v10  }
0x85: {  	(xrf1) =	vsort.ascd.msk.u32 $0xffff, v4, v11;
	_ =	sdelay $0xd  }
0x86: {  	_, v12, _ =	vpop (xrf1)  }
0x87: {  	vm2 =	vne.s32 v11, v12  }
0x88: {  	vm3 =	vne.s32 v8, $0xFFFFFFFF;
	vm2 =	vmor vm2, vm1  }
0x89: {  	v10 =	vand.u32 $0x7, v10;
	v8 =	vand.u32 $0xFFFFFF8, v11;
	vm2 =	vmand vm3, vm2  }
0x8a: {  	v8 =	vor.u32 v10, v8;
	_ =	sdelay $0x1  }
.Ltmp6:
0x8b: {  	(pc) =	sbr.rel @p0 .LBB2_9-.Ltmp6, $3  }
0x8c: {  	_ =	sdelay $0x1  }
0x8d: {  	s23 =	sadd.s32 $0x10, s23;
	[tilespmem:v8+s11+$0x0] =	vst.idx.msk vm2, v9  }
0x8e: {  	s24 =	sadd.s32 $0x10, s24;
	v8 =	vld [tilespmem:s23+$0x0]  }
0x8f: {  	_ =	sdelay $0x1  }
0x90: {  	s21 =	sadd.s32 $0x10, s21  }
0x91: {  	v9 =	vld [tilespmem:s21+$0x0]  }
0x92: {  	v8 =	vsub.s32 v8, v0  }
0x93: {  	v10 =	vor.u32 s22, v3;
	v8 =	vshll.u32 v8, $0x4  }
0x94: {  	vm2 =	vlt.s32 v10, v7;
	v7 =	vxor.u32 v6, v8  }
0x95: {  	v7 =	vnsel vm2, $0xFFFFFFFF, v7  }
0x96: {  	(xrf1) =	vsort.ascd.msk.u32 $0xffff, v7, v9;
	_ =	sdelay $0xd  }
0x97: {  	v7, v8, _ =	vpop (xrf1)  }
0x98: {  	v31 =	vshrl.u32 v7, $0x4  }
0x99: {  	v32 =	vxor.u32 $0x8000000, v31  }
0x9a: {  	(xrf1) =	vsort.ascd.msk.u32 $0xffff, v4, v32;
	_ =	sdelay $0xd  }
0x9b: {  	_, v11, _ =	vpop (xrf1)  }
0x9c: {  	vm2 =	vne.s32 v32, v11  }
0x9d: {  	vm3 =	vne.s32 v7, $0xFFFFFFFF;
	vm2 =	vmor vm2, vm1  }
0x9e: {  	v9 =	vand.u32 $0x7, v31;
	v7 =	vand.u32 $0xFFFFFF8, v32;
	vm2 =	vmand vm3, vm2  }
0x9f: {  	v7 =	vor.u32 v9, v7;
	_ =	sdelay $0x4  }
0xa0: {  	[tilespmem:v7+s11+$0x0] =	vst.idx.msk vm2, v8  }
0xa1: {  	v7 =	vld [tilespmem:$0x800];
	_ =	sdelay $0x4  }
0xa2: {  	v8 =	vsub.s32 v7, v0  }
0xa3: {  	v34 =	vld [tilespmem:$0x810];
	v33 =	vand.u32 $0x7, v7;
	v8 =	vand.u32 $0xFFFFFFF8, v8  }
0xa4: {  	v8 =	vor.u32 v33, v8;
	_ =	sdelay $0x2  }
0xa5: {  	v35 =	vld [tilespmem:$0xB50]  }
0xa6: {  	v37 =	vld [tilespmem:$0x820];
	v36 =	vsub.s32 v34, v0  }
0xa7: {  	v12 =	vand.u32 $0x7, v34;
	v11 =	vand.u32 $0xFFFFFFF8, v36;
	v8 =	vld.idx.msk [tilespmem:v8+s11+$0x0], $0xffff  }
0xa8: {  	v11 =	vor.u32 v12, v11;
	_ =	sdelay $0x1  }
0xa9: {  	[tilespmem:$0x88F0] =	vst v7  }
0xaa: {  	v13 =	vld [tilespmem:$0x830];
	[tilespmem:$0x8C30] =	vst v35  }
0xab: {  	v38 =	vsub.s32 v37, v0;
	v7 =	vld [tilespmem:$0xB60];
	[tilespmem:$0x8F70] =	vst v8  }
0xac: {  	v39 =	vand.u32 $0x7, v37;
	v9 =	vand.u32 $0xFFFFFFF8, v38;
	v8 =	vld.idx.msk [tilespmem:v11+s11+$0x0], $0xffff  }
0xad: {  	v9 =	vor.u32 v39, v9;
	_ =	sdelay $0x1  }
0xae: {  	[tilespmem:$0x8900] =	vst v34  }
0xaf: {  	v41 =	vld [tilespmem:$0x840];
	[tilespmem:$0x8C40] =	vst v7  }
0xb0: {  	v7 =	vld [tilespmem:$0xB70];
	[tilespmem:$0x8F80] =	vst v8;
	v8 =	vsub.s32 v13, v0  }
0xb1: {  	v40 =	vand.u32 $0x7, v13;
	v9 =	vld.idx.msk [tilespmem:v9+s11+$0x0], $0xffff;
	v8 =	vand.u32 $0xFFFFFFF8, v8  }
0xb2: {  	v8 =	vor.u32 v40, v8;
	_ =	sdelay $0x1  }
0xb3: {  	[tilespmem:$0x8910] =	vst v37  }
0xb4: {  	v44 =	vld [tilespmem:$0x850];
	[tilespmem:$0x8C50] =	vst v7  }
0xb5: {  	v42 =	vsub.s32 v41, v0;
	v7 =	vld [tilespmem:$0xB80];
	[tilespmem:$0x8F90] =	vst v9  }
0xb6: {  	v43 =	vand.u32 $0x7, v41;
	v9 =	vand.u32 $0xFFFFFFF8, v42;
	v8 =	vld.idx.msk [tilespmem:v8+s11+$0x0], $0xffff  }
0xb7: {  	v9 =	vor.u32 v43, v9;
	_ =	sdelay $0x1  }
0xb8: {  	[tilespmem:$0x8920] =	vst v13  }
0xb9: {  	v46 =	vld [tilespmem:$0x860];
	[tilespmem:$0x8C60] =	vst v7  }
0xba: {  	v7 =	vld [tilespmem:$0xB90];
	[tilespmem:$0x8FA0] =	vst v8;
	v8 =	vsub.s32 v44, v0  }
0xbb: {  	v45 =	vand.u32 $0x7, v44;
	v9 =	vld.idx.msk [tilespmem:v9+s11+$0x0], $0xffff;
	v8 =	vand.u32 $0xFFFFFFF8, v8  }
0xbc: {  	v8 =	vor.u32 v45, v8;
	_ =	sdelay $0x1  }
0xbd: {  	[tilespmem:$0x8930] =	vst v41  }
0xbe: {  	v49 =	vld [tilespmem:$0x870];
	[tilespmem:$0x8C70] =	vst v7  }
0xbf: {  	v47 =	vsub.s32 v46, v0;
	v7 =	vld [tilespmem:$0xBA0];
	[tilespmem:$0x8FB0] =	vst v9  }
0xc0: {  	v48 =	vand.u32 $0x7, v46;
	v9 =	vand.u32 $0xFFFFFFF8, v47;
	v8 =	vld.idx.msk [tilespmem:v8+s11+$0x0], $0xffff  }
0xc1: {  	v9 =	vor.u32 v48, v9;
	_ =	sdelay $0x1  }
0xc2: {  	[tilespmem:$0x8940] =	vst v44  }
0xc3: {  	v51 =	vld [tilespmem:$0x880];
	[tilespmem:$0x8C80] =	vst v7  }
0xc4: {  	v7 =	vld [tilespmem:$0xBB0];
	[tilespmem:$0x8FC0] =	vst v8;
	v8 =	vsub.s32 v49, v0  }
0xc5: {  	v50 =	vand.u32 $0x7, v49;
	v9 =	vld.idx.msk [tilespmem:v9+s11+$0x0], $0xffff;
	v8 =	vand.u32 $0xFFFFFFF8, v8  }
0xc6: {  	v8 =	vor.u32 v50, v8;
	_ =	sdelay $0x1  }
0xc7: {  	[tilespmem:$0x8950] =	vst v46  }
0xc8: {  	v54 =	vld [tilespmem:$0x890];
	[tilespmem:$0x8C90] =	vst v7  }
0xc9: {  	v52 =	vsub.s32 v51, v0;
	v7 =	vld [tilespmem:$0xBC0];
	[tilespmem:$0x8FD0] =	vst v9  }
0xca: {  	v53 =	vand.u32 $0x7, v51;
	v9 =	vand.u32 $0xFFFFFFF8, v52;
	v8 =	vld.idx.msk [tilespmem:v8+s11+$0x0], $0xffff  }
0xcb: {  	v9 =	vor.u32 v53, v9;
	_ =	sdelay $0x1  }
0xcc: {  	[tilespmem:$0x8960] =	vst v49  }
0xcd: {  	v56 =	vld [tilespmem:$0x8A0];
	[tilespmem:$0x8CA0] =	vst v7  }
0xce: {  	v7 =	vld [tilespmem:$0xBD0];
	[tilespmem:$0x8FE0] =	vst v8;
	v8 =	vsub.s32 v54, v0  }
0xcf: {  	v55 =	vand.u32 $0x7, v54;
	v9 =	vld.idx.msk [tilespmem:v9+s11+$0x0], $0xffff;
	v8 =	vand.u32 $0xFFFFFFF8, v8  }
0xd0: {  	v8 =	vor.u32 v55, v8;
	_ =	sdelay $0x1  }
0xd1: {  	[tilespmem:$0x8970] =	vst v51  }
0xd2: {  	v59 =	vld [tilespmem:$0x8B0];
	[tilespmem:$0x8CB0] =	vst v7  }
0xd3: {  	v57 =	vsub.s32 v56, v0;
	v7 =	vld [tilespmem:$0xBE0];
	[tilespmem:$0x8FF0] =	vst v9  }
0xd4: {  	v58 =	vand.u32 $0x7, v56;
	v9 =	vand.u32 $0xFFFFFFF8, v57;
	v8 =	vld.idx.msk [tilespmem:v8+s11+$0x0], $0xffff  }
0xd5: {  	v9 =	vor.u32 v58, v9;
	_ =	sdelay $0x1  }
0xd6: {  	[tilespmem:$0x8980] =	vst v54  }
0xd7: {  	v61 =	vld [tilespmem:$0x8C0];
	[tilespmem:$0x8CC0] =	vst v7  }
0xd8: {  	v7 =	vld [tilespmem:$0xBF0];
	[tilespmem:$0x9000] =	vst v8;
	v8 =	vsub.s32 v59, v0  }
0xd9: {  	v60 =	vand.u32 $0x7, v59;
	v9 =	vld.idx.msk [tilespmem:v9+s11+$0x0], $0xffff;
	v8 =	vand.u32 $0xFFFFFFF8, v8  }
0xda: {  	v8 =	vor.u32 v60, v8;
	_ =	sdelay $0x1  }
0xdb: {  	[tilespmem:$0x8990] =	vst v56  }
0xdc: {  	v16 =	vld [tilespmem:$0x8D0];
	[tilespmem:$0x8CD0] =	vst v7  }
0xdd: {  	v62 =	vsub.s32 v61, v0;
	v7 =	vld [tilespmem:$0xC00];
	[tilespmem:$0x9010] =	vst v9  }
0xde: {  	v63 =	vand.u32 $0x7, v61;
	v9 =	vand.u32 $0xFFFFFFF8, v62;
	v8 =	vld.idx.msk [tilespmem:v8+s11+$0x0], $0xffff  }
0xdf: {  	v9 =	vor.u32 v63, v9;
	_ =	sdelay $0x1  }
0xe0: {  	[tilespmem:$0x89A0] =	vst v59  }
0xe1: {  	v18 =	vld [tilespmem:$0x8E0];
	[tilespmem:$0x8CE0] =	vst v7  }
0xe2: {  	v7 =	vld [tilespmem:$0xC10];
	[tilespmem:$0x9020] =	vst v8;
	v8 =	vsub.s32 v16, v0  }
0xe3: {  	v17 =	vand.u32 $0x7, v16;
	v9 =	vld.idx.msk [tilespmem:v9+s11+$0x0], $0xffff;
	v8 =	vand.u32 $0xFFFFFFF8, v8  }
0xe4: {  	v8 =	vor.u32 v17, v8;
	_ =	sdelay $0x1  }
0xe5: {  	[tilespmem:$0x89B0] =	vst v61  }
0xe6: {  	v21 =	vld [tilespmem:$0x8F0];
	[tilespmem:$0x8CF0] =	vst v7  }
0xe7: {  	v19 =	vsub.s32 v18, v0;
	v7 =	vld [tilespmem:$0xC20];
	[tilespmem:$0x9030] =	vst v9  }
0xe8: {  	v20 =	vand.u32 $0x7, v18;
	v9 =	vand.u32 $0xFFFFFFF8, v19;
	v8 =	vld.idx.msk [tilespmem:v8+s11+$0x0], $0xffff  }
0xe9: {  	v9 =	vor.u32 v20, v9;
	_ =	sdelay $0x1  }
0xea: {  	[tilespmem:$0x89C0] =	vst v16  }
0xeb: {  	v23 =	vld [tilespmem:$0x900];
	[tilespmem:$0x8D00] =	vst v7  }
0xec: {  	v7 =	vld [tilespmem:$0xC30];
	[tilespmem:$0x9040] =	vst v8;
	v8 =	vsub.s32 v21, v0  }
0xed: {  	v22 =	vand.u32 $0x7, v21;
	v9 =	vld.idx.msk [tilespmem:v9+s11+$0x0], $0xffff;
	v8 =	vand.u32 $0xFFFFFFF8, v8  }
0xee: {  	v8 =	vor.u32 v22, v8;
	_ =	sdelay $0x1  }
0xef: {  	[tilespmem:$0x89D0] =	vst v18  }
0xf0: {  	v26 =	vld [tilespmem:$0x910];
	[tilespmem:$0x8D10] =	vst v7  }
0xf1: {  	v24 =	vsub.s32 v23, v0;
	v7 =	vld [tilespmem:$0xC40];
	[tilespmem:$0x9050] =	vst v9  }
0xf2: {  	v25 =	vand.u32 $0x7, v23;
	v9 =	vand.u32 $0xFFFFFFF8, v24;
	v8 =	vld.idx.msk [tilespmem:v8+s11+$0x0], $0xffff  }
0xf3: {  	v9 =	vor.u32 v25, v9;
	_ =	sdelay $0x1  }
0xf4: {  	[tilespmem:$0x89E0] =	vst v21  }
0xf5: {  	v28 =	vld [tilespmem:$0x920];
	[tilespmem:$0x8D20] =	vst v7  }
0xf6: {  	v7 =	vld [tilespmem:$0xC50];
	[tilespmem:$0x9060] =	vst v8;
	v8 =	vsub.s32 v26, v0  }
0xf7: {  	v27 =	vand.u32 $0x7, v26;
	v9 =	vld.idx.msk [tilespmem:v9+s11+$0x0], $0xffff;
	v8 =	vand.u32 $0xFFFFFFF8, v8  }
0xf8: {  	v8 =	vor.u32 v27, v8;
	_ =	sdelay $0x1  }
0xf9: {  	[tilespmem:$0x89F0] =	vst v23  }
0xfa: {  	v31 =	vld [tilespmem:$0x930];
	[tilespmem:$0x8D30] =	vst v7  }
0xfb: {  	v29 =	vsub.s32 v28, v0;
	v7 =	vld [tilespmem:$0xC60];
	[tilespmem:$0x9070] =	vst v9  }
0xfc: {  	v30 =	vand.u32 $0x7, v28;
	v9 =	vand.u32 $0xFFFFFFF8, v29;
	v8 =	vld.idx.msk [tilespmem:v8+s11+$0x0], $0xffff  }
0xfd: {  	v9 =	vor.u32 v30, v9;
	_ =	sdelay $0x1  }
0xfe: {  	[tilespmem:$0x8A00] =	vst v26  }
0xff: {  	v33 =	vld [tilespmem:$0x940];
	[tilespmem:$0x8D40] =	vst v7  }
0x100: {  	v7 =	vld [tilespmem:$0xC70];
	[tilespmem:$0x9080] =	vst v8;
	v8 =	vsub.s32 v31, v0  }
0x101: {  	v32 =	vand.u32 $0x7, v31;
	v9 =	vld.idx.msk [tilespmem:v9+s11+$0x0], $0xffff;
	v8 =	vand.u32 $0xFFFFFFF8, v8  }
0x102: {  	v8 =	vor.u32 v32, v8;
	_ =	sdelay $0x1  }
0x103: {  	[tilespmem:$0x8A10] =	vst v28  }
0x104: {  	v36 =	vld [tilespmem:$0x950];
	[tilespmem:$0x8D50] =	vst v7  }
0x105: {  	v34 =	vsub.s32 v33, v0;
	v7 =	vld [tilespmem:$0xC80];
	[tilespmem:$0x9090] =	vst v9  }
0x106: {  	v35 =	vand.u32 $0x7, v33;
	v9 =	vand.u32 $0xFFFFFFF8, v34;
	v8 =	vld.idx.msk [tilespmem:v8+s11+$0x0], $0xffff  }
0x107: {  	v9 =	vor.u32 v35, v9;
	_ =	sdelay $0x1  }
0x108: {  	[tilespmem:$0x8A20] =	vst v31  }
0x109: {  	v38 =	vld [tilespmem:$0x960];
	[tilespmem:$0x8D60] =	vst v7  }
0x10a: {  	v7 =	vld [tilespmem:$0xC90];
	[tilespmem:$0x90A0] =	vst v8;
	v8 =	vsub.s32 v36, v0  }
0x10b: {  	v37 =	vand.u32 $0x7, v36;
	v9 =	vld.idx.msk [tilespmem:v9+s11+$0x0], $0xffff;
	v8 =	vand.u32 $0xFFFFFFF8, v8  }
0x10c: {  	v8 =	vor.u32 v37, v8;
	_ =	sdelay $0x1  }
0x10d: {  	[tilespmem:$0x8A30] =	vst v33  }
0x10e: {  	v41 =	vld [tilespmem:$0x970];
	[tilespmem:$0x8D70] =	vst v7  }
0x10f: {  	v39 =	vsub.s32 v38, v0;
	v7 =	vld [tilespmem:$0xCA0];
	[tilespmem:$0x90B0] =	vst v9  }
0x110: {  	v40 =	vand.u32 $0x7, v38;
	v9 =	vand.u32 $0xFFFFFFF8, v39;
	v8 =	vld.idx.msk [tilespmem:v8+s11+$0x0], $0xffff  }
0x111: {  	v9 =	vor.u32 v40, v9;
	_ =	sdelay $0x1  }
0x112: {  	[tilespmem:$0x8A40] =	vst v36  }
0x113: {  	v43 =	vld [tilespmem:$0x980];
	[tilespmem:$0x8D80] =	vst v7  }
0x114: {  	v7 =	vld [tilespmem:$0xCB0];
	[tilespmem:$0x90C0] =	vst v8;
	v8 =	vsub.s32 v41, v0  }
0x115: {  	v42 =	vand.u32 $0x7, v41;
	v9 =	vld.idx.msk [tilespmem:v9+s11+$0x0], $0xffff;
	v8 =	vand.u32 $0xFFFFFFF8, v8  }
0x116: {  	v8 =	vor.u32 v42, v8;
	_ =	sdelay $0x1  }
0x117: {  	[tilespmem:$0x8A50] =	vst v38  }
0x118: {  	v46 =	vld [tilespmem:$0x990];
	[tilespmem:$0x8D90] =	vst v7  }
0x119: {  	v44 =	vsub.s32 v43, v0;
	v7 =	vld [tilespmem:$0xCC0];
	[tilespmem:$0x90D0] =	vst v9  }
0x11a: {  	v45 =	vand.u32 $0x7, v43;
	v9 =	vand.u32 $0xFFFFFFF8, v44;
	v8 =	vld.idx.msk [tilespmem:v8+s11+$0x0], $0xffff  }
0x11b: {  	v9 =	vor.u32 v45, v9;
	_ =	sdelay $0x1  }
0x11c: {  	[tilespmem:$0x8A60] =	vst v41  }
0x11d: {  	v48 =	vld [tilespmem:$0x9A0];
	[tilespmem:$0x8DA0] =	vst v7  }
0x11e: {  	v7 =	vld [tilespmem:$0xCD0];
	[tilespmem:$0x90E0] =	vst v8;
	v8 =	vsub.s32 v46, v0  }
0x11f: {  	v47 =	vand.u32 $0x7, v46;
	v9 =	vld.idx.msk [tilespmem:v9+s11+$0x0], $0xffff;
	v8 =	vand.u32 $0xFFFFFFF8, v8  }
0x120: {  	v8 =	vor.u32 v47, v8;
	_ =	sdelay $0x1  }
0x121: {  	[tilespmem:$0x8A70] =	vst v43  }
0x122: {  	v51 =	vld [tilespmem:$0x9B0];
	[tilespmem:$0x8DB0] =	vst v7  }
0x123: {  	v49 =	vsub.s32 v48, v0;
	v7 =	vld [tilespmem:$0xCE0];
	[tilespmem:$0x90F0] =	vst v9  }
0x124: {  	v50 =	vand.u32 $0x7, v48;
	v9 =	vand.u32 $0xFFFFFFF8, v49;
	v8 =	vld.idx.msk [tilespmem:v8+s11+$0x0], $0xffff  }
0x125: {  	v9 =	vor.u32 v50, v9;
	_ =	sdelay $0x1  }
0x126: {  	[tilespmem:$0x8A80] =	vst v46  }
0x127: {  	v53 =	vld [tilespmem:$0x9C0];
	[tilespmem:$0x8DC0] =	vst v7  }
0x128: {  	v7 =	vld [tilespmem:$0xCF0];
	[tilespmem:$0x9100] =	vst v8;
	v8 =	vsub.s32 v51, v0  }
0x129: {  	v52 =	vand.u32 $0x7, v51;
	v9 =	vld.idx.msk [tilespmem:v9+s11+$0x0], $0xffff;
	v8 =	vand.u32 $0xFFFFFFF8, v8  }
0x12a: {  	v8 =	vor.u32 v52, v8;
	_ =	sdelay $0x1  }
0x12b: {  	[tilespmem:$0x8A90] =	vst v48  }
0x12c: {  	v56 =	vld [tilespmem:$0x9D0];
	[tilespmem:$0x8DD0] =	vst v7  }
0x12d: {  	v54 =	vsub.s32 v53, v0;
	v7 =	vld [tilespmem:$0xD00];
	[tilespmem:$0x9110] =	vst v9  }
0x12e: {  	v55 =	vand.u32 $0x7, v53;
	v9 =	vand.u32 $0xFFFFFFF8, v54;
	v8 =	vld.idx.msk [tilespmem:v8+s11+$0x0], $0xffff  }
0x12f: {  	v9 =	vor.u32 v55, v9;
	_ =	sdelay $0x1  }
0x130: {  	[tilespmem:$0x8AA0] =	vst v51  }
0x131: {  	v58 =	vld [tilespmem:$0x9E0];
	[tilespmem:$0x8DE0] =	vst v7  }
0x132: {  	v7 =	vld [tilespmem:$0xD10];
	[tilespmem:$0x9120] =	vst v8;
	v8 =	vsub.s32 v56, v0  }
0x133: {  	v57 =	vand.u32 $0x7, v56;
	v9 =	vld.idx.msk [tilespmem:v9+s11+$0x0], $0xffff;
	v8 =	vand.u32 $0xFFFFFFF8, v8  }
0x134: {  	v8 =	vor.u32 v57, v8;
	_ =	sdelay $0x1  }
0x135: {  	[tilespmem:$0x8AB0] =	vst v53  }
0x136: {  	v61 =	vld [tilespmem:$0x9F0];
	[tilespmem:$0x8DF0] =	vst v7  }
0x137: {  	v59 =	vsub.s32 v58, v0;
	v7 =	vld [tilespmem:$0xD20];
	[tilespmem:$0x9130] =	vst v9  }
0x138: {  	v60 =	vand.u32 $0x7, v58;
	v9 =	vand.u32 $0xFFFFFFF8, v59;
	v8 =	vld.idx.msk [tilespmem:v8+s11+$0x0], $0xffff  }
0x139: {  	v9 =	vor.u32 v60, v9;
	_ =	sdelay $0x1  }
0x13a: {  	[tilespmem:$0x8AC0] =	vst v56  }
0x13b: {  	v63 =	vld [tilespmem:$0xA00];
	[tilespmem:$0x8E00] =	vst v7  }
0x13c: {  	v7 =	vld [tilespmem:$0xD30];
	[tilespmem:$0x9140] =	vst v8;
	v8 =	vsub.s32 v61, v0  }
0x13d: {  	v62 =	vand.u32 $0x7, v61;
	v9 =	vld.idx.msk [tilespmem:v9+s11+$0x0], $0xffff;
	v8 =	vand.u32 $0xFFFFFFF8, v8  }
0x13e: {  	v8 =	vor.u32 v62, v8;
	_ =	sdelay $0x1  }
0x13f: {  	[tilespmem:$0x8AD0] =	vst v58  }
0x140: {  	v17 =	vld [tilespmem:$0xA10];
	[tilespmem:$0x8E10] =	vst v7  }
0x141: {  	v15 =	vsub.s32 v63, v0;
	v7 =	vld [tilespmem:$0xD40];
	[tilespmem:$0x9150] =	vst v9  }
0x142: {  	v16 =	vand.u32 $0x7, v63;
	v9 =	vand.u32 $0xFFFFFFF8, v15;
	v8 =	vld.idx.msk [tilespmem:v8+s11+$0x0], $0xffff  }
0x143: {  	v9 =	vor.u32 v16, v9;
	_ =	sdelay $0x1  }
0x144: {  	[tilespmem:$0x8AE0] =	vst v61  }
0x145: {  	v19 =	vld [tilespmem:$0xA20];
	[tilespmem:$0x8E20] =	vst v7  }
0x146: {  	v7 =	vld [tilespmem:$0xD50];
	[tilespmem:$0x9160] =	vst v8;
	v8 =	vsub.s32 v17, v0  }
0x147: {  	v18 =	vand.u32 $0x7, v17;
	v9 =	vld.idx.msk [tilespmem:v9+s11+$0x0], $0xffff;
	v8 =	vand.u32 $0xFFFFFFF8, v8  }
0x148: {  	v8 =	vor.u32 v18, v8;
	_ =	sdelay $0x1  }
0x149: {  	[tilespmem:$0x8AF0] =	vst v63  }
0x14a: {  	v22 =	vld [tilespmem:$0xA30];
	[tilespmem:$0x8E30] =	vst v7  }
0x14b: {  	v20 =	vsub.s32 v19, v0;
	v7 =	vld [tilespmem:$0xD60];
	[tilespmem:$0x9170] =	vst v9  }
0x14c: {  	v21 =	vand.u32 $0x7, v19;
	v9 =	vand.u32 $0xFFFFFFF8, v20;
	v8 =	vld.idx.msk [tilespmem:v8+s11+$0x0], $0xffff  }
0x14d: {  	v9 =	vor.u32 v21, v9;
	_ =	sdelay $0x1  }
0x14e: {  	[tilespmem:$0x8B00] =	vst v17  }
0x14f: {  	v24 =	vld [tilespmem:$0xA40];
	[tilespmem:$0x8E40] =	vst v7  }
0x150: {  	v7 =	vld [tilespmem:$0xD70];
	[tilespmem:$0x9180] =	vst v8;
	v8 =	vsub.s32 v22, v0  }
0x151: {  	v23 =	vand.u32 $0x7, v22;
	v9 =	vld.idx.msk [tilespmem:v9+s11+$0x0], $0xffff;
	v8 =	vand.u32 $0xFFFFFFF8, v8  }
0x152: {  	v8 =	vor.u32 v23, v8;
	_ =	sdelay $0x1  }
0x153: {  	[tilespmem:$0x8B10] =	vst v19  }
0x154: {  	v27 =	vld [tilespmem:$0xA50];
	[tilespmem:$0x8E50] =	vst v7  }
0x155: {  	v25 =	vsub.s32 v24, v0;
	v7 =	vld [tilespmem:$0xD80];
	[tilespmem:$0x9190] =	vst v9  }
0x156: {  	v26 =	vand.u32 $0x7, v24;
	v9 =	vand.u32 $0xFFFFFFF8, v25;
	v8 =	vld.idx.msk [tilespmem:v8+s11+$0x0], $0xffff  }
0x157: {  	v9 =	vor.u32 v26, v9;
	_ =	sdelay $0x1  }
0x158: {  	[tilespmem:$0x8B20] =	vst v22  }
0x159: {  	v29 =	vld [tilespmem:$0xA60];
	[tilespmem:$0x8E60] =	vst v7  }
0x15a: {  	v7 =	vld [tilespmem:$0xD90];
	[tilespmem:$0x91A0] =	vst v8;
	v8 =	vsub.s32 v27, v0  }
0x15b: {  	v28 =	vand.u32 $0x7, v27;
	v9 =	vld.idx.msk [tilespmem:v9+s11+$0x0], $0xffff;
	v8 =	vand.u32 $0xFFFFFFF8, v8  }
0x15c: {  	v8 =	vor.u32 v28, v8;
	_ =	sdelay $0x1  }
0x15d: {  	[tilespmem:$0x8B30] =	vst v24  }
0x15e: {  	v32 =	vld [tilespmem:$0xA70];
	[tilespmem:$0x8E70] =	vst v7  }
0x15f: {  	v30 =	vsub.s32 v29, v0;
	v7 =	vld [tilespmem:$0xDA0];
	[tilespmem:$0x91B0] =	vst v9  }
0x160: {  	v31 =	vand.u32 $0x7, v29;
	v9 =	vand.u32 $0xFFFFFFF8, v30;
	v8 =	vld.idx.msk [tilespmem:v8+s11+$0x0], $0xffff  }
0x161: {  	v9 =	vor.u32 v31, v9;
	_ =	sdelay $0x1  }
0x162: {  	[tilespmem:$0x8B40] =	vst v27  }
0x163: {  	v34 =	vld [tilespmem:$0xA80];
	[tilespmem:$0x8E80] =	vst v7  }
0x164: {  	v7 =	vld [tilespmem:$0xDB0];
	[tilespmem:$0x91C0] =	vst v8;
	v8 =	vsub.s32 v32, v0  }
0x165: {  	v33 =	vand.u32 $0x7, v32;
	v9 =	vld.idx.msk [tilespmem:v9+s11+$0x0], $0xffff;
	v8 =	vand.u32 $0xFFFFFFF8, v8  }
0x166: {  	v8 =	vor.u32 v33, v8;
	_ =	sdelay $0x1  }
0x167: {  	[tilespmem:$0x8B50] =	vst v29  }
0x168: {  	v37 =	vld [tilespmem:$0xA90];
	[tilespmem:$0x8E90] =	vst v7  }
0x169: {  	v35 =	vsub.s32 v34, v0;
	v7 =	vld [tilespmem:$0xDC0];
	[tilespmem:$0x91D0] =	vst v9  }
0x16a: {  	v36 =	vand.u32 $0x7, v34;
	v9 =	vand.u32 $0xFFFFFFF8, v35;
	v8 =	vld.idx.msk [tilespmem:v8+s11+$0x0], $0xffff  }
0x16b: {  	v9 =	vor.u32 v36, v9;
	_ =	sdelay $0x1  }
0x16c: {  	[tilespmem:$0x8B60] =	vst v32  }
0x16d: {  	v39 =	vld [tilespmem:$0xAA0];
	[tilespmem:$0x8EA0] =	vst v7  }
0x16e: {  	v7 =	vld [tilespmem:$0xDD0];
	[tilespmem:$0x91E0] =	vst v8;
	v8 =	vsub.s32 v37, v0  }
0x16f: {  	v38 =	vand.u32 $0x7, v37;
	v9 =	vld.idx.msk [tilespmem:v9+s11+$0x0], $0xffff;
	v8 =	vand.u32 $0xFFFFFFF8, v8  }
0x170: {  	v8 =	vor.u32 v38, v8;
	_ =	sdelay $0x1  }
0x171: {  	[tilespmem:$0x8B70] =	vst v34  }
0x172: {  	v42 =	vld [tilespmem:$0xAB0];
	[tilespmem:$0x8EB0] =	vst v7  }
0x173: {  	v40 =	vsub.s32 v39, v0;
	v7 =	vld [tilespmem:$0xDE0];
	[tilespmem:$0x91F0] =	vst v9  }
0x174: {  	v41 =	vand.u32 $0x7, v39;
	v9 =	vand.u32 $0xFFFFFFF8, v40;
	v8 =	vld.idx.msk [tilespmem:v8+s11+$0x0], $0xffff  }
0x175: {  	v9 =	vor.u32 v41, v9;
	_ =	sdelay $0x1  }
0x176: {  	[tilespmem:$0x8B80] =	vst v37  }
0x177: {  	v44 =	vld [tilespmem:$0xAC0];
	[tilespmem:$0x8EC0] =	vst v7  }
0x178: {  	v7 =	vld [tilespmem:$0xDF0];
	[tilespmem:$0x9200] =	vst v8;
	v8 =	vsub.s32 v42, v0  }
0x179: {  	v43 =	vand.u32 $0x7, v42;
	v9 =	vld.idx.msk [tilespmem:v9+s11+$0x0], $0xffff;
	v8 =	vand.u32 $0xFFFFFFF8, v8  }
0x17a: {  	v8 =	vor.u32 v43, v8;
	_ =	sdelay $0x1  }
0x17b: {  	[tilespmem:$0x8B90] =	vst v39  }
0x17c: {  	v47 =	vld [tilespmem:$0xAD0];
	[tilespmem:$0x8ED0] =	vst v7  }
0x17d: {  	v45 =	vsub.s32 v44, v0;
	v7 =	vld [tilespmem:$0xE00];
	[tilespmem:$0x9210] =	vst v9  }
0x17e: {  	v46 =	vand.u32 $0x7, v44;
	v9 =	vand.u32 $0xFFFFFFF8, v45;
	v8 =	vld.idx.msk [tilespmem:v8+s11+$0x0], $0xffff  }
0x17f: {  	v9 =	vor.u32 v46, v9;
	_ =	sdelay $0x1  }
0x180: {  	[tilespmem:$0x8BA0] =	vst v42  }
0x181: {  	v49 =	vld [tilespmem:$0xAE0];
	[tilespmem:$0x8EE0] =	vst v7  }
0x182: {  	v7 =	vld [tilespmem:$0xE10];
	[tilespmem:$0x9220] =	vst v8;
	v8 =	vsub.s32 v47, v0  }
0x183: {  	v48 =	vand.u32 $0x7, v47;
	v9 =	vld.idx.msk [tilespmem:v9+s11+$0x0], $0xffff;
	v8 =	vand.u32 $0xFFFFFFF8, v8  }
0x184: {  	v8 =	vor.u32 v48, v8;
	_ =	sdelay $0x1  }
0x185: {  	[tilespmem:$0x8BB0] =	vst v44  }
0x186: {  	v52 =	vld [tilespmem:$0xAF0];
	[tilespmem:$0x8EF0] =	vst v7  }
0x187: {  	v50 =	vsub.s32 v49, v0;
	v7 =	vld [tilespmem:$0xE20];
	[tilespmem:$0x9230] =	vst v9  }
0x188: {  	v51 =	vand.u32 $0x7, v49;
	v9 =	vand.u32 $0xFFFFFFF8, v50;
	v8 =	vld.idx.msk [tilespmem:v8+s11+$0x0], $0xffff  }
0x189: {  	v9 =	vor.u32 v51, v9;
	_ =	sdelay $0x1  }
0x18a: {  	[tilespmem:$0x8BC0] =	vst v47  }
0x18b: {  	v54 =	vld [tilespmem:$0xB00];
	[tilespmem:$0x8F00] =	vst v7  }
0x18c: {  	v7 =	vld [tilespmem:$0xE30];
	[tilespmem:$0x9240] =	vst v8;
	v8 =	vsub.s32 v52, v0  }
0x18d: {  	v53 =	vand.u32 $0x7, v52;
	v9 =	vld.idx.msk [tilespmem:v9+s11+$0x0], $0xffff;
	v8 =	vand.u32 $0xFFFFFFF8, v8  }
0x18e: {  	v8 =	vor.u32 v53, v8;
	_ =	sdelay $0x1  }
0x18f: {  	[tilespmem:$0x8BD0] =	vst v49  }
0x190: {  	v57 =	vld [tilespmem:$0xB10];
	[tilespmem:$0x8F10] =	vst v7  }
0x191: {  	v55 =	vsub.s32 v54, v0;
	v7 =	vld [tilespmem:$0xE40];
	[tilespmem:$0x9250] =	vst v9  }
0x192: {  	v56 =	vand.u32 $0x7, v54;
	v9 =	vand.u32 $0xFFFFFFF8, v55;
	v8 =	vld.idx.msk [tilespmem:v8+s11+$0x0], $0xffff  }
0x193: {  	v9 =	vor.u32 v56, v9;
	_ =	sdelay $0x1  }
0x194: {  	[tilespmem:$0x8BE0] =	vst v52  }
0x195: {  	v59 =	vld [tilespmem:$0xB20];
	[tilespmem:$0x8F20] =	vst v7  }
0x196: {  	v7 =	vld [tilespmem:$0xE50];
	[tilespmem:$0x9260] =	vst v8;
	v8 =	vsub.s32 v57, v0  }
0x197: {  	v58 =	vand.u32 $0x7, v57;
	v9 =	vld.idx.msk [tilespmem:v9+s11+$0x0], $0xffff;
	v8 =	vand.u32 $0xFFFFFFF8, v8  }
0x198: {  	v8 =	vor.u32 v58, v8;
	_ =	sdelay $0x1  }
0x199: {  	[tilespmem:$0x8BF0] =	vst v54  }
0x19a: {  	v62 =	vld [tilespmem:$0xB30];
	[tilespmem:$0x8F30] =	vst v7  }
0x19b: {  	v60 =	vsub.s32 v59, v0;
	v7 =	vld [tilespmem:$0xE60];
	[tilespmem:$0x9270] =	vst v9  }
0x19c: {  	v61 =	vand.u32 $0x7, v59;
	v9 =	vand.u32 $0xFFFFFFF8, v60;
	v8 =	vld.idx.msk [tilespmem:v8+s11+$0x0], $0xffff  }
0x19d: {  	v9 =	vor.u32 v61, v9;
	_ =	sdelay $0x1  }
0x19e: {  	[tilespmem:$0x8C00] =	vst v57  }
0x19f: {  	[tilespmem:$0x8F40] =	vst v7  }
0x1a0: {  	v7 =	vld [tilespmem:$0xE70];
	[tilespmem:$0x9280] =	vst v8;
	v8 =	vsub.s32 v62, v0  }
0x1a1: {  	v63 =	vand.u32 $0x7, v62;
	v9 =	vld.idx.msk [tilespmem:v9+s11+$0x0], $0xffff;
	v8 =	vand.u32 $0xFFFFFFF8, v8  }
0x1a2: {  	v8 =	vor.u32 v63, v8;
	_ =	sdelay $0x1  }
0x1a3: {  	[tilespmem:$0x8C10] =	vst v59  }
0x1a4: {  	[tilespmem:$0x8F50] =	vst v7  }
0x1a5: {  	v7 =	vld [tilespmem:$0xE80];
	[tilespmem:$0x9290] =	vst v9  }
0x1a6: {  	v8 =	vld.idx.msk [tilespmem:v8+s11+$0x0], $0xffff;
	_ =	sdelay $0x2  }
0x1a7: {  	[tilespmem:$0x8C20] =	vst v62  }
0x1a8: {  	[tilespmem:$0x8F60] =	vst v7  }
0x1a9: {  	s24 =	simm.s32 $0x8F70;
	[tilespmem:$0x92A0] =	vst v8  }
0x1aa: {  	[tilespmem:s14], [sflag:$0x1] =	stream.indirect.gather [hbm4b:s2+s12], $0x40, s24, s12, $0xb8;
	[tilespmem:$0xA2B0] =	vst v63  }
0x1ab: {  	_ =	swait.ge [sflag:s15], $0x1000  }
0x1ac: {  	[sflag:s15] =	ssyncset.done $0x0  }
0x1ad: {  	s25 =	simm.s32 $0x88F0;
	[sflag:s15] =	ssyncadd.s32 $0xFFFFF000  }
0x1ae: {  	[hbm4b:s3+s12] =	stream.indirect.scatter [tilespmem:s14], [sflag:$0x2], $0x40, s25, s12, $0xb8;
	[tilespmem:$0xA2B0] =	vst v63  }
0x1af: {  	_ =	swait.ge [sflag:s17], $0x1000  }
0x1b0: {  	[sflag:s17] =	ssyncset.done $0x0  }
0x1b1: {  	s26 =	simm.s32 $0x8C30;
	[sflag:s17] =	ssyncadd.s32 $0xFFFFF000  }
0x1b2: {  	[hbm4b:s6+s12] =	stream.indirect.scatter [tilespmem:s14], [sflag:$0x2], $0x40, s26, s12, $0xb8;
	[tilespmem:$0xA2B0] =	vst v63  }
0x1b3: {  	_ =	swait.ge [sflag:s17], $0x1000  }
0x1b4: {  	[sflag:s17] =	ssyncset.done $0x0  }
0x1b5: {  	s22 =	simm.s32 $0x8FB0;
	[sflag:s17] =	ssyncadd.s32 $0xFFFFF000  }
0x1b6: {  	[tilespmem:s14], [sflag:$0x1] =	stream.indirect.gather [hbm4b:s2+s12], $0x40, s22, s12, $0xb8;
	[tilespmem:$0xA2B0] =	vst v63  }
0x1b7: {  	_ =	swait.ge [sflag:s15], $0x1000  }
0x1b8: {  	[sflag:s15] =	ssyncset.done $0x0  }
0x1b9: {  	s23 =	simm.s32 $0x8930;
	[sflag:s15] =	ssyncadd.s32 $0xFFFFF000  }
0x1ba: {  	[hbm4b:s3+s12] =	stream.indirect.scatter [tilespmem:s14], [sflag:$0x2], $0x40, s23, s12, $0xb8;
	[tilespmem:$0xA2B0] =	vst v63  }
0x1bb: {  	_ =	swait.ge [sflag:s17], $0x1000  }
0x1bc: {  	[sflag:s17] =	ssyncset.done $0x0  }
0x1bd: {  	s24 =	simm.s32 $0x8C70;
	[sflag:s17] =	ssyncadd.s32 $0xFFFFF000  }
0x1be: {  	[hbm4b:s6+s12] =	stream.indirect.scatter [tilespmem:s14], [sflag:$0x2], $0x40, s24, s12, $0xb8;
	[tilespmem:$0xA2B0] =	vst v63  }
0x1bf: {  	_ =	swait.ge [sflag:s17], $0x1000  }
0x1c0: {  	[sflag:s17] =	ssyncset.done $0x0  }
0x1c1: {  	s25 =	simm.s32 $0x8FF0;
	[sflag:s17] =	ssyncadd.s32 $0xFFFFF000  }
0x1c2: {  	[tilespmem:s14], [sflag:$0x1] =	stream.indirect.gather [hbm4b:s2+s12], $0x40, s25, s12, $0xb8;
	[tilespmem:$0xA2B0] =	vst v63  }
0x1c3: {  	_ =	swait.ge [sflag:s15], $0x1000  }
0x1c4: {  	[sflag:s15] =	ssyncset.done $0x0  }
0x1c5: {  	s26 =	simm.s32 $0x8970;
	[sflag:s15] =	ssyncadd.s32 $0xFFFFF000  }
0x1c6: {  	[hbm4b:s3+s12] =	stream.indirect.scatter [tilespmem:s14], [sflag:$0x2], $0x40, s26, s12, $0xb8;
	[tilespmem:$0xA2B0] =	vst v63  }
0x1c7: {  	_ =	swait.ge [sflag:s17], $0x1000  }
0x1c8: {  	[sflag:s17] =	ssyncset.done $0x0  }
0x1c9: {  	s22 =	simm.s32 $0x8CB0;
	[sflag:s17] =	ssyncadd.s32 $0xFFFFF000  }
0x1ca: {  	[hbm4b:s6+s12] =	stream.indirect.scatter [tilespmem:s14], [sflag:$0x2], $0x40, s22, s12, $0xb8;
	[tilespmem:$0xA2B0] =	vst v63  }
0x1cb: {  	_ =	swait.ge [sflag:s17], $0x1000  }
0x1cc: {  	[sflag:s17] =	ssyncset.done $0x0  }
0x1cd: {  	s23 =	simm.s32 $0x9030;
	[sflag:s17] =	ssyncadd.s32 $0xFFFFF000  }
0x1ce: {  	[tilespmem:s14], [sflag:$0x1] =	stream.indirect.gather [hbm4b:s2+s12], $0x40, s23, s12, $0xb8;
	[tilespmem:$0xA2B0] =	vst v63  }
0x1cf: {  	_ =	swait.ge [sflag:s15], $0x1000  }
0x1d0: {  	[sflag:s15] =	ssyncset.done $0x0  }
0x1d1: {  	s24 =	simm.s32 $0x89B0;
	[sflag:s15] =	ssyncadd.s32 $0xFFFFF000  }
0x1d2: {  	[hbm4b:s3+s12] =	stream.indirect.scatter [tilespmem:s14], [sflag:$0x2], $0x40, s24, s12, $0xb8;
	[tilespmem:$0xA2B0] =	vst v63  }
0x1d3: {  	_ =	swait.ge [sflag:s17], $0x1000  }
0x1d4: {  	[sflag:s17] =	ssyncset.done $0x0  }
0x1d5: {  	s25 =	simm.s32 $0x8CF0;
	[sflag:s17] =	ssyncadd.s32 $0xFFFFF000  }
0x1d6: {  	[hbm4b:s6+s12] =	stream.indirect.scatter [tilespmem:s14], [sflag:$0x2], $0x40, s25, s12, $0xb8;
	[tilespmem:$0xA2B0] =	vst v63  }
0x1d7: {  	_ =	swait.ge [sflag:s17], $0x1000  }
0x1d8: {  	[sflag:s17] =	ssyncset.done $0x0  }
0x1d9: {  	s26 =	simm.s32 $0x9070;
	[sflag:s17] =	ssyncadd.s32 $0xFFFFF000  }
0x1da: {  	[tilespmem:s14], [sflag:$0x1] =	stream.indirect.gather [hbm4b:s2+s12], $0x40, s26, s12, $0xb8;
	[tilespmem:$0xA2B0] =	vst v63  }
0x1db: {  	_ =	swait.ge [sflag:s15], $0x1000  }
0x1dc: {  	[sflag:s15] =	ssyncset.done $0x0  }
0x1dd: {  	s22 =	simm.s32 $0x89F0;
	[sflag:s15] =	ssyncadd.s32 $0xFFFFF000  }
0x1de: {  	[hbm4b:s3+s12] =	stream.indirect.scatter [tilespmem:s14], [sflag:$0x2], $0x40, s22, s12, $0xb8;
	[tilespmem:$0xA2B0] =	vst v63  }
0x1df: {  	_ =	swait.ge [sflag:s17], $0x1000  }
0x1e0: {  	[sflag:s17] =	ssyncset.done $0x0  }
0x1e1: {  	s23 =	simm.s32 $0x8D30;
	[sflag:s17] =	ssyncadd.s32 $0xFFFFF000  }
0x1e2: {  	[hbm4b:s6+s12] =	stream.indirect.scatter [tilespmem:s14], [sflag:$0x2], $0x40, s23, s12, $0xb8;
	[tilespmem:$0xA2B0] =	vst v63  }
0x1e3: {  	_ =	swait.ge [sflag:s17], $0x1000  }
0x1e4: {  	[sflag:s17] =	ssyncset.done $0x0  }
0x1e5: {  	s24 =	simm.s32 $0x90B0;
	[sflag:s17] =	ssyncadd.s32 $0xFFFFF000  }
0x1e6: {  	[tilespmem:s14], [sflag:$0x1] =	stream.indirect.gather [hbm4b:s2+s12], $0x40, s24, s12, $0xb8;
	[tilespmem:$0xA2B0] =	vst v63  }
0x1e7: {  	_ =	swait.ge [sflag:s15], $0x1000  }
0x1e8: {  	[sflag:s15] =	ssyncset.done $0x0  }
0x1e9: {  	s25 =	simm.s32 $0x8A30;
	[sflag:s15] =	ssyncadd.s32 $0xFFFFF000  }
0x1ea: {  	[hbm4b:s3+s12] =	stream.indirect.scatter [tilespmem:s14], [sflag:$0x2], $0x40, s25, s12, $0xb8;
	[tilespmem:$0xA2B0] =	vst v63  }
0x1eb: {  	_ =	swait.ge [sflag:s17], $0x1000  }
0x1ec: {  	[sflag:s17] =	ssyncset.done $0x0  }
0x1ed: {  	s26 =	simm.s32 $0x8D70;
	[sflag:s17] =	ssyncadd.s32 $0xFFFFF000  }
0x1ee: {  	[hbm4b:s6+s12] =	stream.indirect.scatter [tilespmem:s14], [sflag:$0x2], $0x40, s26, s12, $0xb8;
	[tilespmem:$0xA2B0] =	vst v63  }
0x1ef: {  	_ =	swait.ge [sflag:s17], $0x1000  }
0x1f0: {  	[sflag:s17] =	ssyncset.done $0x0  }
0x1f1: {  	s22 =	simm.s32 $0x90F0;
	[sflag:s17] =	ssyncadd.s32 $0xFFFFF000  }
0x1f2: {  	[tilespmem:s14], [sflag:$0x1] =	stream.indirect.gather [hbm4b:s2+s12], $0x40, s22, s12, $0xb8;
	[tilespmem:$0xA2B0] =	vst v63  }
0x1f3: {  	_ =	swait.ge [sflag:s15], $0x1000  }
0x1f4: {  	[sflag:s15] =	ssyncset.done $0x0  }
0x1f5: {  	s23 =	simm.s32 $0x8A70;
	[sflag:s15] =	ssyncadd.s32 $0xFFFFF000  }
0x1f6: {  	[hbm4b:s3+s12] =	stream.indirect.scatter [tilespmem:s14], [sflag:$0x2], $0x40, s23, s12, $0xb8;
	[tilespmem:$0xA2B0] =	vst v63  }
0x1f7: {  	_ =	swait.ge [sflag:s17], $0x1000  }
0x1f8: {  	[sflag:s17] =	ssyncset.done $0x0  }
0x1f9: {  	s24 =	simm.s32 $0x8DB0;
	[sflag:s17] =	ssyncadd.s32 $0xFFFFF000  }
0x1fa: {  	[hbm4b:s6+s12] =	stream.indirect.scatter [tilespmem:s14], [sflag:$0x2], $0x40, s24, s12, $0xb8;
	[tilespmem:$0xA2B0] =	vst v63  }
0x1fb: {  	_ =	swait.ge [sflag:s17], $0x1000  }
0x1fc: {  	[sflag:s17] =	ssyncset.done $0x0  }
0x1fd: {  	s25 =	simm.s32 $0x9130;
	[sflag:s17] =	ssyncadd.s32 $0xFFFFF000  }
0x1fe: {  	[tilespmem:s14], [sflag:$0x1] =	stream.indirect.gather [hbm4b:s2+s12], $0x40, s25, s12, $0xb8;
	[tilespmem:$0xA2B0] =	vst v63  }
0x1ff: {  	_ =	swait.ge [sflag:s15], $0x1000  }
0x200: {  	[sflag:s15] =	ssyncset.done $0x0  }
0x201: {  	s26 =	simm.s32 $0x8AB0;
	[sflag:s15] =	ssyncadd.s32 $0xFFFFF000  }
0x202: {  	[hbm4b:s3+s12] =	stream.indirect.scatter [tilespmem:s14], [sflag:$0x2], $0x40, s26, s12, $0xb8;
	[tilespmem:$0xA2B0] =	vst v63  }
0x203: {  	_ =	swait.ge [sflag:s17], $0x1000  }
0x204: {  	[sflag:s17] =	ssyncset.done $0x0  }
0x205: {  	s22 =	simm.s32 $0x8DF0;
	[sflag:s17] =	ssyncadd.s32 $0xFFFFF000  }
0x206: {  	[hbm4b:s6+s12] =	stream.indirect.scatter [tilespmem:s14], [sflag:$0x2], $0x40, s22, s12, $0xb8;
	[tilespmem:$0xA2B0] =	vst v63  }
0x207: {  	_ =	swait.ge [sflag:s17], $0x1000  }
0x208: {  	[sflag:s17] =	ssyncset.done $0x0  }
0x209: {  	s23 =	simm.s32 $0x9170;
	[sflag:s17] =	ssyncadd.s32 $0xFFFFF000  }
0x20a: {  	[tilespmem:s14], [sflag:$0x1] =	stream.indirect.gather [hbm4b:s2+s12], $0x40, s23, s12, $0xb8;
	[tilespmem:$0xA2B0] =	vst v63  }
0x20b: {  	_ =	swait.ge [sflag:s15], $0x1000  }
0x20c: {  	[sflag:s15] =	ssyncset.done $0x0  }
0x20d: {  	s24 =	simm.s32 $0x8AF0;
	[sflag:s15] =	ssyncadd.s32 $0xFFFFF000  }
0x20e: {  	[hbm4b:s3+s12] =	stream.indirect.scatter [tilespmem:s14], [sflag:$0x2], $0x40, s24, s12, $0xb8;
	[tilespmem:$0xA2B0] =	vst v63  }
0x20f: {  	_ =	swait.ge [sflag:s17], $0x1000  }
0x210: {  	[sflag:s17] =	ssyncset.done $0x0  }
0x211: {  	s25 =	simm.s32 $0x8E30;
	[sflag:s17] =	ssyncadd.s32 $0xFFFFF000  }
0x212: {  	[hbm4b:s6+s12] =	stream.indirect.scatter [tilespmem:s14], [sflag:$0x2], $0x40, s25, s12, $0xb8;
	[tilespmem:$0xA2B0] =	vst v63  }
0x213: {  	_ =	swait.ge [sflag:s17], $0x1000  }
0x214: {  	[sflag:s17] =	ssyncset.done $0x0  }
0x215: {  	s26 =	simm.s32 $0x91B0;
	[sflag:s17] =	ssyncadd.s32 $0xFFFFF000  }
0x216: {  	[tilespmem:s14], [sflag:$0x1] =	stream.indirect.gather [hbm4b:s2+s12], $0x40, s26, s12, $0xb8;
	[tilespmem:$0xA2B0] =	vst v63  }
0x217: {  	_ =	swait.ge [sflag:s15], $0x1000  }
0x218: {  	[sflag:s15] =	ssyncset.done $0x0  }
0x219: {  	[sflag:s15] =	ssyncadd.s32 $0xFFFFF000  }
0x21a: {  	[hbm4b:s3+s12] =	stream.indirect.scatter [tilespmem:s14], [sflag:$0x2], $0x40, s28, s12, $0xb8;
	[tilespmem:$0xA2B0] =	vst v63  }
0x21b: {  	_ =	swait.ge [sflag:s17], $0x1000  }
0x21c: {  	[sflag:s17] =	ssyncset.done $0x0  }
0x21d: {  	[sflag:s17] =	ssyncadd.s32 $0xFFFFF000  }
0x21e: {  	[hbm4b:s6+s12] =	stream.indirect.scatter [tilespmem:s14], [sflag:$0x2], $0x40, s29, s12, $0xb8;
	[tilespmem:$0xA2B0] =	vst v63  }
0x21f: {  	_ =	swait.ge [sflag:s17], $0x1000  }
0x220: {  	[sflag:s17] =	ssyncset.done $0x0  }
0x221: {  	[sflag:s17] =	ssyncadd.s32 $0xFFFFF000  }
0x222: {  	[tilespmem:s14], [sflag:$0x1] =	stream.indirect.gather [hbm4b:s2+s12], $0x40, s30, s12, $0xb8;
	[tilespmem:$0xA2B0] =	vst v63  }
0x223: {  	_ =	swait.ge [sflag:s15], $0x1000  }
0x224: {  	[sflag:s15] =	ssyncset.done $0x0  }
0x225: {  	[sflag:s15] =	ssyncadd.s32 $0xFFFFF000  }
0x226: {  	[hbm4b:s3+s12] =	stream.indirect.scatter [tilespmem:s14], [sflag:$0x2], $0x40, s31, s12, $0xb8;
	[tilespmem:$0xA2B0] =	vst v63  }
0x227: {  	_ =	swait.ge [sflag:s17], $0x1000  }
0x228: {  	[sflag:s17] =	ssyncset.done $0x0  }
0x229: {  	[sflag:s17] =	ssyncadd.s32 $0xFFFFF000  }
0x22a: {  	[hbm4b:s6+s12] =	stream.indirect.scatter [tilespmem:s14], [sflag:$0x2], $0x40, s4, s12, $0xb8;
	[tilespmem:$0xA2B0] =	vst v63  }
0x22b: {  	_ =	swait.ge [sflag:s17], $0x1000  }
0x22c: {  	[sflag:s17] =	ssyncset.done $0x0  }
0x22d: {  	[sflag:s17] =	ssyncadd.s32 $0xFFFFF000  }
0x22e: {  	[tilespmem:s14], [sflag:$0x1] =	stream.indirect.gather [hbm4b:s2+s12], $0x40, s0, s12, $0xb8;
	[tilespmem:$0xA2B0] =	vst v63  }
0x22f: {  	_ =	swait.ge [sflag:s15], $0x1000  }
0x230: {  	[sflag:s15] =	ssyncset.done $0x0  }
0x231: {  	[sflag:s15] =	ssyncadd.s32 $0xFFFFF000  }
0x232: {  	[hbm4b:s3+s12] =	stream.indirect.scatter [tilespmem:s14], [sflag:$0x2], $0x40, s13, s12, $0xb8;
	[tilespmem:$0xA2B0] =	vst v63  }
0x233: {  	_ =	swait.ge [sflag:s17], $0x1000  }
0x234: {  	[sflag:s17] =	ssyncset.done $0x0  }
0x235: {  	[sflag:s17] =	ssyncadd.s32 $0xFFFFF000  }
0x236: {  	[hbm4b:s6+s12] =	stream.indirect.scatter [tilespmem:s14], [sflag:$0x2], $0x40, s16, s12, $0xb8;
	[tilespmem:$0xA2B0] =	vst v63  }
0x237: {  	_ =	swait.ge [sflag:s17], $0x1000  }
0x238: {  	[sflag:s17] =	ssyncset.done $0x0  }
0x239: {  	[sflag:s17] =	ssyncadd.s32 $0xFFFFF000  }
0x23a: {  	[tilespmem:s14], [sflag:$0x1] =	stream.indirect.gather [hbm4b:s2+s12], $0x40, s18, s12, $0xb8;
	[tilespmem:$0xA2B0] =	vst v63  }
0x23b: {  	_ =	swait.ge [sflag:s15], $0x1000  }
0x23c: {  	[sflag:s15] =	ssyncset.done $0x0  }
0x23d: {  	[sflag:s15] =	ssyncadd.s32 $0xFFFFF000  }
0x23e: {  	[hbm4b:s3+s12] =	stream.indirect.scatter [tilespmem:s14], [sflag:$0x2], $0x40, s19, s12, $0xb8;
	[tilespmem:$0xA2B0] =	vst v63  }
0x23f: {  	_ =	swait.ge [sflag:s17], $0x1000  }
0x240: {  	[sflag:s17] =	ssyncset.done $0x0  }
.Ltmp7:
0x241: {  	[sflag:s17] =	ssyncadd.s32 $0xFFFFF000;
	(pc) =	sbr.rel .LBB2_11-.Ltmp7, $4  }
0x242: {  	[hbm4b:s6+s12] =	stream.indirect.scatter [tilespmem:s14], [sflag:$0x2], $0x40, s20, s12, $0xb8;
	[tilespmem:$0xA2B0] =	vst v63  }
0x243: {  	_ =	swait.ge [sflag:s17], $0x1000  }
0x244: {  	[sflag:s17] =	ssyncset.done $0x0  }
0x245: {  	[sflag:s17] =	ssyncadd.s32 $0xFFFFF000  }
.LBB2_12:
0x246: {  	_ =	sfence.sel $0x180000  }
0x247: {  	[bflag:$0x0] =	sbarrier.arrive $0xFFFF  }
0x248: {  	_ =	strace $0x90000047  }
0x249: {  	s0 =	stileid.u32;
	[bflag:$0x2] =	sbarrier.arrive $0xFFFF  }
0x24a: {  	p0 =	sne.s32 s0, $0x0;
	s0 =	rddreg [dreg:$0x4]  }
0x24b: {  	s0 =	sadd.s32 @!p0 $0x100000, s0  }
0x24c: {  	[sflag:s0] =	ssyncadd.tile.s32 @!p0 $0x1;
	_ =	shalt  }
.Lfunc_end2:
_tile_overlayer_lowered:
.L_overlay_start_2:
0x24d: {  	(tag) =	ssettag $0x2  }
0x24e: {  	s0 =	rddreg [dreg:$0x0];
	s2 =	stileid.u32  }
0x24f: {  	s1 =	rddreg [dreg:$0x1];
	p0 =	sne.s32 s2, $0x0  }
0x250: {  	s3 =	rddreg [dreg:$0x2];
	[bflag:$0x3] =	sbarrier.arrive $0xFFFF;
	s2 =	simm.s32 @!p0 $0x1C03  }
0x251: {  	[timem:s3], [sflag:s2] =	dma.local @!p0 [hbm:s0], s1  }
0x252: {  	s0 =	simm.s32 @!p0 $0x3  }
0x253: {  	_ =	swait.ge @!p0 [sflag:s0], s1  }
0x254: {  	s1 =	ssub.s32 @!p0 $0x0, s1;
	[sflag:s0] =	ssyncset.done @!p0 $0x0  }
0x255: {  	[sflag:s0] =	ssyncadd.s32 @!p0 s1  }
0x256: {  	[bflag:$0x3] =	sbarrier.arrive $0xFFFF  }
0x257: {  	_ =	shalt  }

// kernel: sparse-core-data-format-call.cloned.1.call-start
scs
called_computation_lowered:
.L_overlay_start_0:
0x0: {  	s2 =	sld [smem:$0x3FD9]  }
0x1: {  	s3 =	sld [smem:$0x3FFE];
	_ =	sdelay $0x1  }
0x2: {  	s1 =	srdreg.scid  }
0x3: {  	s0 =	sand.u32 $0x1, s1  }
0x4: {  	s15 =	sshll.u32 s0, $0xA;
	s2 =	sadd.s32 s3, s2  }
0x5: {  	s2 =	sadd.s32 s2, s15  }
0x6: {  	[smem:$0x3FC5] =	sst s2  }
0x7: {  	_ = 	snop  }
0x8: {  	s2 =	sld [smem:$0x3FD0];
	_ =	sdelay $0x2  }
0x9: {  	s16 =	simm.s32 $0xA;
	s4 =	simm.s32 $0x10  }
0xa: {  	[smem:s4], [sflag:s16] =	dma.local [hbm:s2], $0x1  }
0xb: {  	_ =	swait.eq [sflag:s16], $0x1  }
0xc: {  	[sflag:s16] =	ssyncset.done $0x0  }
0xd: {  	[sflag:s16] =	ssyncadd.s32 $0xFFFFFFFF  }
0xe: {  	s17 =	sld [smem:$0x10];
	(tm) =	ssettm $0x1  }
0xf: {  	s18 =	sld [smem:$0x3FFB];
	_ =	sdelay $0x3  }
0x10: {  	_ =	strace s18  }
0x11: {  	s3 =	sld [smem:$0x3FFC];
	_ =	sdelay $0x3  }
0x12: {  	_ =	strace s3  }
0x13: {  	s3 =	sld [smem:$0x3FFD];
	_ =	sdelay $0x3  }
0x14: {  	_ =	strace s3  }
0x15: {  	_ =	strace $0x8FFFFFFF  }
0x16: {  	s19 =	sld [smem:$0x3FDB];
	_ =	sdelay $0x1  }
0x17: {  	s20 =	simm.s32 $_scs_section_size  }
0x18: {  	s5 =	simm.s32 $_size__tile_overlayer_lowered;
	s6 =	simm.s32 $_tile_overlayer_lowered  }
0x19: {  	s23 =	simm.s32 $0x1BFF;
	s22 =	sshll.u32 s6, $0x1;
	s3 =	sadd.s32 s20, s19  }
0x1a: {  	s7 =	simm.s32 $0x0;
	s21 =	sshll.u32 s5, $0x1;
	s5 =	sadd.s32 s22, s3  }
0x1b: {  	[timem:s7], [sflag:s23] =	dma.local [hbm:s5], s21  }
0x1c: {  	_ =	swait.ge [sflag:s23], s21  }
0x1d: {  	s4 =	ssub.s32 $0x0, s21;
	[sflag:s23] =	ssyncset.done $0x0  }
0x1e: {  	[sflag:s23] =	ssyncadd.s32 s4;
	_ =	sdelay $0x1  }
0x1f: {  	s24 =	simm.s32 $0x1B8B  }
0x20: {  	_ =	swait.ge [sflag:s24], $0x1  }
0x21: {  	[sflag:s24] =	ssyncset.done $0x0  }
0x22: {  	s26 =	simm.s32 $0x1B8E;
	s25 =	sld [smem:$0x3FFE];
	[sflag:s24] =	ssyncadd.s32 $0xFFFFFFFF  }
0x23: {  	s27 =	simm.s32 $execute0_lowered;
	[smem:$0x3FD2] =	sst s26  }
0x24: {  	s5 =	sshll.u32 s27, $0x1;
	_ =	strace $0x80000049;
	[dreg:$0x1] =	wrdreg $0xFFFFFFFF  }
0x25: {  	s28 =	simm.s32 $_size_execute0_lowered;
	s3 =	sadd.s32 s3, s5;
	[dreg:$0x0] =	wrdreg $0x0  }
0x26: {  	s5 =	sshll.u32 s28, $0x1;
	[dreg:$0x2] =	wrdreg s3  }
0x27: {  	[dreg:$0x3] =	wrdreg s5  }
0x28: {  	[dreg:$0x4] =	wrdreg $0xC0  }
0x29: {  	_ =	task [dreg:s7], $0x5FFFF  }
0x2a: {  	[dreg:$0x1] =	wrdreg $0xFFFFFFFF  }
0x2b: {  	[dreg:$0x0] =	wrdreg $0x60  }
0x2c: {  	[dreg:$0x2] =	wrdreg s25  }
0x2d: {  	[dreg:$0x3] =	wrdreg s17  }
0x2e: {  	[dreg:$0x4] =	wrdreg $0x9  }
0x2f: {  	_ =	task.clear_ibuf [dreg:s7], $0x5FFFF;
	_ =	strace $0x90000049  }
0x30: {  	s29 =	simm.s32 $0x9;
	_ =	strace $0x8000004B  }
0x31: {  	_ =	swait.ge [sflag:s29], $0x1  }
0x32: {  	[sflag:s29] =	ssyncadd.s32 $0xFFFFFFFF  }
0x33: {  	_ =	strace $0x9000004B  }
0x34: {  	_ =	sfence  }
0x35: {  	s30 =	sld [smem:$0x0];
	_ =	sdelay $0x2  }
0x36: {  	s31 =	sshll.u32 s1, $0xD;
	s1 =	sshrl.u32 s1, $0x2  }
0x37: {  	s3 =	sand.u32 $0x4000, s31;
	s1 =	sadd.s32 s1, s30  }
0x38: {  	s0 =	sor.u32 s3, s0;
	s1 =	sshll.u32 s1, $0x11  }
0x39: {  	s0 =	sor.u32 s1, s0  }
0x3a: {  	s0 =	sadd.s32 $0x8F2B, s0  }
0x3b: {  	[sflag:s0] =	ssyncadd.remote.s32 $0x1  }
0x3c: {  	_ =	sfence.sel $0xFFFF  }
0x3d: {  	[dreg:$0x0] =	wrdreg $0xFFFFFFFF;
	(pc) =	sbr.abs _section_cstart, $3  }
0x3e: {  	[dreg:$0x1] =	wrdreg $0xFFFFFFFF  }
0x3f: {  	_ =	task.clear_ibuf [dreg:s7], $0x2FFFF;
	_ =	strace $0x9FFFFFFF  }
0x40: {  	(tm) =	ssettm $0x7FFFFFFF  }
0x41: {  	_ =	shalt  }
tec
execute0_lowered:
.L_overlay_start_1:
0x0: {  	(tag) =	ssettag $0x1  }
0x1: {  	s4 =	rddreg [dreg:$0x0]  }
0x2: {  	s0 =	srdreg.scid;
	s2 =	rddreg [dreg:$0x1]  }
0x3: {  	s1 =	stileid.u32;
	s5 =	simm.s32 $0x1;
	s0 =	sshll.u32 s0, $0x4  }
0x4: {  	s7 =	simm.s32 $0x2;
	s11 =	simm.s32 $0x0;
	s3 =	sand.u32 $0x10, s0  }
.Ltmp0:
0x5: {  	p0 =	por $0x0, $0x0;
	s3 =	sor.u32 s1, s3;
	(pc) =	sbr.rel .LBB1_1-.Ltmp0, $4  }
0x6: {  	s8 =	simm.s32 $0x7A1400;
	s10 =	simm.s32 $0x0;
	s3 =	sshll.u32 s3, $0x7  }
0x7: {  	s0 =	rddreg [dreg:$0x2];
	_ =	strace $0x8000004A;
	s6 =	ssub.s32 $0xF4200, s3  }
0x8: {  	s4 =	sadd.s32 $0x20E00, s4;
	[sflag:s5] =	ssyncpa.u1 $0x0;
	s6 =	sshrl.u32 s6, $0xC  }
0x9: {  	[sflag:s7] =	ssyncpa.u1 $0x0;
	s9 =	smov.u32 s3;
	s7 =	sadd.s32 $0x2, s6  }
.LBB1_5:
0xa: {  	s13 =	sadd.s32 $0x1000, s9  }
0xb: {  	p2 =	sgt.s32 s13, $0xF423F  }
0xc: {  	s13 =	smov.u32 @p2 s3;
	p2 =	sne.s32 s10, s7  }
.Ltmp1:
0xd: {  	p1 =	slt.u32 s10, $0x2;
	(pc) =	sbr.rel @!p2 .LBB1_6-.Ltmp1, $4  }
0xe: {  	s12 =	simm.s32 @!p1 $0x2  }
0xf: {  	s14 =	sadd.s32 $0x1, s10;
	_ =	swait.ge @!p1 [sflag:s12], $0x2000  }
0x10: {  	s11 =	smov.u32 s9;
	p0 =	por !p0, !p0;
	[sflag:s12] =	ssyncset.done @!p1 $0x0  }
0x11: {  	s10 =	smov.u32 s14;
	s9 =	smov.u32 s13;
	[sflag:s12] =	ssyncadd.s32 @!p1 $0xFFFFE000  }
.LBB1_1:
0x12: {  	p1 =	sgt.u32 s10, s6  }
0x13: {  	s13 =	smov.u32 s9;
	p2 =	sgt.s32 @!p1 s9, $0xF41C0  }
0x14: {  	s12 =	sand.u32 @!p1 $0x1FFFFFF, s9;
	s14 =	sshra.s32 @!p1 s9, $0x1F;
	p2 =	por !p2, p1  }
0x15: {  	s15 =	smulhi.u32 @!p1 $0x218DEF5, s12;
	s14 =	sand.u32 @!p1 s14, s9;
	s13 =	simm.s32 @p2 $0xF41C0  }
0x16: {  	s13 =	ssub.s32 @!p1 s13, s14  }
0x17: {  	s14 =	sshrl.u32 @!p1 s15, $0xD;
	s13 =	sadd.s32 @!p1 $0xFFF0BE40, s13  }
0x18: {  	s15 =	sxor.u32 @!p1 $0xFFFFFFFF, s10;
	s14 =	smul.u32 @!p1 $0xF4240, s14;
	s16 =	sshll.u32 @!p1 s13, $0x8  }
0x19: {  	s15 =	sshll.u32 @!p1 s15, $0xD;
	p2 =	sgt.s32 @!p1 s13, $0x7F;
	s13 =	ssub.s32 @!p1 $0x8000, s16  }
0x1a: {  	s12 =	ssub.s32 @!p1 s12, s14;
	p2 =	por !p2, p1;
	s14 =	sand.u32 @!p1 $0x2000, s15  }
0x1b: {  	s15 =	simm.s32 @!p1 $0x40;
	s13 =	sshrl.u32 @!p1 s13, $0x2;
	s12 =	sshll.u32 @!p1 s12, $0x4  }
0x1c: {  	s16 =	simm.s32 @!p1 $0x80;
	s13 =	simm.s32 @!p2 $0x0;
	s12 =	sadd.s32 @!p1 s4, s12  }
0x1d: {  	[tilespmem:s14], [sflag:$0x1] =	stream.strided.gather @!p1 [hbm4b:s12+s15], s13, s16, s15, $0x38;
	[tilespmem:$0x8080] =	vst v63  }
0x1e: {  	p1 =	seq.s32 s10, $0x0  }
0x1f: {  	p2 =	sge.u32 @!p1 s10, s7  }
0x20: {  	p1 =	por p1, p2  }
.Ltmp2:
0x21: {  	_ = 	snop;
	(pc) =	sbr.rel @p1 .LBB1_5-.Ltmp2, $1  }
0x22: {  	_ =	sdelay $0x3  }
0x23: {  	p1 =	sgt.s32 s11, $0xF41C0;
	s12 =	smov.u32 s11;
	s13 =	sshra.s32 s11, $0x1F  }
0x24: {  	s12 =	simm.s32 @!p1 $0xF41C0;
	s13 =	sand.u32 s13, s11  }
0x25: {  	s12 =	ssub.s32 s12, s13  }
0x26: {  	s12 =	sadd.s32 $0xFFF0BE40, s12  }
0x27: {  	s28 =	sshll.u32 s12, $0x8  }
0x28: {  	s13 =	ssub.s32 $0x8000, s28  }
0x29: {  	p1 =	sgt.s32 s12, $0x7F;
	s12 =	sshrl.u32 s13, $0x2  }
0x2a: {  	s13 =	simm.s32 $0x1;
	s12 =	simm.s32 @p1 $0x0  }
0x2b: {  	s13 =	simm.s32 @!p0 $0x0;
	_ =	swait.ge [sflag:s5], s12  }
0x2c: {  	s14 =	sshll.u32 s13, $0xD;
	s12 =	ssub.s32 $0x0, s12;
	[sflag:s5] =	ssyncset.done $0x0  }
0x2d: {  	s16 =	sor.u32 $0x20, s14;
	[sflag:s5] =	ssyncadd.s32 s12  }
0x2e: {  	s29 =	smul.u32 $0x8100, s13;
	v3 =	vld [tilespmem:s16+$0x10]  }
0x2f: {  	s30 =	sand.u32 $0x1, s10;
	v2 =	vld [tilespmem:s16+$0xFFFFFFF0]  }
0x30: {  	s13 =	smul.u32 $0x8100, s30;
	s12 =	sshrl.u32 s29, $0x2;
	v0 =	vld [tilespmem:s16+$0x0]  }
0x31: {  	s14 =	sor.u32 $0x4000, s12;
	v1 =	vld [tilespmem:s16+$0xFFFFFFE0]  }
0x32: {  	s31 =	sshrl.u32 s13, $0x2;
	s13 =	sadd.s32 $0x0, s14  }
0x33: {  	s15 =	simm.s32 $0x4;
	s12 =	sor.u32 $0x4000, s31;
	s16 =	sadd.s32 $0x40, s16;
	[tilespmem:s13+$0x1830 ss:$0x81] =	vst.msk $0xffff, v3  }
.LBB1_3:
0x34: {  	v3 =	vld [tilespmem:s16+$0x10];
	p1 =	sne.s32 s15, $0x1FC;
	[tilespmem:s13+$0x810 ss:$0x81] =	vst.msk $0xffff, v2;
	s17 =	smov.u32 s15;
	s15 =	sadd.s32 $0x4, s15  }
.Ltmp3:
0x35: {  	v2 =	vld [tilespmem:s16+$0xFFFFFFF0];
	[tilespmem:s13+$0x1020 ss:$0x81] =	vst.msk $0xffff, v0;
	(pc) =	sbr.rel @p1 .LBB1_3-.Ltmp3, $4  }
0x36: {  	v0 =	vld [tilespmem:s16+$0x0];
	[tilespmem:s13+$0x0 ss:$0x81] =	vst.msk $0xffff, v1  }
0x37: {  	s13 =	sshra.s32 s17, $0x2;
	v1 =	vld [tilespmem:s16+$0xFFFFFFE0]  }
0x38: {  	s13 =	sadd.s32 s13, s14  }
0x39: {  	s16 =	sadd.s32 $0x40, s16;
	[tilespmem:s13+$0x1830 ss:$0x81] =	vst.msk $0xffff, v3  }
0x3a: {  	s14 =	sshll.u32 s11, $0x3  }
0x3b: {  	s30 =	sand.u32 $0x7F, s11;
	s14 =	sand.u32 $0xFFFFFC00, s14  }
0x3c: {  	s11 =	sor.u32 s30, s14  }
0x3d: {  	s15 =	smulhi.u32 $0x218D6287, s11;
	_ =	sdelay $0x1  }
0x3e: {  	s14 =	smulhi.u32 $0x218D6287, s14;
	s15 =	sshrl.u32 s15, $0x11  }
0x3f: {  	s15 =	smul.u32 $0xF4280, s15  }
0x40: {  	s14 =	sshrl.u32 s14, $0x11  }
.Ltmp4:
0x41: {  	s14 =	sand.u32 $0x3F, s14;
	s11 =	ssub.s32 s11, s15;
	(pc) =	sbr.rel .LBB1_5-.Ltmp4, $4  }
0x42: {  	[tilespmem:s13+$0x810 ss:$0x81] =	vst.msk $0xffff, v2;
	s14 =	smul.u32 $0x1E850, s14;
	s15 =	sshrl.u32 s11, $0x3;
	s11 =	sand.u32 $0x7, s11  }
0x43: {  	[tilespmem:s13+$0x1020 ss:$0x81] =	vst.msk $0xffff, v0;
	s15 =	sadd.s32 s2, s15;
	s11 =	sshll.u32 s11, $0x12  }
0x44: {  	[tilespmem:s13+$0x0 ss:$0x81] =	vst.msk $0xffff, v1;
	s31 =	sadd.s32 s14, s15;
	s11 =	sor.u32 $0x400, s11  }
0x45: {  	[hbm4b:s31+s11] =	stream.strided.scatter [tilespmem:s12], [sflag:$0x2], $0x2000, s8, s11, $0x20;
	[tilespmem:$0x8080] =	vst v63  }
.LBB1_6:
0x46: {  	_ =	sfence.sel $0x180000  }
0x47: {  	s2 =	simm.s32 $0x1;
	[bflag:$0x0] =	sbarrier.arrive $0xFFFF  }
0x48: {  	s31 =	simm.s32 $0x2;
	[sflag:s2] =	ssyncpa.u1 $0x1  }
0x49: {  	[sflag:s31] =	ssyncpa.u1 $0x1  }
0x4a: {  	p0 =	sne.s32 s1, $0x0;
	_ =	strace $0x9000004A  }
0x4b: {  	s0 =	sadd.s32 @!p0 $0x100000, s0;
	[bflag:$0x2] =	sbarrier.arrive $0xFFFF  }
0x4c: {  	[sflag:s0] =	ssyncadd.tile.s32 @!p0 $0x1;
	_ =	shalt  }
.Lfunc_end1:
_tile_overlayer_lowered:
.L_overlay_start_2:
0x4d: {  	(tag) =	ssettag $0x2  }
0x4e: {  	s0 =	rddreg [dreg:$0x0];
	s2 =	stileid.u32  }
0x4f: {  	s1 =	rddreg [dreg:$0x1];
	p0 =	sne.s32 s2, $0x0  }
0x50: {  	s3 =	rddreg [dreg:$0x2];
	[bflag:$0x3] =	sbarrier.arrive $0xFFFF;
	s2 =	simm.s32 @!p0 $0x1C01  }
0x51: {  	[timem:s3], [sflag:s2] =	dma.local @!p0 [hbm:s0], s1  }
0x52: {  	s0 =	simm.s32 @!p0 $0x1  }
0x53: {  	_ =	swait.ge @!p0 [sflag:s0], s1  }
0x54: {  	s1 =	ssub.s32 @!p0 $0x0, s1;
	[sflag:s0] =	ssyncset.done @!p0 $0x0  }
0x55: {  	[sflag:s0] =	ssyncadd.s32 @!p0 s1  }
0x56: {  	[bflag:$0x3] =	sbarrier.arrive $0xFFFF  }
0x57: {  	_ =	shalt  }

</sc_bundles>
